<compile_context>
chip_gen: v7x
topology: tpu7x:2x2x1
jax: 0.10.2.dev20260603
libtpu: 0.0.44.dev20260713+nightly
codegen_flags: <defaults>
</compile_context>

<pallas_src>
import functools
import math

import jax
import jax.numpy as jnp
from jax import lax
from jax.experimental import pallas as pl
from jax.experimental.pallas import tpu as pltpu
from jax.experimental.pallas import tpu_sc as plsc

EMB = 64
SCALE = math.sqrt(EMB)
LANES = 16
NBUF = 3
WIDE = 2 * EMB


@functools.cache
def _build(BATCH, SEQ, V):
    info = plsc.get_sparse_core_info()
    NC, NS = info.num_cores, info.num_subcores
    NW = NC * NS
    rows_w = BATCH // NW
    toks_w = rows_w * SEQ
    n_chunks = rows_w
    assert BATCH % NW == 0
    assert n_chunks % NBUF == 2 and n_chunks >= 2 * NBUF, n_chunks
    GA, GB = 128, SEQ - 128
    assert 0 < GB <= 128 and SEQ % 8 == 0

    mesh = plsc.VectorSubcoreMesh(core_axis_name="c", subcore_axis_name="s")

    @functools.partial(
        pl.kernel,
        mesh=mesh,
        out_type=jax.ShapeDtypeStruct((BATCH, SEQ, WIDE), jnp.float32),
        scratch_types=[
            pltpu.VMEM((toks_w,), jnp.int32),
            pltpu.VMEM((NBUF, SEQ, EMB), jnp.float32),
            pltpu.SemaphoreType.DMA((NBUF,)),
            pltpu.SemaphoreType.DMA((NBUF,)),
        ],
        compiler_params=pltpu.CompilerParams(use_tc_tiling_on_sc=False),
    )
    def emb_kernel(tokens_hbm, table_hbm, out_hbm, idx_all, rows_v, gsem, ssem):
        wid = lax.axis_index("s") * NC + lax.axis_index("c")
        brow0 = wid * rows_w

        pltpu.sync_copy(tokens_hbm.at[pl.ds(wid * toks_w, toks_w)], idx_all)

        def fire(g, b):
            f0 = g * SEQ
            pltpu.async_copy(
                table_hbm.at[idx_all.at[pl.ds(f0, GA)]],
                rows_v.at[b, pl.ds(0, GA)],
                gsem.at[b],
            )
            pltpu.async_copy(
                table_hbm.at[idx_all.at[pl.ds(f0 + GA, GB)]],
                rows_v.at[b, pl.ds(GA, GB)],
                gsem.at[b],
            )

        def wait_gather(b):
            pltpu.make_async_copy(
                table_hbm.at[pl.ds(0, SEQ)], rows_v.at[b], gsem.at[b]
            ).wait()

        def store(g, b):
            pltpu.async_copy(
                rows_v.at[b],
                out_hbm.at[brow0 + g, :, pl.ds(0, EMB)],
                ssem.at[b],
            )

        def wait_store(b):
            pltpu.make_async_copy(
                out_hbm.at[0, :, pl.ds(0, EMB)], rows_v.at[b], ssem.at[b]
            ).wait()

        def scale(b):
            rows_b = rows_v.at[b]

            @plsc.parallel_loop(0, SEQ, step=1, unroll=8)
            def _(n):
                for c in range(EMB // LANES):
                    sl = pl.ds(c * LANES, LANES)
                    rows_b[n, sl] = rows_b[n, sl] * SCALE

        def step(g, b, do_wait_store, do_fire):
            b2 = (b + 2) % NBUF
            wait_gather(b)
            scale(b)
            store(g, b)
            if do_fire:
                if do_wait_store:
                    wait_store(b2)
                fire(g + 2, b2)

        fire(0, 0)
        fire(1, 1)
        step(0, 0, False, True)
        step(1, 1, True, True)
        step(2, 2, True, True)

        def body(p, carry):
            g0 = NBUF * p
            for b in range(NBUF):
                step(g0 + b, b, True, True)
            return carry

        lax.fori_loop(1, n_chunks // NBUF, body, 0)

        step(n_chunks - 2, 0, False, False)
        step(n_chunks - 1, 1, False, False)
        wait_store(2)
        wait_store(0)
        wait_store(1)

    return emb_kernel


def kernel(tokens, table):
    BATCH, SEQ = tokens.shape
    V = table.shape[0]
    tokens_flat = tokens.reshape(BATCH * SEQ)
    out = _build(BATCH, SEQ, V)(tokens_flat, table)
    return out[:, :, :EMB]

# --- scband reference (transcript-rebuilt; emitter-appended) ---
"""Pipeline reference for scband-token-embedding-8126078124092 (READ-ONLY COPY).

The authoritative reference and input builder live on the scoring server;
editing this copy changes nothing except your own understanding.
"""

import math
import jax, jax.numpy as jnp
import numpy as np

VOCAB = 1000000
EMB = 64

def setup_inputs(seed: int = 0) -> dict:
    key = jax.random.key(seed)
    k1, k2 = jax.random.split(key)
    tokens = jax.random.randint(k1, (4096, 200), 0, VOCAB, dtype=jnp.int64 if jax.config.jax_enable_x64 else jnp.int32)
    table = jax.random.normal(k2, (VOCAB, EMB), dtype=jnp.float32) * 0.02
    return {"tokens": tokens, "table": table}

def reference(tokens, table):
    # embedding lookup scaled by sqrt(emb_size)
    emb = jnp.take(table, tokens, axis=0)
    return emb * math.sqrt(EMB)

if __name__ == "__main__":
    import jax
    _d = setup_inputs()
    print(jax.jit(kernel)(*tuple(_d.values())))

</pallas_src>

<mosaic_0001>
#map = affine_map<(d0, d1) -> (0)>
#map1 = affine_map<(d0, d1) -> (0, 0)>
#map2 = affine_map<(d0, d1) -> (0, 0, 0)>
module attributes {stable_mosaic.version = 14 : i64} {
  func.func @emb_kernel(%arg0: i32, %arg1: i32, %arg2: memref<819200xi32, #tpu.memory_space<hbm>>, %arg3: memref<1000000x64xf32, #tpu.memory_space<hbm>>, %arg4: memref<4096x200x128xf32, #tpu.memory_space<hbm>>, %arg5: memref<25600xi32, #tpu.memory_space<vmem>>, %arg6: memref<3x200x64xf32, #tpu.memory_space<vmem>>, %arg7: memref<3x!tpu.dma_semaphore, #tpu.memory_space<semaphore_mem>>, %arg8: memref<3x!tpu.dma_semaphore, #tpu.memory_space<semaphore_mem>>) attributes {dimension_semantics = [#tpu.dimension_semantics<core_parallel>, #tpu.dimension_semantics<subcore_parallel>], iteration_bounds = array<i64: 2, 16>, scalar_prefetch = 0 : i64, scratch_operands = 4 : i64, tpu.core_type = #tpu.core_type<sc_vector_subcore>, window_params = [{transform_indices = #map}, {transform_indices = #map1}, {transform_indices = #map2}]} {
    %mul3A = arith.constant 2 : i32
    %mul3A_0 = arith.muli %arg1, %mul3A : i32
    %add3A = arith.addi %mul3A_0, %arg0 : i32
    %mul3A_1 = arith.constant 128 : i32
    %mul3A_2 = arith.muli %add3A, %mul3A_1 : i32
    %mul3A_3 = arith.constant 25600 : i32
    %mul3A_4 = arith.muli %add3A, %mul3A_3 : i32
    "tpu.region"() ({
      %run_scoped3A = tpu.sem_alloc : memref<!tpu.dma_semaphore, #tpu.memory_space<semaphore_mem>>
      %dma_start3A_462 = tpu.memref_slice %arg2[%mul3A_4] : memref<819200xi32, #tpu.memory_space<hbm>> -> memref<25600xi32, #tpu.memory_space<hbm>>
      %dma_start3A_463 = tpu.memref_slice %arg2[%mul3A_4] : memref<819200xi32, #tpu.memory_space<hbm>> -> memref<25600xi32, #tpu.memory_space<hbm>>
      tpu.enqueue_dma source(%dma_start3A_463 : memref<25600xi32, #tpu.memory_space<hbm>>) target(%arg5 : memref<25600xi32, #tpu.memory_space<vmem>>) target_semaphore(%run_scoped3A : memref<!tpu.dma_semaphore, #tpu.memory_space<semaphore_mem>>)
      %dma_wait3A_464 = tpu.memref_slice %arg2[%mul3A_4] : memref<819200xi32, #tpu.memory_space<hbm>> -> memref<25600xi32, #tpu.memory_space<hbm>>
      %dma_wait3A_465 = tpu.memref_slice %arg2[%mul3A_4] : memref<819200xi32, #tpu.memory_space<hbm>> -> memref<25600xi32, #tpu.memory_space<hbm>>
      tpu.wait_dma2 semaphore(%run_scoped3A : memref<!tpu.dma_semaphore, #tpu.memory_space<semaphore_mem>>) src(%dma_wait3A_465 : memref<25600xi32, #tpu.memory_space<hbm>>) dst(%arg5 : memref<25600xi32, #tpu.memory_space<vmem>>)
      tpu.yield
    }) : () -> ()
    %dma_start3A = arith.constant 0 : i32
    %dma_start3A_5 = arith.constant 0 : i32
    %dma_start3A_6 = arith.constant 0 : i32
    %dma_start3A_7 = arith.constant 0 : i32
    %dma_start3A_8 = tpu.memref_slice %arg6[%dma_start3A, %dma_start3A_6, %dma_start3A_7] : memref<3x200x64xf32, #tpu.memory_space<vmem>> -> memref<1x128x64xf32, #tpu.memory_space<vmem>>
    %dma_start3A_9 = tpu.memref_squeeze %dma_start3A_8 : memref<1x128x64xf32, #tpu.memory_space<vmem>> -> memref<128x64xf32, #tpu.memory_space<vmem>>
    %dma_start3A_10 = arith.constant 0 : i32
    %dma_start3A_11 = tpu.memref_slice %arg5[%dma_start3A_10] : memref<25600xi32, #tpu.memory_space<vmem>> -> memref<128xi32, #tpu.memory_space<vmem>>
    %dma_start3A_12 = arith.constant 0 : i32
    %dma_start3A_13 = arith.constant 0 : i32
    %dma_start3A_14 = tpu.memref_slice %arg3[%dma_start3A_12, %dma_start3A_13] : memref<1000000x64xf32, #tpu.memory_space<hbm>> -> memref<1000000x64xf32, #tpu.memory_space<hbm>>
    %dma_start3A_15 = tpu.memref_slice %arg7[%dma_start3A_5] : memref<3x!tpu.dma_semaphore, #tpu.memory_space<semaphore_mem>> -> memref<1x!tpu.dma_semaphore, #tpu.memory_space<semaphore_mem>>
    %dma_start3A_16 = tpu.memref_squeeze %dma_start3A_15 : memref<1x!tpu.dma_semaphore, #tpu.memory_space<semaphore_mem>> -> memref<!tpu.dma_semaphore, #tpu.memory_space<semaphore_mem>>
    tpu.enqueue_indirect_dma source(%dma_start3A_14 : memref<1000000x64xf32, #tpu.memory_space<hbm>>) target(%dma_start3A_9 : memref<128x64xf32, #tpu.memory_space<vmem>>) offsets(%dma_start3A_11 : memref<128xi32, #tpu.memory_space<vmem>>) semaphore(%dma_start3A_16 : memref<!tpu.dma_semaphore, #tpu.memory_space<semaphore_mem>>)
    %dma_start3A_17 = arith.constant 0 : i32
    %dma_start3A_18 = arith.constant 0 : i32
    %dma_start3A_19 = arith.constant 128 : i32
    %dma_start3A_20 = arith.constant 0 : i32
    %dma_start3A_21 = tpu.memref_slice %arg6[%dma_start3A_17, %dma_start3A_19, %dma_start3A_20] : memref<3x200x64xf32, #tpu.memory_space<vmem>> -> memref<1x72x64xf32, #tpu.memory_space<vmem>>
    %dma_start3A_22 = tpu.memref_squeeze %dma_start3A_21 : memref<1x72x64xf32, #tpu.memory_space<vmem>> -> memref<72x64xf32, #tpu.memory_space<vmem>>
    %dma_start3A_23 = arith.constant 128 : i32
    %dma_start3A_24 = tpu.memref_slice %arg5[%dma_start3A_23] : memref<25600xi32, #tpu.memory_space<vmem>> -> memref<72xi32, #tpu.memory_space<vmem>>
    %dma_start3A_25 = arith.constant 0 : i32
    %dma_start3A_26 = arith.constant 0 : i32
    %dma_start3A_27 = tpu.memref_slice %arg3[%dma_start3A_25, %dma_start3A_26] : memref<1000000x64xf32, #tpu.memory_space<hbm>> -> memref<1000000x64xf32, #tpu.memory_space<hbm>>
    %dma_start3A_28 = tpu.memref_slice %arg7[%dma_start3A_18] : memref<3x!tpu.dma_semaphore, #tpu.memory_space<semaphore_mem>> -> memref<1x!tpu.dma_semaphore, #tpu.memory_space<semaphore_mem>>
    %dma_start3A_29 = tpu.memref_squeeze %dma_start3A_28 : memref<1x!tpu.dma_semaphore, #tpu.memory_space<semaphore_mem>> -> memref<!tpu.dma_semaphore, #tpu.memory_space<semaphore_mem>>
    tpu.enqueue_indirect_dma source(%dma_start3A_27 : memref<1000000x64xf32, #tpu.memory_space<hbm>>) target(%dma_start3A_22 : memref<72x64xf32, #tpu.memory_space<vmem>>) offsets(%dma_start3A_24 : memref<72xi32, #tpu.memory_space<vmem>>) semaphore(%dma_start3A_29 : memref<!tpu.dma_semaphore, #tpu.memory_space<semaphore_mem>>)
    %dma_start3A_30 = arith.constant 1 : i32
    %dma_start3A_31 = arith.constant 1 : i32
    %dma_start3A_32 = arith.constant 0 : i32
    %dma_start3A_33 = arith.constant 0 : i32
    %dma_start3A_34 = tpu.memref_slice %arg6[%dma_start3A_30, %dma_start3A_32, %dma_start3A_33] : memref<3x200x64xf32, #tpu.memory_space<vmem>> -> memref<1x128x64xf32, #tpu.memory_space<vmem>>
    %dma_start3A_35 = tpu.memref_squeeze %dma_start3A_34 : memref<1x128x64xf32, #tpu.memory_space<vmem>> -> memref<128x64xf32, #tpu.memory_space<vmem>>
    %dma_start3A_36 = arith.constant 200 : i32
    %dma_start3A_37 = tpu.memref_slice %arg5[%dma_start3A_36] : memref<25600xi32, #tpu.memory_space<vmem>> -> memref<128xi32, #tpu.memory_space<vmem>>
    %dma_start3A_38 = arith.constant 0 : i32
    %dma_start3A_39 = arith.constant 0 : i32
    %dma_start3A_40 = tpu.memref_slice %arg3[%dma_start3A_38, %dma_start3A_39] : memref<1000000x64xf32, #tpu.memory_space<hbm>> -> memref<1000000x64xf32, #tpu.memory_space<hbm>>
    %dma_start3A_41 = tpu.memref_slice %arg7[%dma_start3A_31] : memref<3x!tpu.dma_semaphore, #tpu.memory_space<semaphore_mem>> -> memref<1x!tpu.dma_semaphore, #tpu.memory_space<semaphore_mem>>
    %dma_start3A_42 = tpu.memref_squeeze %dma_start3A_41 : memref<1x!tpu.dma_semaphore, #tpu.memory_space<semaphore_mem>> -> memref<!tpu.dma_semaphore, #tpu.memory_space<semaphore_mem>>
    tpu.enqueue_indirect_dma source(%dma_start3A_40 : memref<1000000x64xf32, #tpu.memory_space<hbm>>) target(%dma_start3A_35 : memref<128x64xf32, #tpu.memory_space<vmem>>) offsets(%dma_start3A_37 : memref<128xi32, #tpu.memory_space<vmem>>) semaphore(%dma_start3A_42 : memref<!tpu.dma_semaphore, #tpu.memory_space<semaphore_mem>>)
    %dma_start3A_43 = arith.constant 1 : i32
    %dma_start3A_44 = arith.constant 1 : i32
    %dma_start3A_45 = arith.constant 128 : i32
    %dma_start3A_46 = arith.constant 0 : i32
    %dma_start3A_47 = tpu.memref_slice %arg6[%dma_start3A_43, %dma_start3A_45, %dma_start3A_46] : memref<3x200x64xf32, #tpu.memory_space<vmem>> -> memref<1x72x64xf32, #tpu.memory_space<vmem>>
    %dma_start3A_48 = tpu.memref_squeeze %dma_start3A_47 : memref<1x72x64xf32, #tpu.memory_space<vmem>> -> memref<72x64xf32, #tpu.memory_space<vmem>>
    %dma_start3A_49 = arith.constant 328 : i32
    %dma_start3A_50 = tpu.memref_slice %arg5[%dma_start3A_49] : memref<25600xi32, #tpu.memory_space<vmem>> -> memref<72xi32, #tpu.memory_space<vmem>>
    %dma_start3A_51 = arith.constant 0 : i32
    %dma_start3A_52 = arith.constant 0 : i32
    %dma_start3A_53 = tpu.memref_slice %arg3[%dma_start3A_51, %dma_start3A_52] : memref<1000000x64xf32, #tpu.memory_space<hbm>> -> memref<1000000x64xf32, #tpu.memory_space<hbm>>
    %dma_start3A_54 = tpu.memref_slice %arg7[%dma_start3A_44] : memref<3x!tpu.dma_semaphore, #tpu.memory_space<semaphore_mem>> -> memref<1x!tpu.dma_semaphore, #tpu.memory_space<semaphore_mem>>
    %dma_start3A_55 = tpu.memref_squeeze %dma_start3A_54 : memref<1x!tpu.dma_semaphore, #tpu.memory_space<semaphore_mem>> -> memref<!tpu.dma_semaphore, #tpu.memory_space<semaphore_mem>>
    tpu.enqueue_indirect_dma source(%dma_start3A_53 : memref<1000000x64xf32, #tpu.memory_space<hbm>>) target(%dma_start3A_48 : memref<72x64xf32, #tpu.memory_space<vmem>>) offsets(%dma_start3A_50 : memref<72xi32, #tpu.memory_space<vmem>>) semaphore(%dma_start3A_55 : memref<!tpu.dma_semaphore, #tpu.memory_space<semaphore_mem>>)
    %dma_wait3A = arith.constant 0 : i32
    %dma_wait3A_56 = arith.constant 0 : i32
    %dma_wait3A_57 = arith.constant 0 : i32
    %dma_wait3A_58 = arith.constant 0 : i32
    %dma_wait3A_59 = tpu.memref_slice %arg6[%dma_wait3A, %dma_wait3A_57, %dma_wait3A_58] : memref<3x200x64xf32, #tpu.memory_space<vmem>> -> memref<1x200x64xf32, #tpu.memory_space<vmem>>
    %dma_wait3A_60 = tpu.memref_squeeze %dma_wait3A_59 : memref<1x200x64xf32, #tpu.memory_space<vmem>> -> memref<200x64xf32, #tpu.memory_space<vmem>>
    %dma_wait3A_61 = arith.constant 0 : i32
    %dma_wait3A_62 = arith.constant 0 : i32
    %dma_wait3A_63 = tpu.memref_slice %arg3[%dma_wait3A_61, %dma_wait3A_62] : memref<1000000x64xf32, #tpu.memory_space<hbm>> -> memref<200x64xf32, #tpu.memory_space<hbm>>
    %dma_wait3A_64 = tpu.memref_slice %arg7[%dma_wait3A_56] : memref<3x!tpu.dma_semaphore, #tpu.memory_space<semaphore_mem>> -> memref<1x!tpu.dma_semaphore, #tpu.memory_space<semaphore_mem>>
    %dma_wait3A_65 = tpu.memref_squeeze %dma_wait3A_64 : memref<1x!tpu.dma_semaphore, #tpu.memory_space<semaphore_mem>> -> memref<!tpu.dma_semaphore, #tpu.memory_space<semaphore_mem>>
    %dma_wait3A_66 = arith.constant 0 : i32
    %dma_wait3A_67 = arith.constant 0 : i32
    %dma_wait3A_68 = tpu.memref_slice %arg6[%dma_wait3A, %dma_wait3A_66, %dma_wait3A_67] : memref<3x200x64xf32, #tpu.memory_space<vmem>> -> memref<1x200x64xf32, #tpu.memory_space<vmem>>
    %dma_wait3A_69 = tpu.memref_squeeze %dma_wait3A_68 : memref<1x200x64xf32, #tpu.memory_space<vmem>> -> memref<200x64xf32, #tpu.memory_space<vmem>>
    %dma_wait3A_70 = arith.constant 0 : i32
    %dma_wait3A_71 = arith.constant 0 : i32
    %dma_wait3A_72 = tpu.memref_slice %arg3[%dma_wait3A_70, %dma_wait3A_71] : memref<1000000x64xf32, #tpu.memory_space<hbm>> -> memref<200x64xf32, #tpu.memory_space<hbm>>
    tpu.wait_dma2 semaphore(%dma_wait3A_65 : memref<!tpu.dma_semaphore, #tpu.memory_space<semaphore_mem>>) src(%dma_wait3A_72 : memref<200x64xf32, #tpu.memory_space<hbm>>) dst(%dma_wait3A_69 : memref<200x64xf32, #tpu.memory_space<vmem>>)
    %parallel_loop3A = arith.constant 0 : i32
    %parallel_loop3A_73 = arith.constant 200 : i32
    %parallel_loop3A_74 = arith.constant 1 : i32
    %parallel_loop3A_75 = arith.constant 0 : i32
    scf.for %parallel_loop3A_462 = %parallel_loop3A to %parallel_loop3A_73 step %parallel_loop3A_74  : i32 {
      %parallel_loop3A_463 = arith.constant 0 : i32
      %parallel_loop3A_464 = arith.constant 0 : i32
      %parallel_loop3A_465 = tpu.memref_slice %arg6[%parallel_loop3A_75, %parallel_loop3A_463, %parallel_loop3A_464] : memref<3x200x64xf32, #tpu.memory_space<vmem>> -> memref<1x200x64xf32, #tpu.memory_space<vmem>>
      %parallel_loop3A_466 = tpu.memref_squeeze %parallel_loop3A_465 : memref<1x200x64xf32, #tpu.memory_space<vmem>> -> memref<200x64xf32, #tpu.memory_space<vmem>>
      %parallel_loop3A_467 = arith.index_cast %parallel_loop3A_462 : i32 to index
      %parallel_loop3A_468 = arith.constant 0 : index
      %parallel_loop3A_469 = tpu.vector_load %parallel_loop3A_466[%parallel_loop3A_467, %parallel_loop3A_468] {strides = array<i32>} : memref<200x64xf32, #tpu.memory_space<vmem>>, vector<1x16xf32>,
      %parallel_loop3A_470 = vector.shape_cast %parallel_loop3A_469 : vector<1x16xf32> to vector<16xf32>
      %parallel_loop3A_471 = arith.constant 8.000000e+00 : f32
      %parallel_loop3A_472 = vector.broadcast %parallel_loop3A_471 : f32 to vector<16xf32>
      %parallel_loop3A_473 = arith.mulf %parallel_loop3A_470, %parallel_loop3A_472 : vector<16xf32>
      %parallel_loop3A_474 = arith.constant 0 : i32
      %parallel_loop3A_475 = arith.constant 0 : i32
      %parallel_loop3A_476 = tpu.memref_slice %arg6[%parallel_loop3A_75, %parallel_loop3A_474, %parallel_loop3A_475] : memref<3x200x64xf32, #tpu.memory_space<vmem>> -> memref<1x200x64xf32, #tpu.memory_space<vmem>>
      %parallel_loop3A_477 = tpu.memref_squeeze %parallel_loop3A_476 : memref<1x200x64xf32, #tpu.memory_space<vmem>> -> memref<200x64xf32, #tpu.memory_space<vmem>>
      %parallel_loop3A_478 = arith.index_cast %parallel_loop3A_462 : i32 to index
      %parallel_loop3A_479 = arith.constant 0 : index
      %parallel_loop3A_480 = tpu.vector_load %parallel_loop3A_477[%parallel_loop3A_478, %parallel_loop3A_479] {strides = array<i32>} : memref<200x64xf32, #tpu.memory_space<vmem>>, vector<1x16xf32>,
      %parallel_loop3A_481 = vector.shape_cast %parallel_loop3A_480 : vector<1x16xf32> to vector<16xf32>
      %parallel_loop3A_482 = vector.shape_cast %parallel_loop3A_473 : vector<16xf32> to vector<1x16xf32>
      tpu.vector_store %parallel_loop3A_477[%parallel_loop3A_478, %parallel_loop3A_479], %parallel_loop3A_482 {strides = array<i32>} : memref<200x64xf32, #tpu.memory_space<vmem>>, vector<1x16xf32>,
      %parallel_loop3A_483 = arith.constant 0 : i32
      %parallel_loop3A_484 = arith.constant 0 : i32
      %parallel_loop3A_485 = tpu.memref_slice %arg6[%parallel_loop3A_75, %parallel_loop3A_483, %parallel_loop3A_484] : memref<3x200x64xf32, #tpu.memory_space<vmem>> -> memref<1x200x64xf32, #tpu.memory_space<vmem>>
      %parallel_loop3A_486 = tpu.memref_squeeze %parallel_loop3A_485 : memref<1x200x64xf32, #tpu.memory_space<vmem>> -> memref<200x64xf32, #tpu.memory_space<vmem>>
      %parallel_loop3A_487 = arith.index_cast %parallel_loop3A_462 : i32 to index
      %parallel_loop3A_488 = arith.constant 16 : index
      %parallel_loop3A_489 = tpu.vector_load %parallel_loop3A_486[%parallel_loop3A_487, %parallel_loop3A_488] {strides = array<i32>} : memref<200x64xf32, #tpu.memory_space<vmem>>, vector<1x16xf32>,
      %parallel_loop3A_490 = vector.shape_cast %parallel_loop3A_489 : vector<1x16xf32> to vector<16xf32>
      %parallel_loop3A_491 = arith.constant 8.000000e+00 : f32
      %parallel_loop3A_492 = vector.broadcast %parallel_loop3A_491 : f32 to vector<16xf32>
      %parallel_loop3A_493 = arith.mulf %parallel_loop3A_490, %parallel_loop3A_492 : vector<16xf32>
      %parallel_loop3A_494 = arith.constant 0 : i32
      %parallel_loop3A_495 = arith.constant 0 : i32
      %parallel_loop3A_496 = tpu.memref_slice %arg6[%parallel_loop3A_75, %parallel_loop3A_494, %parallel_loop3A_495] : memref<3x200x64xf32, #tpu.memory_space<vmem>> -> memref<1x200x64xf32, #tpu.memory_space<vmem>>
      %parallel_loop3A_497 = tpu.memref_squeeze %parallel_loop3A_496 : memref<1x200x64xf32, #tpu.memory_space<vmem>> -> memref<200x64xf32, #tpu.memory_space<vmem>>
      %parallel_loop3A_498 = arith.index_cast %parallel_loop3A_462 : i32 to index
      %parallel_loop3A_499 = arith.constant 16 : index
      %parallel_loop3A_500 = tpu.vector_load %parallel_loop3A_497[%parallel_loop3A_498, %parallel_loop3A_499] {strides = array<i32>} : memref<200x64xf32, #tpu.memory_space<vmem>>, vector<1x16xf32>,
      %parallel_loop3A_501 = vector.shape_cast %parallel_loop3A_500 : vector<1x16xf32> to vector<16xf32>
      %parallel_loop3A_502 = vector.shape_cast %parallel_loop3A_493 : vector<16xf32> to vector<1x16xf32>
      tpu.vector_store %parallel_loop3A_497[%parallel_loop3A_498, %parallel_loop3A_499], %parallel_loop3A_502 {strides = array<i32>} : memref<200x64xf32, #tpu.memory_space<vmem>>, vector<1x16xf32>,
      %parallel_loop3A_503 = arith.constant 0 : i32
      %parallel_loop3A_504 = arith.constant 0 : i32
      %parallel_loop3A_505 = tpu.memref_slice %arg6[%parallel_loop3A_75, %parallel_loop3A_503, %parallel_loop3A_504] : memref<3x200x64xf32, #tpu.memory_space<vmem>> -> memref<1x200x64xf32, #tpu.memory_space<vmem>>
      %parallel_loop3A_506 = tpu.memref_squeeze %parallel_loop3A_505 : memref<1x200x64xf32, #tpu.memory_space<vmem>> -> memref<200x64xf32, #tpu.memory_space<vmem>>
      %parallel_loop3A_507 = arith.index_cast %parallel_loop3A_462 : i32 to index
      %parallel_loop3A_508 = arith.constant 32 : index
      %parallel_loop3A_509 = tpu.vector_load %parallel_loop3A_506[%parallel_loop3A_507, %parallel_loop3A_508] {strides = array<i32>} : memref<200x64xf32, #tpu.memory_space<vmem>>, vector<1x16xf32>,
      %parallel_loop3A_510 = vector.shape_cast %parallel_loop3A_509 : vector<1x16xf32> to vector<16xf32>
      %parallel_loop3A_511 = arith.constant 8.000000e+00 : f32
      %parallel_loop3A_512 = vector.broadcast %parallel_loop3A_511 : f32 to vector<16xf32>
      %parallel_loop3A_513 = arith.mulf %parallel_loop3A_510, %parallel_loop3A_512 : vector<16xf32>
      %parallel_loop3A_514 = arith.constant 0 : i32
      %parallel_loop3A_515 = arith.constant 0 : i32
      %parallel_loop3A_516 = tpu.memref_slice %arg6[%parallel_loop3A_75, %parallel_loop3A_514, %parallel_loop3A_515] : memref<3x200x64xf32, #tpu.memory_space<vmem>> -> memref<1x200x64xf32, #tpu.memory_space<vmem>>
      %parallel_loop3A_517 = tpu.memref_squeeze %parallel_loop3A_516 : memref<1x200x64xf32, #tpu.memory_space<vmem>> -> memref<200x64xf32, #tpu.memory_space<vmem>>
      %parallel_loop3A_518 = arith.index_cast %parallel_loop3A_462 : i32 to index
      %parallel_loop3A_519 = arith.constant 32 : index
      %parallel_loop3A_520 = tpu.vector_load %parallel_loop3A_517[%parallel_loop3A_518, %parallel_loop3A_519] {strides = array<i32>} : memref<200x64xf32, #tpu.memory_space<vmem>>, vector<1x16xf32>,
      %parallel_loop3A_521 = vector.shape_cast %parallel_loop3A_520 : vector<1x16xf32> to vector<16xf32>
      %parallel_loop3A_522 = vector.shape_cast %parallel_loop3A_513 : vector<16xf32> to vector<1x16xf32>
      tpu.vector_store %parallel_loop3A_517[%parallel_loop3A_518, %parallel_loop3A_519], %parallel_loop3A_522 {strides = array<i32>} : memref<200x64xf32, #tpu.memory_space<vmem>>, vector<1x16xf32>,
      %parallel_loop3A_523 = arith.constant 0 : i32
      %parallel_loop3A_524 = arith.constant 0 : i32
      %parallel_loop3A_525 = tpu.memref_slice %arg6[%parallel_loop3A_75, %parallel_loop3A_523, %parallel_loop3A_524] : memref<3x200x64xf32, #tpu.memory_space<vmem>> -> memref<1x200x64xf32, #tpu.memory_space<vmem>>
      %parallel_loop3A_526 = tpu.memref_squeeze %parallel_loop3A_525 : memref<1x200x64xf32, #tpu.memory_space<vmem>> -> memref<200x64xf32, #tpu.memory_space<vmem>>
      %parallel_loop3A_527 = arith.index_cast %parallel_loop3A_462 : i32 to index
      %parallel_loop3A_528 = arith.constant 48 : index
      %parallel_loop3A_529 = tpu.vector_load %parallel_loop3A_526[%parallel_loop3A_527, %parallel_loop3A_528] {strides = array<i32>} : memref<200x64xf32, #tpu.memory_space<vmem>>, vector<1x16xf32>,
      %parallel_loop3A_530 = vector.shape_cast %parallel_loop3A_529 : vector<1x16xf32> to vector<16xf32>
      %parallel_loop3A_531 = arith.constant 8.000000e+00 : f32
      %parallel_loop3A_532 = vector.broadcast %parallel_loop3A_531 : f32 to vector<16xf32>
      %parallel_loop3A_533 = arith.mulf %parallel_loop3A_530, %parallel_loop3A_532 : vector<16xf32>
      %parallel_loop3A_534 = arith.constant 0 : i32
      %parallel_loop3A_535 = arith.constant 0 : i32
      %parallel_loop3A_536 = tpu.memref_slice %arg6[%parallel_loop3A_75, %parallel_loop3A_534, %parallel_loop3A_535] : memref<3x200x64xf32, #tpu.memory_space<vmem>> -> memref<1x200x64xf32, #tpu.memory_space<vmem>>
      %parallel_loop3A_537 = tpu.memref_squeeze %parallel_loop3A_536 : memref<1x200x64xf32, #tpu.memory_space<vmem>> -> memref<200x64xf32, #tpu.memory_space<vmem>>
      %parallel_loop3A_538 = arith.index_cast %parallel_loop3A_462 : i32 to index
      %parallel_loop3A_539 = arith.constant 48 : index
      %parallel_loop3A_540 = tpu.vector_load %parallel_loop3A_537[%parallel_loop3A_538, %parallel_loop3A_539] {strides = array<i32>} : memref<200x64xf32, #tpu.memory_space<vmem>>, vector<1x16xf32>,
      %parallel_loop3A_541 = vector.shape_cast %parallel_loop3A_540 : vector<1x16xf32> to vector<16xf32>
      %parallel_loop3A_542 = vector.shape_cast %parallel_loop3A_533 : vector<16xf32> to vector<1x16xf32>
      tpu.vector_store %parallel_loop3A_537[%parallel_loop3A_538, %parallel_loop3A_539], %parallel_loop3A_542 {strides = array<i32>} : memref<200x64xf32, #tpu.memory_space<vmem>>, vector<1x16xf32>,
    } {sc.loop_unroll_factor = 8 : i64, sc.parallel_access}
    %add3A_76 = arith.constant 0 : i32
    %add3A_77 = arith.addi %mul3A_2, %add3A_76 : i32
    %dma_start3A_78 = arith.constant 0 : i32
    %dma_start3A_79 = arith.constant 0 : i32
    %dma_start3A_80 = arith.constant 0 : i32
    %dma_start3A_81 = arith.constant 0 : i32
    %dma_start3A_82 = tpu.memref_slice %arg6[%dma_start3A_78, %dma_start3A_80, %dma_start3A_81] : memref<3x200x64xf32, #tpu.memory_space<vmem>> -> memref<1x200x64xf32, #tpu.memory_space<vmem>>
    %dma_start3A_83 = tpu.memref_squeeze %dma_start3A_82 : memref<1x200x64xf32, #tpu.memory_space<vmem>> -> memref<200x64xf32, #tpu.memory_space<vmem>>
    %dma_start3A_84 = arith.constant 0 : i32
    %dma_start3A_85 = arith.constant 0 : i32
    %dma_start3A_86 = tpu.memref_slice %arg4[%add3A_77, %dma_start3A_84, %dma_start3A_85] : memref<4096x200x128xf32, #tpu.memory_space<hbm>> -> memref<1x200x64xf32, #tpu.memory_space<hbm>>
    %dma_start3A_87 = tpu.memref_squeeze %dma_start3A_86 : memref<1x200x64xf32, #tpu.memory_space<hbm>> -> memref<200x64xf32, #tpu.memory_space<hbm>>
    %dma_start3A_88 = tpu.memref_slice %arg8[%dma_start3A_79] : memref<3x!tpu.dma_semaphore, #tpu.memory_space<semaphore_mem>> -> memref<1x!tpu.dma_semaphore, #tpu.memory_space<semaphore_mem>>
    %dma_start3A_89 = tpu.memref_squeeze %dma_start3A_88 : memref<1x!tpu.dma_semaphore, #tpu.memory_space<semaphore_mem>> -> memref<!tpu.dma_semaphore, #tpu.memory_space<semaphore_mem>>
    %dma_start3A_90 = arith.constant 0 : i32
    %dma_start3A_91 = arith.constant 0 : i32
    %dma_start3A_92 = tpu.memref_slice %arg4[%add3A_77, %dma_start3A_90, %dma_start3A_91] : memref<4096x200x128xf32, #tpu.memory_space<hbm>> -> memref<1x200x64xf32, #tpu.memory_space<hbm>>
    %dma_start3A_93 = tpu.memref_squeeze %dma_start3A_92 : memref<1x200x64xf32, #tpu.memory_space<hbm>> -> memref<200x64xf32, #tpu.memory_space<hbm>>
    %dma_start3A_94 = arith.constant 0 : i32
    %dma_start3A_95 = arith.constant 0 : i32
    %dma_start3A_96 = tpu.memref_slice %arg6[%dma_start3A_78, %dma_start3A_94, %dma_start3A_95] : memref<3x200x64xf32, #tpu.memory_space<vmem>> -> memref<1x200x64xf32, #tpu.memory_space<vmem>>
    %dma_start3A_97 = tpu.memref_squeeze %dma_start3A_96 : memref<1x200x64xf32, #tpu.memory_space<vmem>> -> memref<200x64xf32, #tpu.memory_space<vmem>>
    tpu.enqueue_dma source(%dma_start3A_97 : memref<200x64xf32, #tpu.memory_space<vmem>>) target(%dma_start3A_93 : memref<200x64xf32, #tpu.memory_space<hbm>>) target_semaphore(%dma_start3A_89 : memref<!tpu.dma_semaphore, #tpu.memory_space<semaphore_mem>>)
    %dma_start3A_98 = arith.constant 2 : i32
    %dma_start3A_99 = arith.constant 2 : i32
    %dma_start3A_100 = arith.constant 0 : i32
    %dma_start3A_101 = arith.constant 0 : i32
    %dma_start3A_102 = tpu.memref_slice %arg6[%dma_start3A_98, %dma_start3A_100, %dma_start3A_101] : memref<3x200x64xf32, #tpu.memory_space<vmem>> -> memref<1x128x64xf32, #tpu.memory_space<vmem>>
    %dma_start3A_103 = tpu.memref_squeeze %dma_start3A_102 : memref<1x128x64xf32, #tpu.memory_space<vmem>> -> memref<128x64xf32, #tpu.memory_space<vmem>>
    %dma_start3A_104 = arith.constant 400 : i32
    %dma_start3A_105 = tpu.memref_slice %arg5[%dma_start3A_104] : memref<25600xi32, #tpu.memory_space<vmem>> -> memref<128xi32, #tpu.memory_space<vmem>>
    %dma_start3A_106 = arith.constant 0 : i32
    %dma_start3A_107 = arith.constant 0 : i32
    %dma_start3A_108 = tpu.memref_slice %arg3[%dma_start3A_106, %dma_start3A_107] : memref<1000000x64xf32, #tpu.memory_space<hbm>> -> memref<1000000x64xf32, #tpu.memory_space<hbm>>
    %dma_start3A_109 = tpu.memref_slice %arg7[%dma_start3A_99] : memref<3x!tpu.dma_semaphore, #tpu.memory_space<semaphore_mem>> -> memref<1x!tpu.dma_semaphore, #tpu.memory_space<semaphore_mem>>
    %dma_start3A_110 = tpu.memref_squeeze %dma_start3A_109 : memref<1x!tpu.dma_semaphore, #tpu.memory_space<semaphore_mem>> -> memref<!tpu.dma_semaphore, #tpu.memory_space<semaphore_mem>>
    tpu.enqueue_indirect_dma source(%dma_start3A_108 : memref<1000000x64xf32, #tpu.memory_space<hbm>>) target(%dma_start3A_103 : memref<128x64xf32, #tpu.memory_space<vmem>>) offsets(%dma_start3A_105 : memref<128xi32, #tpu.memory_space<vmem>>) semaphore(%dma_start3A_110 : memref<!tpu.dma_semaphore, #tpu.memory_space<semaphore_mem>>)
    %dma_start3A_111 = arith.constant 2 : i32
    %dma_start3A_112 = arith.constant 2 : i32
    %dma_start3A_113 = arith.constant 128 : i32
    %dma_start3A_114 = arith.constant 0 : i32
    %dma_start3A_115 = tpu.memref_slice %arg6[%dma_start3A_111, %dma_start3A_113, %dma_start3A_114] : memref<3x200x64xf32, #tpu.memory_space<vmem>> -> memref<1x72x64xf32, #tpu.memory_space<vmem>>
    %dma_start3A_116 = tpu.memref_squeeze %dma_start3A_115 : memref<1x72x64xf32, #tpu.memory_space<vmem>> -> memref<72x64xf32, #tpu.memory_space<vmem>>
    %dma_start3A_117 = arith.constant 528 : i32
    %dma_start3A_118 = tpu.memref_slice %arg5[%dma_start3A_117] : memref<25600xi32, #tpu.memory_space<vmem>> -> memref<72xi32, #tpu.memory_space<vmem>>
    %dma_start3A_119 = arith.constant 0 : i32
    %dma_start3A_120 = arith.constant 0 : i32
    %dma_start3A_121 = tpu.memref_slice %arg3[%dma_start3A_119, %dma_start3A_120] : memref<1000000x64xf32, #tpu.memory_space<hbm>> -> memref<1000000x64xf32, #tpu.memory_space<hbm>>
    %dma_start3A_122 = tpu.memref_slice %arg7[%dma_start3A_112] : memref<3x!tpu.dma_semaphore, #tpu.memory_space<semaphore_mem>> -> memref<1x!tpu.dma_semaphore, #tpu.memory_space<semaphore_mem>>
    %dma_start3A_123 = tpu.memref_squeeze %dma_start3A_122 : memref<1x!tpu.dma_semaphore, #tpu.memory_space<semaphore_mem>> -> memref<!tpu.dma_semaphore, #tpu.memory_space<semaphore_mem>>
    tpu.enqueue_indirect_dma source(%dma_start3A_121 : memref<1000000x64xf32, #tpu.memory_space<hbm>>) target(%dma_start3A_116 : memref<72x64xf32, #tpu.memory_space<vmem>>) offsets(%dma_start3A_118 : memref<72xi32, #tpu.memory_space<vmem>>) semaphore(%dma_start3A_123 : memref<!tpu.dma_semaphore, #tpu.memory_space<semaphore_mem>>)
    %dma_wait3A_124 = arith.constant 1 : i32
    %dma_wait3A_125 = arith.constant 1 : i32
    %dma_wait3A_126 = arith.constant 0 : i32
    %dma_wait3A_127 = arith.constant 0 : i32
    %dma_wait3A_128 = tpu.memref_slice %arg6[%dma_wait3A_124, %dma_wait3A_126, %dma_wait3A_127] : memref<3x200x64xf32, #tpu.memory_space<vmem>> -> memref<1x200x64xf32, #tpu.memory_space<vmem>>
    %dma_wait3A_129 = tpu.memref_squeeze %dma_wait3A_128 : memref<1x200x64xf32, #tpu.memory_space<vmem>> -> memref<200x64xf32, #tpu.memory_space<vmem>>
    %dma_wait3A_130 = arith.constant 0 : i32
    %dma_wait3A_131 = arith.constant 0 : i32
    %dma_wait3A_132 = tpu.memref_slice %arg3[%dma_wait3A_130, %dma_wait3A_131] : memref<1000000x64xf32, #tpu.memory_space<hbm>> -> memref<200x64xf32, #tpu.memory_space<hbm>>
    %dma_wait3A_133 = tpu.memref_slice %arg7[%dma_wait3A_125] : memref<3x!tpu.dma_semaphore, #tpu.memory_space<semaphore_mem>> -> memref<1x!tpu.dma_semaphore, #tpu.memory_space<semaphore_mem>>
    %dma_wait3A_134 = tpu.memref_squeeze %dma_wait3A_133 : memref<1x!tpu.dma_semaphore, #tpu.memory_space<semaphore_mem>> -> memref<!tpu.dma_semaphore, #tpu.memory_space<semaphore_mem>>
    %dma_wait3A_135 = arith.constant 0 : i32
    %dma_wait3A_136 = arith.constant 0 : i32
    %dma_wait3A_137 = tpu.memref_slice %arg6[%dma_wait3A_124, %dma_wait3A_135, %dma_wait3A_136] : memref<3x200x64xf32, #tpu.memory_space<vmem>> -> memref<1x200x64xf32, #tpu.memory_space<vmem>>
    %dma_wait3A_138 = tpu.memref_squeeze %dma_wait3A_137 : memref<1x200x64xf32, #tpu.memory_space<vmem>> -> memref<200x64xf32, #tpu.memory_space<vmem>>
    %dma_wait3A_139 = arith.constant 0 : i32
    %dma_wait3A_140 = arith.constant 0 : i32
    %dma_wait3A_141 = tpu.memref_slice %arg3[%dma_wait3A_139, %dma_wait3A_140] : memref<1000000x64xf32, #tpu.memory_space<hbm>> -> memref<200x64xf32, #tpu.memory_space<hbm>>
    tpu.wait_dma2 semaphore(%dma_wait3A_134 : memref<!tpu.dma_semaphore, #tpu.memory_space<semaphore_mem>>) src(%dma_wait3A_141 : memref<200x64xf32, #tpu.memory_space<hbm>>) dst(%dma_wait3A_138 : memref<200x64xf32, #tpu.memory_space<vmem>>)
    %parallel_loop3A_142 = arith.constant 0 : i32
    %parallel_loop3A_143 = arith.constant 200 : i32
    %parallel_loop3A_144 = arith.constant 1 : i32
    %parallel_loop3A_145 = arith.constant 1 : i32
    scf.for %parallel_loop3A_462 = %parallel_loop3A_142 to %parallel_loop3A_143 step %parallel_loop3A_144  : i32 {
      %parallel_loop3A_463 = arith.constant 0 : i32
      %parallel_loop3A_464 = arith.constant 0 : i32
      %parallel_loop3A_465 = tpu.memref_slice %arg6[%parallel_loop3A_145, %parallel_loop3A_463, %parallel_loop3A_464] : memref<3x200x64xf32, #tpu.memory_space<vmem>> -> memref<1x200x64xf32, #tpu.memory_space<vmem>>
      %parallel_loop3A_466 = tpu.memref_squeeze %parallel_loop3A_465 : memref<1x200x64xf32, #tpu.memory_space<vmem>> -> memref<200x64xf32, #tpu.memory_space<vmem>>
      %parallel_loop3A_467 = arith.index_cast %parallel_loop3A_462 : i32 to index
      %parallel_loop3A_468 = arith.constant 0 : index
      %parallel_loop3A_469 = tpu.vector_load %parallel_loop3A_466[%parallel_loop3A_467, %parallel_loop3A_468] {strides = array<i32>} : memref<200x64xf32, #tpu.memory_space<vmem>>, vector<1x16xf32>,
      %parallel_loop3A_470 = vector.shape_cast %parallel_loop3A_469 : vector<1x16xf32> to vector<16xf32>
      %parallel_loop3A_471 = arith.constant 8.000000e+00 : f32
      %parallel_loop3A_472 = vector.broadcast %parallel_loop3A_471 : f32 to vector<16xf32>
      %parallel_loop3A_473 = arith.mulf %parallel_loop3A_470, %parallel_loop3A_472 : vector<16xf32>
      %parallel_loop3A_474 = arith.constant 0 : i32
      %parallel_loop3A_475 = arith.constant 0 : i32
      %parallel_loop3A_476 = tpu.memref_slice %arg6[%parallel_loop3A_145, %parallel_loop3A_474, %parallel_loop3A_475] : memref<3x200x64xf32, #tpu.memory_space<vmem>> -> memref<1x200x64xf32, #tpu.memory_space<vmem>>
      %parallel_loop3A_477 = tpu.memref_squeeze %parallel_loop3A_476 : memref<1x200x64xf32, #tpu.memory_space<vmem>> -> memref<200x64xf32, #tpu.memory_space<vmem>>
      %parallel_loop3A_478 = arith.index_cast %parallel_loop3A_462 : i32 to index
      %parallel_loop3A_479 = arith.constant 0 : index
      %parallel_loop3A_480 = tpu.vector_load %parallel_loop3A_477[%parallel_loop3A_478, %parallel_loop3A_479] {strides = array<i32>} : memref<200x64xf32, #tpu.memory_space<vmem>>, vector<1x16xf32>,
      %parallel_loop3A_481 = vector.shape_cast %parallel_loop3A_480 : vector<1x16xf32> to vector<16xf32>
      %parallel_loop3A_482 = vector.shape_cast %parallel_loop3A_473 : vector<16xf32> to vector<1x16xf32>
      tpu.vector_store %parallel_loop3A_477[%parallel_loop3A_478, %parallel_loop3A_479], %parallel_loop3A_482 {strides = array<i32>} : memref<200x64xf32, #tpu.memory_space<vmem>>, vector<1x16xf32>,
      %parallel_loop3A_483 = arith.constant 0 : i32
      %parallel_loop3A_484 = arith.constant 0 : i32
      %parallel_loop3A_485 = tpu.memref_slice %arg6[%parallel_loop3A_145, %parallel_loop3A_483, %parallel_loop3A_484] : memref<3x200x64xf32, #tpu.memory_space<vmem>> -> memref<1x200x64xf32, #tpu.memory_space<vmem>>
      %parallel_loop3A_486 = tpu.memref_squeeze %parallel_loop3A_485 : memref<1x200x64xf32, #tpu.memory_space<vmem>> -> memref<200x64xf32, #tpu.memory_space<vmem>>
      %parallel_loop3A_487 = arith.index_cast %parallel_loop3A_462 : i32 to index
      %parallel_loop3A_488 = arith.constant 16 : index
      %parallel_loop3A_489 = tpu.vector_load %parallel_loop3A_486[%parallel_loop3A_487, %parallel_loop3A_488] {strides = array<i32>} : memref<200x64xf32, #tpu.memory_space<vmem>>, vector<1x16xf32>,
      %parallel_loop3A_490 = vector.shape_cast %parallel_loop3A_489 : vector<1x16xf32> to vector<16xf32>
      %parallel_loop3A_491 = arith.constant 8.000000e+00 : f32
      %parallel_loop3A_492 = vector.broadcast %parallel_loop3A_491 : f32 to vector<16xf32>
      %parallel_loop3A_493 = arith.mulf %parallel_loop3A_490, %parallel_loop3A_492 : vector<16xf32>
      %parallel_loop3A_494 = arith.constant 0 : i32
      %parallel_loop3A_495 = arith.constant 0 : i32
      %parallel_loop3A_496 = tpu.memref_slice %arg6[%parallel_loop3A_145, %parallel_loop3A_494, %parallel_loop3A_495] : memref<3x200x64xf32, #tpu.memory_space<vmem>> -> memref<1x200x64xf32, #tpu.memory_space<vmem>>
      %parallel_loop3A_497 = tpu.memref_squeeze %parallel_loop3A_496 : memref<1x200x64xf32, #tpu.memory_space<vmem>> -> memref<200x64xf32, #tpu.memory_space<vmem>>
      %parallel_loop3A_498 = arith.index_cast %parallel_loop3A_462 : i32 to index
      %parallel_loop3A_499 = arith.constant 16 : index
      %parallel_loop3A_500 = tpu.vector_load %parallel_loop3A_497[%parallel_loop3A_498, %parallel_loop3A_499] {strides = array<i32>} : memref<200x64xf32, #tpu.memory_space<vmem>>, vector<1x16xf32>,
      %parallel_loop3A_501 = vector.shape_cast %parallel_loop3A_500 : vector<1x16xf32> to vector<16xf32>
      %parallel_loop3A_502 = vector.shape_cast %parallel_loop3A_493 : vector<16xf32> to vector<1x16xf32>
      tpu.vector_store %parallel_loop3A_497[%parallel_loop3A_498, %parallel_loop3A_499], %parallel_loop3A_502 {strides = array<i32>} : memref<200x64xf32, #tpu.memory_space<vmem>>, vector<1x16xf32>,
      %parallel_loop3A_503 = arith.constant 0 : i32
      %parallel_loop3A_504 = arith.constant 0 : i32
      %parallel_loop3A_505 = tpu.memref_slice %arg6[%parallel_loop3A_145, %parallel_loop3A_503, %parallel_loop3A_504] : memref<3x200x64xf32, #tpu.memory_space<vmem>> -> memref<1x200x64xf32, #tpu.memory_space<vmem>>
      %parallel_loop3A_506 = tpu.memref_squeeze %parallel_loop3A_505 : memref<1x200x64xf32, #tpu.memory_space<vmem>> -> memref<200x64xf32, #tpu.memory_space<vmem>>
      %parallel_loop3A_507 = arith.index_cast %parallel_loop3A_462 : i32 to index
      %parallel_loop3A_508 = arith.constant 32 : index
      %parallel_loop3A_509 = tpu.vector_load %parallel_loop3A_506[%parallel_loop3A_507, %parallel_loop3A_508] {strides = array<i32>} : memref<200x64xf32, #tpu.memory_space<vmem>>, vector<1x16xf32>,
      %parallel_loop3A_510 = vector.shape_cast %parallel_loop3A_509 : vector<1x16xf32> to vector<16xf32>
      %parallel_loop3A_511 = arith.constant 8.000000e+00 : f32
      %parallel_loop3A_512 = vector.broadcast %parallel_loop3A_511 : f32 to vector<16xf32>
      %parallel_loop3A_513 = arith.mulf %parallel_loop3A_510, %parallel_loop3A_512 : vector<16xf32>
      %parallel_loop3A_514 = arith.constant 0 : i32
      %parallel_loop3A_515 = arith.constant 0 : i32
      %parallel_loop3A_516 = tpu.memref_slice %arg6[%parallel_loop3A_145, %parallel_loop3A_514, %parallel_loop3A_515] : memref<3x200x64xf32, #tpu.memory_space<vmem>> -> memref<1x200x64xf32, #tpu.memory_space<vmem>>
      %parallel_loop3A_517 = tpu.memref_squeeze %parallel_loop3A_516 : memref<1x200x64xf32, #tpu.memory_space<vmem>> -> memref<200x64xf32, #tpu.memory_space<vmem>>
      %parallel_loop3A_518 = arith.index_cast %parallel_loop3A_462 : i32 to index
      %parallel_loop3A_519 = arith.constant 32 : index
      %parallel_loop3A_520 = tpu.vector_load %parallel_loop3A_517[%parallel_loop3A_518, %parallel_loop3A_519] {strides = array<i32>} : memref<200x64xf32, #tpu.memory_space<vmem>>, vector<1x16xf32>,
      %parallel_loop3A_521 = vector.shape_cast %parallel_loop3A_520 : vector<1x16xf32> to vector<16xf32>
      %parallel_loop3A_522 = vector.shape_cast %parallel_loop3A_513 : vector<16xf32> to vector<1x16xf32>
      tpu.vector_store %parallel_loop3A_517[%parallel_loop3A_518, %parallel_loop3A_519], %parallel_loop3A_522 {strides = array<i32>} : memref<200x64xf32, #tpu.memory_space<vmem>>, vector<1x16xf32>,
      %parallel_loop3A_523 = arith.constant 0 : i32
      %parallel_loop3A_524 = arith.constant 0 : i32
      %parallel_loop3A_525 = tpu.memref_slice %arg6[%parallel_loop3A_145, %parallel_loop3A_523, %parallel_loop3A_524] : memref<3x200x64xf32, #tpu.memory_space<vmem>> -> memref<1x200x64xf32, #tpu.memory_space<vmem>>
      %parallel_loop3A_526 = tpu.memref_squeeze %parallel_loop3A_525 : memref<1x200x64xf32, #tpu.memory_space<vmem>> -> memref<200x64xf32, #tpu.memory_space<vmem>>
      %parallel_loop3A_527 = arith.index_cast %parallel_loop3A_462 : i32 to index
      %parallel_loop3A_528 = arith.constant 48 : index
      %parallel_loop3A_529 = tpu.vector_load %parallel_loop3A_526[%parallel_loop3A_527, %parallel_loop3A_528] {strides = array<i32>} : memref<200x64xf32, #tpu.memory_space<vmem>>, vector<1x16xf32>,
      %parallel_loop3A_530 = vector.shape_cast %parallel_loop3A_529 : vector<1x16xf32> to vector<16xf32>
      %parallel_loop3A_531 = arith.constant 8.000000e+00 : f32
      %parallel_loop3A_532 = vector.broadcast %parallel_loop3A_531 : f32 to vector<16xf32>
      %parallel_loop3A_533 = arith.mulf %parallel_loop3A_530, %parallel_loop3A_532 : vector<16xf32>
      %parallel_loop3A_534 = arith.constant 0 : i32
      %parallel_loop3A_535 = arith.constant 0 : i32
      %parallel_loop3A_536 = tpu.memref_slice %arg6[%parallel_loop3A_145, %parallel_loop3A_534, %parallel_loop3A_535] : memref<3x200x64xf32, #tpu.memory_space<vmem>> -> memref<1x200x64xf32, #tpu.memory_space<vmem>>
      %parallel_loop3A_537 = tpu.memref_squeeze %parallel_loop3A_536 : memref<1x200x64xf32, #tpu.memory_space<vmem>> -> memref<200x64xf32, #tpu.memory_space<vmem>>
      %parallel_loop3A_538 = arith.index_cast %parallel_loop3A_462 : i32 to index
      %parallel_loop3A_539 = arith.constant 48 : index
      %parallel_loop3A_540 = tpu.vector_load %parallel_loop3A_537[%parallel_loop3A_538, %parallel_loop3A_539] {strides = array<i32>} : memref<200x64xf32, #tpu.memory_space<vmem>>, vector<1x16xf32>,
      %parallel_loop3A_541 = vector.shape_cast %parallel_loop3A_540 : vector<1x16xf32> to vector<16xf32>
      %parallel_loop3A_542 = vector.shape_cast %parallel_loop3A_533 : vector<16xf32> to vector<1x16xf32>
      tpu.vector_store %parallel_loop3A_537[%parallel_loop3A_538, %parallel_loop3A_539], %parallel_loop3A_542 {strides = array<i32>} : memref<200x64xf32, #tpu.memory_space<vmem>>, vector<1x16xf32>,
    } {sc.loop_unroll_factor = 8 : i64, sc.parallel_access}
    %add3A_146 = arith.constant 1 : i32
    %add3A_147 = arith.addi %mul3A_2, %add3A_146 : i32
    %dma_start3A_148 = arith.constant 1 : i32
    %dma_start3A_149 = arith.constant 1 : i32
    %dma_start3A_150 = arith.constant 0 : i32
    %dma_start3A_151 = arith.constant 0 : i32
    %dma_start3A_152 = tpu.memref_slice %arg6[%dma_start3A_148, %dma_start3A_150, %dma_start3A_151] : memref<3x200x64xf32, #tpu.memory_space<vmem>> -> memref<1x200x64xf32, #tpu.memory_space<vmem>>
    %dma_start3A_153 = tpu.memref_squeeze %dma_start3A_152 : memref<1x200x64xf32, #tpu.memory_space<vmem>> -> memref<200x64xf32, #tpu.memory_space<vmem>>
    %dma_start3A_154 = arith.constant 0 : i32
    %dma_start3A_155 = arith.constant 0 : i32
    %dma_start3A_156 = tpu.memref_slice %arg4[%add3A_147, %dma_start3A_154, %dma_start3A_155] : memref<4096x200x128xf32, #tpu.memory_space<hbm>> -> memref<1x200x64xf32, #tpu.memory_space<hbm>>
    %dma_start3A_157 = tpu.memref_squeeze %dma_start3A_156 : memref<1x200x64xf32, #tpu.memory_space<hbm>> -> memref<200x64xf32, #tpu.memory_space<hbm>>
    %dma_start3A_158 = tpu.memref_slice %arg8[%dma_start3A_149] : memref<3x!tpu.dma_semaphore, #tpu.memory_space<semaphore_mem>> -> memref<1x!tpu.dma_semaphore, #tpu.memory_space<semaphore_mem>>
    %dma_start3A_159 = tpu.memref_squeeze %dma_start3A_158 : memref<1x!tpu.dma_semaphore, #tpu.memory_space<semaphore_mem>> -> memref<!tpu.dma_semaphore, #tpu.memory_space<semaphore_mem>>
    %dma_start3A_160 = arith.constant 0 : i32
    %dma_start3A_161 = arith.constant 0 : i32
    %dma_start3A_162 = tpu.memref_slice %arg4[%add3A_147, %dma_start3A_160, %dma_start3A_161] : memref<4096x200x128xf32, #tpu.memory_space<hbm>> -> memref<1x200x64xf32, #tpu.memory_space<hbm>>
    %dma_start3A_163 = tpu.memref_squeeze %dma_start3A_162 : memref<1x200x64xf32, #tpu.memory_space<hbm>> -> memref<200x64xf32, #tpu.memory_space<hbm>>
    %dma_start3A_164 = arith.constant 0 : i32
    %dma_start3A_165 = arith.constant 0 : i32
    %dma_start3A_166 = tpu.memref_slice %arg6[%dma_start3A_148, %dma_start3A_164, %dma_start3A_165] : memref<3x200x64xf32, #tpu.memory_space<vmem>> -> memref<1x200x64xf32, #tpu.memory_space<vmem>>
    %dma_start3A_167 = tpu.memref_squeeze %dma_start3A_166 : memref<1x200x64xf32, #tpu.memory_space<vmem>> -> memref<200x64xf32, #tpu.memory_space<vmem>>
    tpu.enqueue_dma source(%dma_start3A_167 : memref<200x64xf32, #tpu.memory_space<vmem>>) target(%dma_start3A_163 : memref<200x64xf32, #tpu.memory_space<hbm>>) target_semaphore(%dma_start3A_159 : memref<!tpu.dma_semaphore, #tpu.memory_space<semaphore_mem>>)
    %dma_wait3A_168 = arith.constant 0 : i32
    %dma_wait3A_169 = arith.constant 0 : i32
    %dma_wait3A_170 = arith.constant 0 : i32
    %dma_wait3A_171 = arith.constant 0 : i32
    %dma_wait3A_172 = arith.constant 0 : i32
    %dma_wait3A_173 = tpu.memref_slice %arg6[%dma_wait3A_169, %dma_wait3A_171, %dma_wait3A_172] : memref<3x200x64xf32, #tpu.memory_space<vmem>> -> memref<1x200x64xf32, #tpu.memory_space<vmem>>
    %dma_wait3A_174 = tpu.memref_squeeze %dma_wait3A_173 : memref<1x200x64xf32, #tpu.memory_space<vmem>> -> memref<200x64xf32, #tpu.memory_space<vmem>>
    %dma_wait3A_175 = arith.constant 0 : i32
    %dma_wait3A_176 = arith.constant 0 : i32
    %dma_wait3A_177 = tpu.memref_slice %arg4[%dma_wait3A_168, %dma_wait3A_175, %dma_wait3A_176] : memref<4096x200x128xf32, #tpu.memory_space<hbm>> -> memref<1x200x64xf32, #tpu.memory_space<hbm>>
    %dma_wait3A_178 = tpu.memref_squeeze %dma_wait3A_177 : memref<1x200x64xf32, #tpu.memory_space<hbm>> -> memref<200x64xf32, #tpu.memory_space<hbm>>
    %dma_wait3A_179 = tpu.memref_slice %arg8[%dma_wait3A_170] : memref<3x!tpu.dma_semaphore, #tpu.memory_space<semaphore_mem>> -> memref<1x!tpu.dma_semaphore, #tpu.memory_space<semaphore_mem>>
    %dma_wait3A_180 = tpu.memref_squeeze %dma_wait3A_179 : memref<1x!tpu.dma_semaphore, #tpu.memory_space<semaphore_mem>> -> memref<!tpu.dma_semaphore, #tpu.memory_space<semaphore_mem>>
    %dma_wait3A_181 = arith.constant 0 : i32
    %dma_wait3A_182 = arith.constant 0 : i32
    %dma_wait3A_183 = tpu.memref_slice %arg6[%dma_wait3A_169, %dma_wait3A_181, %dma_wait3A_182] : memref<3x200x64xf32, #tpu.memory_space<vmem>> -> memref<1x200x64xf32, #tpu.memory_space<vmem>>
    %dma_wait3A_184 = tpu.memref_squeeze %dma_wait3A_183 : memref<1x200x64xf32, #tpu.memory_space<vmem>> -> memref<200x64xf32, #tpu.memory_space<vmem>>
    %dma_wait3A_185 = arith.constant 0 : i32
    %dma_wait3A_186 = arith.constant 0 : i32
    %dma_wait3A_187 = tpu.memref_slice %arg4[%dma_wait3A_168, %dma_wait3A_185, %dma_wait3A_186] : memref<4096x200x128xf32, #tpu.memory_space<hbm>> -> memref<1x200x64xf32, #tpu.memory_space<hbm>>
    %dma_wait3A_188 = tpu.memref_squeeze %dma_wait3A_187 : memref<1x200x64xf32, #tpu.memory_space<hbm>> -> memref<200x64xf32, #tpu.memory_space<hbm>>
    tpu.wait_dma2 semaphore(%dma_wait3A_180 : memref<!tpu.dma_semaphore, #tpu.memory_space<semaphore_mem>>) src(%dma_wait3A_188 : memref<200x64xf32, #tpu.memory_space<hbm>>) dst(%dma_wait3A_184 : memref<200x64xf32, #tpu.memory_space<vmem>>)
    %dma_start3A_189 = arith.constant 0 : i32
    %dma_start3A_190 = arith.constant 0 : i32
    %dma_start3A_191 = arith.constant 0 : i32
    %dma_start3A_192 = arith.constant 0 : i32
    %dma_start3A_193 = tpu.memref_slice %arg6[%dma_start3A_189, %dma_start3A_191, %dma_start3A_192] : memref<3x200x64xf32, #tpu.memory_space<vmem>> -> memref<1x128x64xf32, #tpu.memory_space<vmem>>
    %dma_start3A_194 = tpu.memref_squeeze %dma_start3A_193 : memref<1x128x64xf32, #tpu.memory_space<vmem>> -> memref<128x64xf32, #tpu.memory_space<vmem>>
    %dma_start3A_195 = arith.constant 600 : i32
    %dma_start3A_196 = tpu.memref_slice %arg5[%dma_start3A_195] : memref<25600xi32, #tpu.memory_space<vmem>> -> memref<128xi32, #tpu.memory_space<vmem>>
    %dma_start3A_197 = arith.constant 0 : i32
    %dma_start3A_198 = arith.constant 0 : i32
    %dma_start3A_199 = tpu.memref_slice %arg3[%dma_start3A_197, %dma_start3A_198] : memref<1000000x64xf32, #tpu.memory_space<hbm>> -> memref<1000000x64xf32, #tpu.memory_space<hbm>>
    %dma_start3A_200 = tpu.memref_slice %arg7[%dma_start3A_190] : memref<3x!tpu.dma_semaphore, #tpu.memory_space<semaphore_mem>> -> memref<1x!tpu.dma_semaphore, #tpu.memory_space<semaphore_mem>>
    %dma_start3A_201 = tpu.memref_squeeze %dma_start3A_200 : memref<1x!tpu.dma_semaphore, #tpu.memory_space<semaphore_mem>> -> memref<!tpu.dma_semaphore, #tpu.memory_space<semaphore_mem>>
    tpu.enqueue_indirect_dma source(%dma_start3A_199 : memref<1000000x64xf32, #tpu.memory_space<hbm>>) target(%dma_start3A_194 : memref<128x64xf32, #tpu.memory_space<vmem>>) offsets(%dma_start3A_196 : memref<128xi32, #tpu.memory_space<vmem>>) semaphore(%dma_start3A_201 : memref<!tpu.dma_semaphore, #tpu.memory_space<semaphore_mem>>)
    %dma_start3A_202 = arith.constant 0 : i32
    %dma_start3A_203 = arith.constant 0 : i32
    %dma_start3A_204 = arith.constant 128 : i32
    %dma_start3A_205 = arith.constant 0 : i32
    %dma_start3A_206 = tpu.memref_slice %arg6[%dma_start3A_202, %dma_start3A_204, %dma_start3A_205] : memref<3x200x64xf32, #tpu.memory_space<vmem>> -> memref<1x72x64xf32, #tpu.memory_space<vmem>>
    %dma_start3A_207 = tpu.memref_squeeze %dma_start3A_206 : memref<1x72x64xf32, #tpu.memory_space<vmem>> -> memref<72x64xf32, #tpu.memory_space<vmem>>
    %dma_start3A_208 = arith.constant 728 : i32
    %dma_start3A_209 = tpu.memref_slice %arg5[%dma_start3A_208] : memref<25600xi32, #tpu.memory_space<vmem>> -> memref<72xi32, #tpu.memory_space<vmem>>
    %dma_start3A_210 = arith.constant 0 : i32
    %dma_start3A_211 = arith.constant 0 : i32
    %dma_start3A_212 = tpu.memref_slice %arg3[%dma_start3A_210, %dma_start3A_211] : memref<1000000x64xf32, #tpu.memory_space<hbm>> -> memref<1000000x64xf32, #tpu.memory_space<hbm>>
    %dma_start3A_213 = tpu.memref_slice %arg7[%dma_start3A_203] : memref<3x!tpu.dma_semaphore, #tpu.memory_space<semaphore_mem>> -> memref<1x!tpu.dma_semaphore, #tpu.memory_space<semaphore_mem>>
    %dma_start3A_214 = tpu.memref_squeeze %dma_start3A_213 : memref<1x!tpu.dma_semaphore, #tpu.memory_space<semaphore_mem>> -> memref<!tpu.dma_semaphore, #tpu.memory_space<semaphore_mem>>
    tpu.enqueue_indirect_dma source(%dma_start3A_212 : memref<1000000x64xf32, #tpu.memory_space<hbm>>) target(%dma_start3A_207 : memref<72x64xf32, #tpu.memory_space<vmem>>) offsets(%dma_start3A_209 : memref<72xi32, #tpu.memory_space<vmem>>) semaphore(%dma_start3A_214 : memref<!tpu.dma_semaphore, #tpu.memory_space<semaphore_mem>>)
    %dma_wait3A_215 = arith.constant 2 : i32
    %dma_wait3A_216 = arith.constant 2 : i32
    %dma_wait3A_217 = arith.constant 0 : i32
    %dma_wait3A_218 = arith.constant 0 : i32
    %dma_wait3A_219 = tpu.memref_slice %arg6[%dma_wait3A_215, %dma_wait3A_217, %dma_wait3A_218] : memref<3x200x64xf32, #tpu.memory_space<vmem>> -> memref<1x200x64xf32, #tpu.memory_space<vmem>>
    %dma_wait3A_220 = tpu.memref_squeeze %dma_wait3A_219 : memref<1x200x64xf32, #tpu.memory_space<vmem>> -> memref<200x64xf32, #tpu.memory_space<vmem>>
    %dma_wait3A_221 = arith.constant 0 : i32
    %dma_wait3A_222 = arith.constant 0 : i32
    %dma_wait3A_223 = tpu.memref_slice %arg3[%dma_wait3A_221, %dma_wait3A_222] : memref<1000000x64xf32, #tpu.memory_space<hbm>> -> memref<200x64xf32, #tpu.memory_space<hbm>>
    %dma_wait3A_224 = tpu.memref_slice %arg7[%dma_wait3A_216] : memref<3x!tpu.dma_semaphore, #tpu.memory_space<semaphore_mem>> -> memref<1x!tpu.dma_semaphore, #tpu.memory_space<semaphore_mem>>
    %dma_wait3A_225 = tpu.memref_squeeze %dma_wait3A_224 : memref<1x!tpu.dma_semaphore, #tpu.memory_space<semaphore_mem>> -> memref<!tpu.dma_semaphore, #tpu.memory_space<semaphore_mem>>
    %dma_wait3A_226 = arith.constant 0 : i32
    %dma_wait3A_227 = arith.constant 0 : i32
    %dma_wait3A_228 = tpu.memref_slice %arg6[%dma_wait3A_215, %dma_wait3A_226, %dma_wait3A_227] : memref<3x200x64xf32, #tpu.memory_space<vmem>> -> memref<1x200x64xf32, #tpu.memory_space<vmem>>
    %dma_wait3A_229 = tpu.memref_squeeze %dma_wait3A_228 : memref<1x200x64xf32, #tpu.memory_space<vmem>> -> memref<200x64xf32, #tpu.memory_space<vmem>>
    %dma_wait3A_230 = arith.constant 0 : i32
    %dma_wait3A_231 = arith.constant 0 : i32
    %dma_wait3A_232 = tpu.memref_slice %arg3[%dma_wait3A_230, %dma_wait3A_231] : memref<1000000x64xf32, #tpu.memory_space<hbm>> -> memref<200x64xf32, #tpu.memory_space<hbm>>
    tpu.wait_dma2 semaphore(%dma_wait3A_225 : memref<!tpu.dma_semaphore, #tpu.memory_space<semaphore_mem>>) src(%dma_wait3A_232 : memref<200x64xf32, #tpu.memory_space<hbm>>) dst(%dma_wait3A_229 : memref<200x64xf32, #tpu.memory_space<vmem>>)
    %parallel_loop3A_233 = arith.constant 0 : i32
    %parallel_loop3A_234 = arith.constant 200 : i32
    %parallel_loop3A_235 = arith.constant 1 : i32
    %parallel_loop3A_236 = arith.constant 2 : i32
    scf.for %parallel_loop3A_462 = %parallel_loop3A_233 to %parallel_loop3A_234 step %parallel_loop3A_235  : i32 {
      %parallel_loop3A_463 = arith.constant 0 : i32
      %parallel_loop3A_464 = arith.constant 0 : i32
      %parallel_loop3A_465 = tpu.memref_slice %arg6[%parallel_loop3A_236, %parallel_loop3A_463, %parallel_loop3A_464] : memref<3x200x64xf32, #tpu.memory_space<vmem>> -> memref<1x200x64xf32, #tpu.memory_space<vmem>>
      %parallel_loop3A_466 = tpu.memref_squeeze %parallel_loop3A_465 : memref<1x200x64xf32, #tpu.memory_space<vmem>> -> memref<200x64xf32, #tpu.memory_space<vmem>>
      %parallel_loop3A_467 = arith.index_cast %parallel_loop3A_462 : i32 to index
      %parallel_loop3A_468 = arith.constant 0 : index
      %parallel_loop3A_469 = tpu.vector_load %parallel_loop3A_466[%parallel_loop3A_467, %parallel_loop3A_468] {strides = array<i32>} : memref<200x64xf32, #tpu.memory_space<vmem>>, vector<1x16xf32>,
      %parallel_loop3A_470 = vector.shape_cast %parallel_loop3A_469 : vector<1x16xf32> to vector<16xf32>
      %parallel_loop3A_471 = arith.constant 8.000000e+00 : f32
      %parallel_loop3A_472 = vector.broadcast %parallel_loop3A_471 : f32 to vector<16xf32>
      %parallel_loop3A_473 = arith.mulf %parallel_loop3A_470, %parallel_loop3A_472 : vector<16xf32>
      %parallel_loop3A_474 = arith.constant 0 : i32
      %parallel_loop3A_475 = arith.constant 0 : i32
      %parallel_loop3A_476 = tpu.memref_slice %arg6[%parallel_loop3A_236, %parallel_loop3A_474, %parallel_loop3A_475] : memref<3x200x64xf32, #tpu.memory_space<vmem>> -> memref<1x200x64xf32, #tpu.memory_space<vmem>>
      %parallel_loop3A_477 = tpu.memref_squeeze %parallel_loop3A_476 : memref<1x200x64xf32, #tpu.memory_space<vmem>> -> memref<200x64xf32, #tpu.memory_space<vmem>>
      %parallel_loop3A_478 = arith.index_cast %parallel_loop3A_462 : i32 to index
      %parallel_loop3A_479 = arith.constant 0 : index
      %parallel_loop3A_480 = tpu.vector_load %parallel_loop3A_477[%parallel_loop3A_478, %parallel_loop3A_479] {strides = array<i32>} : memref<200x64xf32, #tpu.memory_space<vmem>>, vector<1x16xf32>,
      %parallel_loop3A_481 = vector.shape_cast %parallel_loop3A_480 : vector<1x16xf32> to vector<16xf32>
      %parallel_loop3A_482 = vector.shape_cast %parallel_loop3A_473 : vector<16xf32> to vector<1x16xf32>
      tpu.vector_store %parallel_loop3A_477[%parallel_loop3A_478, %parallel_loop3A_479], %parallel_loop3A_482 {strides = array<i32>} : memref<200x64xf32, #tpu.memory_space<vmem>>, vector<1x16xf32>,
      %parallel_loop3A_483 = arith.constant 0 : i32
      %parallel_loop3A_484 = arith.constant 0 : i32
      %parallel_loop3A_485 = tpu.memref_slice %arg6[%parallel_loop3A_236, %parallel_loop3A_483, %parallel_loop3A_484] : memref<3x200x64xf32, #tpu.memory_space<vmem>> -> memref<1x200x64xf32, #tpu.memory_space<vmem>>
      %parallel_loop3A_486 = tpu.memref_squeeze %parallel_loop3A_485 : memref<1x200x64xf32, #tpu.memory_space<vmem>> -> memref<200x64xf32, #tpu.memory_space<vmem>>
      %parallel_loop3A_487 = arith.index_cast %parallel_loop3A_462 : i32 to index
      %parallel_loop3A_488 = arith.constant 16 : index
      %parallel_loop3A_489 = tpu.vector_load %parallel_loop3A_486[%parallel_loop3A_487, %parallel_loop3A_488] {strides = array<i32>} : memref<200x64xf32, #tpu.memory_space<vmem>>, vector<1x16xf32>,
      %parallel_loop3A_490 = vector.shape_cast %parallel_loop3A_489 : vector<1x16xf32> to vector<16xf32>
      %parallel_loop3A_491 = arith.constant 8.000000e+00 : f32
      %parallel_loop3A_492 = vector.broadcast %parallel_loop3A_491 : f32 to vector<16xf32>
      %parallel_loop3A_493 = arith.mulf %parallel_loop3A_490, %parallel_loop3A_492 : vector<16xf32>
      %parallel_loop3A_494 = arith.constant 0 : i32
      %parallel_loop3A_495 = arith.constant 0 : i32
      %parallel_loop3A_496 = tpu.memref_slice %arg6[%parallel_loop3A_236, %parallel_loop3A_494, %parallel_loop3A_495] : memref<3x200x64xf32, #tpu.memory_space<vmem>> -> memref<1x200x64xf32, #tpu.memory_space<vmem>>
      %parallel_loop3A_497 = tpu.memref_squeeze %parallel_loop3A_496 : memref<1x200x64xf32, #tpu.memory_space<vmem>> -> memref<200x64xf32, #tpu.memory_space<vmem>>
      %parallel_loop3A_498 = arith.index_cast %parallel_loop3A_462 : i32 to index
      %parallel_loop3A_499 = arith.constant 16 : index
      %parallel_loop3A_500 = tpu.vector_load %parallel_loop3A_497[%parallel_loop3A_498, %parallel_loop3A_499] {strides = array<i32>} : memref<200x64xf32, #tpu.memory_space<vmem>>, vector<1x16xf32>,
      %parallel_loop3A_501 = vector.shape_cast %parallel_loop3A_500 : vector<1x16xf32> to vector<16xf32>
      %parallel_loop3A_502 = vector.shape_cast %parallel_loop3A_493 : vector<16xf32> to vector<1x16xf32>
      tpu.vector_store %parallel_loop3A_497[%parallel_loop3A_498, %parallel_loop3A_499], %parallel_loop3A_502 {strides = array<i32>} : memref<200x64xf32, #tpu.memory_space<vmem>>, vector<1x16xf32>,
      %parallel_loop3A_503 = arith.constant 0 : i32
      %parallel_loop3A_504 = arith.constant 0 : i32
      %parallel_loop3A_505 = tpu.memref_slice %arg6[%parallel_loop3A_236, %parallel_loop3A_503, %parallel_loop3A_504] : memref<3x200x64xf32, #tpu.memory_space<vmem>> -> memref<1x200x64xf32, #tpu.memory_space<vmem>>
      %parallel_loop3A_506 = tpu.memref_squeeze %parallel_loop3A_505 : memref<1x200x64xf32, #tpu.memory_space<vmem>> -> memref<200x64xf32, #tpu.memory_space<vmem>>
      %parallel_loop3A_507 = arith.index_cast %parallel_loop3A_462 : i32 to index
      %parallel_loop3A_508 = arith.constant 32 : index
      %parallel_loop3A_509 = tpu.vector_load %parallel_loop3A_506[%parallel_loop3A_507, %parallel_loop3A_508] {strides = array<i32>} : memref<200x64xf32, #tpu.memory_space<vmem>>, vector<1x16xf32>,
      %parallel_loop3A_510 = vector.shape_cast %parallel_loop3A_509 : vector<1x16xf32> to vector<16xf32>
      %parallel_loop3A_511 = arith.constant 8.000000e+00 : f32
      %parallel_loop3A_512 = vector.broadcast %parallel_loop3A_511 : f32 to vector<16xf32>
      %parallel_loop3A_513 = arith.mulf %parallel_loop3A_510, %parallel_loop3A_512 : vector<16xf32>
      %parallel_loop3A_514 = arith.constant 0 : i32
      %parallel_loop3A_515 = arith.constant 0 : i32
      %parallel_loop3A_516 = tpu.memref_slice %arg6[%parallel_loop3A_236, %parallel_loop3A_514, %parallel_loop3A_515] : memref<3x200x64xf32, #tpu.memory_space<vmem>> -> memref<1x200x64xf32, #tpu.memory_space<vmem>>
      %parallel_loop3A_517 = tpu.memref_squeeze %parallel_loop3A_516 : memref<1x200x64xf32, #tpu.memory_space<vmem>> -> memref<200x64xf32, #tpu.memory_space<vmem>>
      %parallel_loop3A_518 = arith.index_cast %parallel_loop3A_462 : i32 to index
      %parallel_loop3A_519 = arith.constant 32 : index
      %parallel_loop3A_520 = tpu.vector_load %parallel_loop3A_517[%parallel_loop3A_518, %parallel_loop3A_519] {strides = array<i32>} : memref<200x64xf32, #tpu.memory_space<vmem>>, vector<1x16xf32>,
      %parallel_loop3A_521 = vector.shape_cast %parallel_loop3A_520 : vector<1x16xf32> to vector<16xf32>
      %parallel_loop3A_522 = vector.shape_cast %parallel_loop3A_513 : vector<16xf32> to vector<1x16xf32>
      tpu.vector_store %parallel_loop3A_517[%parallel_loop3A_518, %parallel_loop3A_519], %parallel_loop3A_522 {strides = array<i32>} : memref<200x64xf32, #tpu.memory_space<vmem>>, vector<1x16xf32>,
      %parallel_loop3A_523 = arith.constant 0 : i32
      %parallel_loop3A_524 = arith.constant 0 : i32
      %parallel_loop3A_525 = tpu.memref_slice %arg6[%parallel_loop3A_236, %parallel_loop3A_523, %parallel_loop3A_524] : memref<3x200x64xf32, #tpu.memory_space<vmem>> -> memref<1x200x64xf32, #tpu.memory_space<vmem>>
      %parallel_loop3A_526 = tpu.memref_squeeze %parallel_loop3A_525 : memref<1x200x64xf32, #tpu.memory_space<vmem>> -> memref<200x64xf32, #tpu.memory_space<vmem>>
      %parallel_loop3A_527 = arith.index_cast %parallel_loop3A_462 : i32 to index
      %parallel_loop3A_528 = arith.constant 48 : index
      %parallel_loop3A_529 = tpu.vector_load %parallel_loop3A_526[%parallel_loop3A_527, %parallel_loop3A_528] {strides = array<i32>} : memref<200x64xf32, #tpu.memory_space<vmem>>, vector<1x16xf32>,
      %parallel_loop3A_530 = vector.shape_cast %parallel_loop3A_529 : vector<1x16xf32> to vector<16xf32>
      %parallel_loop3A_531 = arith.constant 8.000000e+00 : f32
      %parallel_loop3A_532 = vector.broadcast %parallel_loop3A_531 : f32 to vector<16xf32>
      %parallel_loop3A_533 = arith.mulf %parallel_loop3A_530, %parallel_loop3A_532 : vector<16xf32>
      %parallel_loop3A_534 = arith.constant 0 : i32
      %parallel_loop3A_535 = arith.constant 0 : i32
      %parallel_loop3A_536 = tpu.memref_slice %arg6[%parallel_loop3A_236, %parallel_loop3A_534, %parallel_loop3A_535] : memref<3x200x64xf32, #tpu.memory_space<vmem>> -> memref<1x200x64xf32, #tpu.memory_space<vmem>>
      %parallel_loop3A_537 = tpu.memref_squeeze %parallel_loop3A_536 : memref<1x200x64xf32, #tpu.memory_space<vmem>> -> memref<200x64xf32, #tpu.memory_space<vmem>>
      %parallel_loop3A_538 = arith.index_cast %parallel_loop3A_462 : i32 to index
      %parallel_loop3A_539 = arith.constant 48 : index
      %parallel_loop3A_540 = tpu.vector_load %parallel_loop3A_537[%parallel_loop3A_538, %parallel_loop3A_539] {strides = array<i32>} : memref<200x64xf32, #tpu.memory_space<vmem>>, vector<1x16xf32>,
      %parallel_loop3A_541 = vector.shape_cast %parallel_loop3A_540 : vector<1x16xf32> to vector<16xf32>
      %parallel_loop3A_542 = vector.shape_cast %parallel_loop3A_533 : vector<16xf32> to vector<1x16xf32>
      tpu.vector_store %parallel_loop3A_537[%parallel_loop3A_538, %parallel_loop3A_539], %parallel_loop3A_542 {strides = array<i32>} : memref<200x64xf32, #tpu.memory_space<vmem>>, vector<1x16xf32>,
    } {sc.loop_unroll_factor = 8 : i64, sc.parallel_access}
    %add3A_237 = arith.constant 2 : i32
    %add3A_238 = arith.addi %mul3A_2, %add3A_237 : i32
    %dma_start3A_239 = arith.constant 2 : i32
    %dma_start3A_240 = arith.constant 2 : i32
    %dma_start3A_241 = arith.constant 0 : i32
    %dma_start3A_242 = arith.constant 0 : i32
    %dma_start3A_243 = tpu.memref_slice %arg6[%dma_start3A_239, %dma_start3A_241, %dma_start3A_242] : memref<3x200x64xf32, #tpu.memory_space<vmem>> -> memref<1x200x64xf32, #tpu.memory_space<vmem>>
    %dma_start3A_244 = tpu.memref_squeeze %dma_start3A_243 : memref<1x200x64xf32, #tpu.memory_space<vmem>> -> memref<200x64xf32, #tpu.memory_space<vmem>>
    %dma_start3A_245 = arith.constant 0 : i32
    %dma_start3A_246 = arith.constant 0 : i32
    %dma_start3A_247 = tpu.memref_slice %arg4[%add3A_238, %dma_start3A_245, %dma_start3A_246] : memref<4096x200x128xf32, #tpu.memory_space<hbm>> -> memref<1x200x64xf32, #tpu.memory_space<hbm>>
    %dma_start3A_248 = tpu.memref_squeeze %dma_start3A_247 : memref<1x200x64xf32, #tpu.memory_space<hbm>> -> memref<200x64xf32, #tpu.memory_space<hbm>>
    %dma_start3A_249 = tpu.memref_slice %arg8[%dma_start3A_240] : memref<3x!tpu.dma_semaphore, #tpu.memory_space<semaphore_mem>> -> memref<1x!tpu.dma_semaphore, #tpu.memory_space<semaphore_mem>>
    %dma_start3A_250 = tpu.memref_squeeze %dma_start3A_249 : memref<1x!tpu.dma_semaphore, #tpu.memory_space<semaphore_mem>> -> memref<!tpu.dma_semaphore, #tpu.memory_space<semaphore_mem>>
    %dma_start3A_251 = arith.constant 0 : i32
    %dma_start3A_252 = arith.constant 0 : i32
    %dma_start3A_253 = tpu.memref_slice %arg4[%add3A_238, %dma_start3A_251, %dma_start3A_252] : memref<4096x200x128xf32, #tpu.memory_space<hbm>> -> memref<1x200x64xf32, #tpu.memory_space<hbm>>
    %dma_start3A_254 = tpu.memref_squeeze %dma_start3A_253 : memref<1x200x64xf32, #tpu.memory_space<hbm>> -> memref<200x64xf32, #tpu.memory_space<hbm>>
    %dma_start3A_255 = arith.constant 0 : i32
    %dma_start3A_256 = arith.constant 0 : i32
    %dma_start3A_257 = tpu.memref_slice %arg6[%dma_start3A_239, %dma_start3A_255, %dma_start3A_256] : memref<3x200x64xf32, #tpu.memory_space<vmem>> -> memref<1x200x64xf32, #tpu.memory_space<vmem>>
    %dma_start3A_258 = tpu.memref_squeeze %dma_start3A_257 : memref<1x200x64xf32, #tpu.memory_space<vmem>> -> memref<200x64xf32, #tpu.memory_space<vmem>>
    tpu.enqueue_dma source(%dma_start3A_258 : memref<200x64xf32, #tpu.memory_space<vmem>>) target(%dma_start3A_254 : memref<200x64xf32, #tpu.memory_space<hbm>>) target_semaphore(%dma_start3A_250 : memref<!tpu.dma_semaphore, #tpu.memory_space<semaphore_mem>>)
    %dma_wait3A_259 = arith.constant 0 : i32
    %dma_wait3A_260 = arith.constant 1 : i32
    %dma_wait3A_261 = arith.constant 1 : i32
    %dma_wait3A_262 = arith.constant 0 : i32
    %dma_wait3A_263 = arith.constant 0 : i32
    %dma_wait3A_264 = tpu.memref_slice %arg6[%dma_wait3A_260, %dma_wait3A_262, %dma_wait3A_263] : memref<3x200x64xf32, #tpu.memory_space<vmem>> -> memref<1x200x64xf32, #tpu.memory_space<vmem>>
    %dma_wait3A_265 = tpu.memref_squeeze %dma_wait3A_264 : memref<1x200x64xf32, #tpu.memory_space<vmem>> -> memref<200x64xf32, #tpu.memory_space<vmem>>
    %dma_wait3A_266 = arith.constant 0 : i32
    %dma_wait3A_267 = arith.constant 0 : i32
    %dma_wait3A_268 = tpu.memref_slice %arg4[%dma_wait3A_259, %dma_wait3A_266, %dma_wait3A_267] : memref<4096x200x128xf32, #tpu.memory_space<hbm>> -> memref<1x200x64xf32, #tpu.memory_space<hbm>>
    %dma_wait3A_269 = tpu.memref_squeeze %dma_wait3A_268 : memref<1x200x64xf32, #tpu.memory_space<hbm>> -> memref<200x64xf32, #tpu.memory_space<hbm>>
    %dma_wait3A_270 = tpu.memref_slice %arg8[%dma_wait3A_261] : memref<3x!tpu.dma_semaphore, #tpu.memory_space<semaphore_mem>> -> memref<1x!tpu.dma_semaphore, #tpu.memory_space<semaphore_mem>>
    %dma_wait3A_271 = tpu.memref_squeeze %dma_wait3A_270 : memref<1x!tpu.dma_semaphore, #tpu.memory_space<semaphore_mem>> -> memref<!tpu.dma_semaphore, #tpu.memory_space<semaphore_mem>>
    %dma_wait3A_272 = arith.constant 0 : i32
    %dma_wait3A_273 = arith.constant 0 : i32
    %dma_wait3A_274 = tpu.memref_slice %arg6[%dma_wait3A_260, %dma_wait3A_272, %dma_wait3A_273] : memref<3x200x64xf32, #tpu.memory_space<vmem>> -> memref<1x200x64xf32, #tpu.memory_space<vmem>>
    %dma_wait3A_275 = tpu.memref_squeeze %dma_wait3A_274 : memref<1x200x64xf32, #tpu.memory_space<vmem>> -> memref<200x64xf32, #tpu.memory_space<vmem>>
    %dma_wait3A_276 = arith.constant 0 : i32
    %dma_wait3A_277 = arith.constant 0 : i32
    %dma_wait3A_278 = tpu.memref_slice %arg4[%dma_wait3A_259, %dma_wait3A_276, %dma_wait3A_277] : memref<4096x200x128xf32, #tpu.memory_space<hbm>> -> memref<1x200x64xf32, #tpu.memory_space<hbm>>
    %dma_wait3A_279 = tpu.memref_squeeze %dma_wait3A_278 : memref<1x200x64xf32, #tpu.memory_space<hbm>> -> memref<200x64xf32, #tpu.memory_space<hbm>>
    tpu.wait_dma2 semaphore(%dma_wait3A_271 : memref<!tpu.dma_semaphore, #tpu.memory_space<semaphore_mem>>) src(%dma_wait3A_279 : memref<200x64xf32, #tpu.memory_space<hbm>>) dst(%dma_wait3A_275 : memref<200x64xf32, #tpu.memory_space<vmem>>)
    %dma_start3A_280 = arith.constant 1 : i32
    %dma_start3A_281 = arith.constant 1 : i32
    %dma_start3A_282 = arith.constant 0 : i32
    %dma_start3A_283 = arith.constant 0 : i32
    %dma_start3A_284 = tpu.memref_slice %arg6[%dma_start3A_280, %dma_start3A_282, %dma_start3A_283] : memref<3x200x64xf32, #tpu.memory_space<vmem>> -> memref<1x128x64xf32, #tpu.memory_space<vmem>>
    %dma_start3A_285 = tpu.memref_squeeze %dma_start3A_284 : memref<1x128x64xf32, #tpu.memory_space<vmem>> -> memref<128x64xf32, #tpu.memory_space<vmem>>
    %dma_start3A_286 = arith.constant 800 : i32
    %dma_start3A_287 = tpu.memref_slice %arg5[%dma_start3A_286] : memref<25600xi32, #tpu.memory_space<vmem>> -> memref<128xi32, #tpu.memory_space<vmem>>
    %dma_start3A_288 = arith.constant 0 : i32
    %dma_start3A_289 = arith.constant 0 : i32
    %dma_start3A_290 = tpu.memref_slice %arg3[%dma_start3A_288, %dma_start3A_289] : memref<1000000x64xf32, #tpu.memory_space<hbm>> -> memref<1000000x64xf32, #tpu.memory_space<hbm>>
    %dma_start3A_291 = tpu.memref_slice %arg7[%dma_start3A_281] : memref<3x!tpu.dma_semaphore, #tpu.memory_space<semaphore_mem>> -> memref<1x!tpu.dma_semaphore, #tpu.memory_space<semaphore_mem>>
    %dma_start3A_292 = tpu.memref_squeeze %dma_start3A_291 : memref<1x!tpu.dma_semaphore, #tpu.memory_space<semaphore_mem>> -> memref<!tpu.dma_semaphore, #tpu.memory_space<semaphore_mem>>
    tpu.enqueue_indirect_dma source(%dma_start3A_290 : memref<1000000x64xf32, #tpu.memory_space<hbm>>) target(%dma_start3A_285 : memref<128x64xf32, #tpu.memory_space<vmem>>) offsets(%dma_start3A_287 : memref<128xi32, #tpu.memory_space<vmem>>) semaphore(%dma_start3A_292 : memref<!tpu.dma_semaphore, #tpu.memory_space<semaphore_mem>>)
    %dma_start3A_293 = arith.constant 1 : i32
    %dma_start3A_294 = arith.constant 1 : i32
    %dma_start3A_295 = arith.constant 128 : i32
    %dma_start3A_296 = arith.constant 0 : i32
    %dma_start3A_297 = tpu.memref_slice %arg6[%dma_start3A_293, %dma_start3A_295, %dma_start3A_296] : memref<3x200x64xf32, #tpu.memory_space<vmem>> -> memref<1x72x64xf32, #tpu.memory_space<vmem>>
    %dma_start3A_298 = tpu.memref_squeeze %dma_start3A_297 : memref<1x72x64xf32, #tpu.memory_space<vmem>> -> memref<72x64xf32, #tpu.memory_space<vmem>>
    %dma_start3A_299 = arith.constant 928 : i32
    %dma_start3A_300 = tpu.memref_slice %arg5[%dma_start3A_299] : memref<25600xi32, #tpu.memory_space<vmem>> -> memref<72xi32, #tpu.memory_space<vmem>>
    %dma_start3A_301 = arith.constant 0 : i32
    %dma_start3A_302 = arith.constant 0 : i32
    %dma_start3A_303 = tpu.memref_slice %arg3[%dma_start3A_301, %dma_start3A_302] : memref<1000000x64xf32, #tpu.memory_space<hbm>> -> memref<1000000x64xf32, #tpu.memory_space<hbm>>
    %dma_start3A_304 = tpu.memref_slice %arg7[%dma_start3A_294] : memref<3x!tpu.dma_semaphore, #tpu.memory_space<semaphore_mem>> -> memref<1x!tpu.dma_semaphore, #tpu.memory_space<semaphore_mem>>
    %dma_start3A_305 = tpu.memref_squeeze %dma_start3A_304 : memref<1x!tpu.dma_semaphore, #tpu.memory_space<semaphore_mem>> -> memref<!tpu.dma_semaphore, #tpu.memory_space<semaphore_mem>>
    tpu.enqueue_indirect_dma source(%dma_start3A_303 : memref<1000000x64xf32, #tpu.memory_space<hbm>>) target(%dma_start3A_298 : memref<72x64xf32, #tpu.memory_space<vmem>>) offsets(%dma_start3A_300 : memref<72xi32, #tpu.memory_space<vmem>>) semaphore(%dma_start3A_305 : memref<!tpu.dma_semaphore, #tpu.memory_space<semaphore_mem>>)
    %scan3A = arith.constant 0 : i32
    %scan3A_306 = arith.constant 1 : i32
    %scan3A_307 = arith.constant 41 : i32
    %scan3A_308 = arith.addi %scan3A_306, %scan3A_307 : i32
    %scan3A_309 = arith.constant 1 : i32
    scf.for %scan3A_462 = %scan3A_306 to %scan3A_308 step %scan3A_309  : i32 {
      %mul3A_463 = arith.constant 3 : i32
      %mul3A_464 = arith.muli %mul3A_463, %scan3A_462 : i32
      %add3A_465 = arith.constant 0 : i32
      %add3A_466 = arith.addi %mul3A_464, %add3A_465 : i32
      %dma_wait3A_467 = arith.constant 0 : i32
      %dma_wait3A_468 = arith.constant 0 : i32
      %dma_wait3A_469 = arith.constant 0 : i32
      %dma_wait3A_470 = arith.constant 0 : i32
      %dma_wait3A_471 = tpu.memref_slice %arg6[%dma_wait3A_467, %dma_wait3A_469, %dma_wait3A_470] : memref<3x200x64xf32, #tpu.memory_space<vmem>> -> memref<1x200x64xf32, #tpu.memory_space<vmem>>
      %dma_wait3A_472 = tpu.memref_squeeze %dma_wait3A_471 : memref<1x200x64xf32, #tpu.memory_space<vmem>> -> memref<200x64xf32, #tpu.memory_space<vmem>>
      %dma_wait3A_473 = arith.constant 0 : i32
      %dma_wait3A_474 = arith.constant 0 : i32
      %dma_wait3A_475 = tpu.memref_slice %arg3[%dma_wait3A_473, %dma_wait3A_474] : memref<1000000x64xf32, #tpu.memory_space<hbm>> -> memref<200x64xf32, #tpu.memory_space<hbm>>
      %dma_wait3A_476 = tpu.memref_slice %arg7[%dma_wait3A_468] : memref<3x!tpu.dma_semaphore, #tpu.memory_space<semaphore_mem>> -> memref<1x!tpu.dma_semaphore, #tpu.memory_space<semaphore_mem>>
      %dma_wait3A_477 = tpu.memref_squeeze %dma_wait3A_476 : memref<1x!tpu.dma_semaphore, #tpu.memory_space<semaphore_mem>> -> memref<!tpu.dma_semaphore, #tpu.memory_space<semaphore_mem>>
      %dma_wait3A_478 = arith.constant 0 : i32
      %dma_wait3A_479 = arith.constant 0 : i32
      %dma_wait3A_480 = tpu.memref_slice %arg6[%dma_wait3A_467, %dma_wait3A_478, %dma_wait3A_479] : memref<3x200x64xf32, #tpu.memory_space<vmem>> -> memref<1x200x64xf32, #tpu.memory_space<vmem>>
      %dma_wait3A_481 = tpu.memref_squeeze %dma_wait3A_480 : memref<1x200x64xf32, #tpu.memory_space<vmem>> -> memref<200x64xf32, #tpu.memory_space<vmem>>
      %dma_wait3A_482 = arith.constant 0 : i32
      %dma_wait3A_483 = arith.constant 0 : i32
      %dma_wait3A_484 = tpu.memref_slice %arg3[%dma_wait3A_482, %dma_wait3A_483] : memref<1000000x64xf32, #tpu.memory_space<hbm>> -> memref<200x64xf32, #tpu.memory_space<hbm>>
      tpu.wait_dma2 semaphore(%dma_wait3A_477 : memref<!tpu.dma_semaphore, #tpu.memory_space<semaphore_mem>>) src(%dma_wait3A_484 : memref<200x64xf32, #tpu.memory_space<hbm>>) dst(%dma_wait3A_481 : memref<200x64xf32, #tpu.memory_space<vmem>>)
      %parallel_loop3A_485 = arith.constant 0 : i32
      %parallel_loop3A_486 = arith.constant 200 : i32
      %parallel_loop3A_487 = arith.constant 1 : i32
      %parallel_loop3A_488 = arith.constant 0 : i32
      scf.for %parallel_loop3A_753 = %parallel_loop3A_485 to %parallel_loop3A_486 step %parallel_loop3A_487  : i32 {
        %parallel_loop3A_754 = arith.constant 0 : i32
        %parallel_loop3A_755 = arith.constant 0 : i32
        %parallel_loop3A_756 = tpu.memref_slice %arg6[%parallel_loop3A_488, %parallel_loop3A_754, %parallel_loop3A_755] : memref<3x200x64xf32, #tpu.memory_space<vmem>> -> memref<1x200x64xf32, #tpu.memory_space<vmem>>
        %parallel_loop3A_757 = tpu.memref_squeeze %parallel_loop3A_756 : memref<1x200x64xf32, #tpu.memory_space<vmem>> -> memref<200x64xf32, #tpu.memory_space<vmem>>
        %parallel_loop3A_758 = arith.index_cast %parallel_loop3A_753 : i32 to index
        %parallel_loop3A_759 = arith.constant 0 : index
        %parallel_loop3A_760 = tpu.vector_load %parallel_loop3A_757[%parallel_loop3A_758, %parallel_loop3A_759] {strides = array<i32>} : memref<200x64xf32, #tpu.memory_space<vmem>>, vector<1x16xf32>,
        %parallel_loop3A_761 = vector.shape_cast %parallel_loop3A_760 : vector<1x16xf32> to vector<16xf32>
        %parallel_loop3A_762 = arith.constant 8.000000e+00 : f32
        %parallel_loop3A_763 = vector.broadcast %parallel_loop3A_762 : f32 to vector<16xf32>
        %parallel_loop3A_764 = arith.mulf %parallel_loop3A_761, %parallel_loop3A_763 : vector<16xf32>
        %parallel_loop3A_765 = arith.constant 0 : i32
        %parallel_loop3A_766 = arith.constant 0 : i32
        %parallel_loop3A_767 = tpu.memref_slice %arg6[%parallel_loop3A_488, %parallel_loop3A_765, %parallel_loop3A_766] : memref<3x200x64xf32, #tpu.memory_space<vmem>> -> memref<1x200x64xf32, #tpu.memory_space<vmem>>
        %parallel_loop3A_768 = tpu.memref_squeeze %parallel_loop3A_767 : memref<1x200x64xf32, #tpu.memory_space<vmem>> -> memref<200x64xf32, #tpu.memory_space<vmem>>
        %parallel_loop3A_769 = arith.index_cast %parallel_loop3A_753 : i32 to index
        %parallel_loop3A_770 = arith.constant 0 : index
        %parallel_loop3A_771 = tpu.vector_load %parallel_loop3A_768[%parallel_loop3A_769, %parallel_loop3A_770] {strides = array<i32>} : memref<200x64xf32, #tpu.memory_space<vmem>>, vector<1x16xf32>,
        %parallel_loop3A_772 = vector.shape_cast %parallel_loop3A_771 : vector<1x16xf32> to vector<16xf32>
        %parallel_loop3A_773 = vector.shape_cast %parallel_loop3A_764 : vector<16xf32> to vector<1x16xf32>
        tpu.vector_store %parallel_loop3A_768[%parallel_loop3A_769, %parallel_loop3A_770], %parallel_loop3A_773 {strides = array<i32>} : memref<200x64xf32, #tpu.memory_space<vmem>>, vector<1x16xf32>,
        %parallel_loop3A_774 = arith.constant 0 : i32
        %parallel_loop3A_775 = arith.constant 0 : i32
        %parallel_loop3A_776 = tpu.memref_slice %arg6[%parallel_loop3A_488, %parallel_loop3A_774, %parallel_loop3A_775] : memref<3x200x64xf32, #tpu.memory_space<vmem>> -> memref<1x200x64xf32, #tpu.memory_space<vmem>>
        %parallel_loop3A_777 = tpu.memref_squeeze %parallel_loop3A_776 : memref<1x200x64xf32, #tpu.memory_space<vmem>> -> memref<200x64xf32, #tpu.memory_space<vmem>>
        %parallel_loop3A_778 = arith.index_cast %parallel_loop3A_753 : i32 to index
        %parallel_loop3A_779 = arith.constant 16 : index
        %parallel_loop3A_780 = tpu.vector_load %parallel_loop3A_777[%parallel_loop3A_778, %parallel_loop3A_779] {strides = array<i32>} : memref<200x64xf32, #tpu.memory_space<vmem>>, vector<1x16xf32>,
        %parallel_loop3A_781 = vector.shape_cast %parallel_loop3A_780 : vector<1x16xf32> to vector<16xf32>
        %parallel_loop3A_782 = arith.constant 8.000000e+00 : f32
        %parallel_loop3A_783 = vector.broadcast %parallel_loop3A_782 : f32 to vector<16xf32>
        %parallel_loop3A_784 = arith.mulf %parallel_loop3A_781, %parallel_loop3A_783 : vector<16xf32>
        %parallel_loop3A_785 = arith.constant 0 : i32
        %parallel_loop3A_786 = arith.constant 0 : i32
        %parallel_loop3A_787 = tpu.memref_slice %arg6[%parallel_loop3A_488, %parallel_loop3A_785, %parallel_loop3A_786] : memref<3x200x64xf32, #tpu.memory_space<vmem>> -> memref<1x200x64xf32, #tpu.memory_space<vmem>>
        %parallel_loop3A_788 = tpu.memref_squeeze %parallel_loop3A_787 : memref<1x200x64xf32, #tpu.memory_space<vmem>> -> memref<200x64xf32, #tpu.memory_space<vmem>>
        %parallel_loop3A_789 = arith.index_cast %parallel_loop3A_753 : i32 to index
        %parallel_loop3A_790 = arith.constant 16 : index
        %parallel_loop3A_791 = tpu.vector_load %parallel_loop3A_788[%parallel_loop3A_789, %parallel_loop3A_790] {strides = array<i32>} : memref<200x64xf32, #tpu.memory_space<vmem>>, vector<1x16xf32>,
        %parallel_loop3A_792 = vector.shape_cast %parallel_loop3A_791 : vector<1x16xf32> to vector<16xf32>
        %parallel_loop3A_793 = vector.shape_cast %parallel_loop3A_784 : vector<16xf32> to vector<1x16xf32>
        tpu.vector_store %parallel_loop3A_788[%parallel_loop3A_789, %parallel_loop3A_790], %parallel_loop3A_793 {strides = array<i32>} : memref<200x64xf32, #tpu.memory_space<vmem>>, vector<1x16xf32>,
        %parallel_loop3A_794 = arith.constant 0 : i32
        %parallel_loop3A_795 = arith.constant 0 : i32
        %parallel_loop3A_796 = tpu.memref_slice %arg6[%parallel_loop3A_488, %parallel_loop3A_794, %parallel_loop3A_795] : memref<3x200x64xf32, #tpu.memory_space<vmem>> -> memref<1x200x64xf32, #tpu.memory_space<vmem>>
        %parallel_loop3A_797 = tpu.memref_squeeze %parallel_loop3A_796 : memref<1x200x64xf32, #tpu.memory_space<vmem>> -> memref<200x64xf32, #tpu.memory_space<vmem>>
        %parallel_loop3A_798 = arith.index_cast %parallel_loop3A_753 : i32 to index
        %parallel_loop3A_799 = arith.constant 32 : index
        %parallel_loop3A_800 = tpu.vector_load %parallel_loop3A_797[%parallel_loop3A_798, %parallel_loop3A_799] {strides = array<i32>} : memref<200x64xf32, #tpu.memory_space<vmem>>, vector<1x16xf32>,
        %parallel_loop3A_801 = vector.shape_cast %parallel_loop3A_800 : vector<1x16xf32> to vector<16xf32>
        %parallel_loop3A_802 = arith.constant 8.000000e+00 : f32
        %parallel_loop3A_803 = vector.broadcast %parallel_loop3A_802 : f32 to vector<16xf32>
        %parallel_loop3A_804 = arith.mulf %parallel_loop3A_801, %parallel_loop3A_803 : vector<16xf32>
        %parallel_loop3A_805 = arith.constant 0 : i32
        %parallel_loop3A_806 = arith.constant 0 : i32
        %parallel_loop3A_807 = tpu.memref_slice %arg6[%parallel_loop3A_488, %parallel_loop3A_805, %parallel_loop3A_806] : memref<3x200x64xf32, #tpu.memory_space<vmem>> -> memref<1x200x64xf32, #tpu.memory_space<vmem>>
        %parallel_loop3A_808 = tpu.memref_squeeze %parallel_loop3A_807 : memref<1x200x64xf32, #tpu.memory_space<vmem>> -> memref<200x64xf32, #tpu.memory_space<vmem>>
        %parallel_loop3A_809 = arith.index_cast %parallel_loop3A_753 : i32 to index
        %parallel_loop3A_810 = arith.constant 32 : index
        %parallel_loop3A_811 = tpu.vector_load %parallel_loop3A_808[%parallel_loop3A_809, %parallel_loop3A_810] {strides = array<i32>} : memref<200x64xf32, #tpu.memory_space<vmem>>, vector<1x16xf32>,
        %parallel_loop3A_812 = vector.shape_cast %parallel_loop3A_811 : vector<1x16xf32> to vector<16xf32>
        %parallel_loop3A_813 = vector.shape_cast %parallel_loop3A_804 : vector<16xf32> to vector<1x16xf32>
        tpu.vector_store %parallel_loop3A_808[%parallel_loop3A_809, %parallel_loop3A_810], %parallel_loop3A_813 {strides = array<i32>} : memref<200x64xf32, #tpu.memory_space<vmem>>, vector<1x16xf32>,
        %parallel_loop3A_814 = arith.constant 0 : i32
        %parallel_loop3A_815 = arith.constant 0 : i32
        %parallel_loop3A_816 = tpu.memref_slice %arg6[%parallel_loop3A_488, %parallel_loop3A_814, %parallel_loop3A_815] : memref<3x200x64xf32, #tpu.memory_space<vmem>> -> memref<1x200x64xf32, #tpu.memory_space<vmem>>
        %parallel_loop3A_817 = tpu.memref_squeeze %parallel_loop3A_816 : memref<1x200x64xf32, #tpu.memory_space<vmem>> -> memref<200x64xf32, #tpu.memory_space<vmem>>
        %parallel_loop3A_818 = arith.index_cast %parallel_loop3A_753 : i32 to index
        %parallel_loop3A_819 = arith.constant 48 : index
        %parallel_loop3A_820 = tpu.vector_load %parallel_loop3A_817[%parallel_loop3A_818, %parallel_loop3A_819] {strides = array<i32>} : memref<200x64xf32, #tpu.memory_space<vmem>>, vector<1x16xf32>,
        %parallel_loop3A_821 = vector.shape_cast %parallel_loop3A_820 : vector<1x16xf32> to vector<16xf32>
        %parallel_loop3A_822 = arith.constant 8.000000e+00 : f32
        %parallel_loop3A_823 = vector.broadcast %parallel_loop3A_822 : f32 to vector<16xf32>
        %parallel_loop3A_824 = arith.mulf %parallel_loop3A_821, %parallel_loop3A_823 : vector<16xf32>
        %parallel_loop3A_825 = arith.constant 0 : i32
        %parallel_loop3A_826 = arith.constant 0 : i32
        %parallel_loop3A_827 = tpu.memref_slice %arg6[%parallel_loop3A_488, %parallel_loop3A_825, %parallel_loop3A_826] : memref<3x200x64xf32, #tpu.memory_space<vmem>> -> memref<1x200x64xf32, #tpu.memory_space<vmem>>
        %parallel_loop3A_828 = tpu.memref_squeeze %parallel_loop3A_827 : memref<1x200x64xf32, #tpu.memory_space<vmem>> -> memref<200x64xf32, #tpu.memory_space<vmem>>
        %parallel_loop3A_829 = arith.index_cast %parallel_loop3A_753 : i32 to index
        %parallel_loop3A_830 = arith.constant 48 : index
        %parallel_loop3A_831 = tpu.vector_load %parallel_loop3A_828[%parallel_loop3A_829, %parallel_loop3A_830] {strides = array<i32>} : memref<200x64xf32, #tpu.memory_space<vmem>>, vector<1x16xf32>,
        %parallel_loop3A_832 = vector.shape_cast %parallel_loop3A_831 : vector<1x16xf32> to vector<16xf32>
        %parallel_loop3A_833 = vector.shape_cast %parallel_loop3A_824 : vector<16xf32> to vector<1x16xf32>
        tpu.vector_store %parallel_loop3A_828[%parallel_loop3A_829, %parallel_loop3A_830], %parallel_loop3A_833 {strides = array<i32>} : memref<200x64xf32, #tpu.memory_space<vmem>>, vector<1x16xf32>,
      } {sc.loop_unroll_factor = 8 : i64, sc.parallel_access}
      %add3A_489 = arith.addi %mul3A_2, %add3A_466 : i32
      %dma_start3A_490 = arith.constant 0 : i32
      %dma_start3A_491 = arith.constant 0 : i32
      %dma_start3A_492 = arith.constant 0 : i32
      %dma_start3A_493 = arith.constant 0 : i32
      %dma_start3A_494 = tpu.memref_slice %arg6[%dma_start3A_490, %dma_start3A_492, %dma_start3A_493] : memref<3x200x64xf32, #tpu.memory_space<vmem>> -> memref<1x200x64xf32, #tpu.memory_space<vmem>>
      %dma_start3A_495 = tpu.memref_squeeze %dma_start3A_494 : memref<1x200x64xf32, #tpu.memory_space<vmem>> -> memref<200x64xf32, #tpu.memory_space<vmem>>
      %dma_start3A_496 = arith.constant 0 : i32
      %dma_start3A_497 = arith.constant 0 : i32
      %dma_start3A_498 = tpu.memref_slice %arg4[%add3A_489, %dma_start3A_496, %dma_start3A_497] : memref<4096x200x128xf32, #tpu.memory_space<hbm>> -> memref<1x200x64xf32, #tpu.memory_space<hbm>>
      %dma_start3A_499 = tpu.memref_squeeze %dma_start3A_498 : memref<1x200x64xf32, #tpu.memory_space<hbm>> -> memref<200x64xf32, #tpu.memory_space<hbm>>
      %dma_start3A_500 = tpu.memref_slice %arg8[%dma_start3A_491] : memref<3x!tpu.dma_semaphore, #tpu.memory_space<semaphore_mem>> -> memref<1x!tpu.dma_semaphore, #tpu.memory_space<semaphore_mem>>
      %dma_start3A_501 = tpu.memref_squeeze %dma_start3A_500 : memref<1x!tpu.dma_semaphore, #tpu.memory_space<semaphore_mem>> -> memref<!tpu.dma_semaphore, #tpu.memory_space<semaphore_mem>>
      %dma_start3A_502 = arith.constant 0 : i32
      %dma_start3A_503 = arith.constant 0 : i32
      %dma_start3A_504 = tpu.memref_slice %arg4[%add3A_489, %dma_start3A_502, %dma_start3A_503] : memref<4096x200x128xf32, #tpu.memory_space<hbm>> -> memref<1x200x64xf32, #tpu.memory_space<hbm>>
      %dma_start3A_505 = tpu.memref_squeeze %dma_start3A_504 : memref<1x200x64xf32, #tpu.memory_space<hbm>> -> memref<200x64xf32, #tpu.memory_space<hbm>>
      %dma_start3A_506 = arith.constant 0 : i32
      %dma_start3A_507 = arith.constant 0 : i32
      %dma_start3A_508 = tpu.memref_slice %arg6[%dma_start3A_490, %dma_start3A_506, %dma_start3A_507] : memref<3x200x64xf32, #tpu.memory_space<vmem>> -> memref<1x200x64xf32, #tpu.memory_space<vmem>>
      %dma_start3A_509 = tpu.memref_squeeze %dma_start3A_508 : memref<1x200x64xf32, #tpu.memory_space<vmem>> -> memref<200x64xf32, #tpu.memory_space<vmem>>
      tpu.enqueue_dma source(%dma_start3A_509 : memref<200x64xf32, #tpu.memory_space<vmem>>) target(%dma_start3A_505 : memref<200x64xf32, #tpu.memory_space<hbm>>) target_semaphore(%dma_start3A_501 : memref<!tpu.dma_semaphore, #tpu.memory_space<semaphore_mem>>)
      %dma_wait3A_510 = arith.constant 0 : i32
      %dma_wait3A_511 = arith.constant 2 : i32
      %dma_wait3A_512 = arith.constant 2 : i32
      %dma_wait3A_513 = arith.constant 0 : i32
      %dma_wait3A_514 = arith.constant 0 : i32
      %dma_wait3A_515 = tpu.memref_slice %arg6[%dma_wait3A_511, %dma_wait3A_513, %dma_wait3A_514] : memref<3x200x64xf32, #tpu.memory_space<vmem>> -> memref<1x200x64xf32, #tpu.memory_space<vmem>>
      %dma_wait3A_516 = tpu.memref_squeeze %dma_wait3A_515 : memref<1x200x64xf32, #tpu.memory_space<vmem>> -> memref<200x64xf32, #tpu.memory_space<vmem>>
      %dma_wait3A_517 = arith.constant 0 : i32
      %dma_wait3A_518 = arith.constant 0 : i32
      %dma_wait3A_519 = tpu.memref_slice %arg4[%dma_wait3A_510, %dma_wait3A_517, %dma_wait3A_518] : memref<4096x200x128xf32, #tpu.memory_space<hbm>> -> memref<1x200x64xf32, #tpu.memory_space<hbm>>
      %dma_wait3A_520 = tpu.memref_squeeze %dma_wait3A_519 : memref<1x200x64xf32, #tpu.memory_space<hbm>> -> memref<200x64xf32, #tpu.memory_space<hbm>>
      %dma_wait3A_521 = tpu.memref_slice %arg8[%dma_wait3A_512] : memref<3x!tpu.dma_semaphore, #tpu.memory_space<semaphore_mem>> -> memref<1x!tpu.dma_semaphore, #tpu.memory_space<semaphore_mem>>
      %dma_wait3A_522 = tpu.memref_squeeze %dma_wait3A_521 : memref<1x!tpu.dma_semaphore, #tpu.memory_space<semaphore_mem>> -> memref<!tpu.dma_semaphore, #tpu.memory_space<semaphore_mem>>
      %dma_wait3A_523 = arith.constant 0 : i32
      %dma_wait3A_524 = arith.constant 0 : i32
      %dma_wait3A_525 = tpu.memref_slice %arg6[%dma_wait3A_511, %dma_wait3A_523, %dma_wait3A_524] : memref<3x200x64xf32, #tpu.memory_space<vmem>> -> memref<1x200x64xf32, #tpu.memory_space<vmem>>
      %dma_wait3A_526 = tpu.memref_squeeze %dma_wait3A_525 : memref<1x200x64xf32, #tpu.memory_space<vmem>> -> memref<200x64xf32, #tpu.memory_space<vmem>>
      %dma_wait3A_527 = arith.constant 0 : i32
      %dma_wait3A_528 = arith.constant 0 : i32
      %dma_wait3A_529 = tpu.memref_slice %arg4[%dma_wait3A_510, %dma_wait3A_527, %dma_wait3A_528] : memref<4096x200x128xf32, #tpu.memory_space<hbm>> -> memref<1x200x64xf32, #tpu.memory_space<hbm>>
      %dma_wait3A_530 = tpu.memref_squeeze %dma_wait3A_529 : memref<1x200x64xf32, #tpu.memory_space<hbm>> -> memref<200x64xf32, #tpu.memory_space<hbm>>
      tpu.wait_dma2 semaphore(%dma_wait3A_522 : memref<!tpu.dma_semaphore, #tpu.memory_space<semaphore_mem>>) src(%dma_wait3A_530 : memref<200x64xf32, #tpu.memory_space<hbm>>) dst(%dma_wait3A_526 : memref<200x64xf32, #tpu.memory_space<vmem>>)
      %add3A_531 = arith.constant 2 : i32
      %add3A_532 = arith.addi %add3A_466, %add3A_531 : i32
      %mul3A_533 = arith.constant 200 : i32
      %mul3A_534 = arith.muli %add3A_532, %mul3A_533 : i32
      %dma_start3A_535 = arith.constant 2 : i32
      %dma_start3A_536 = arith.constant 2 : i32
      %dma_start3A_537 = arith.constant 0 : i32
      %dma_start3A_538 = arith.constant 0 : i32
      %dma_start3A_539 = tpu.memref_slice %arg6[%dma_start3A_535, %dma_start3A_537, %dma_start3A_538] : memref<3x200x64xf32, #tpu.memory_space<vmem>> -> memref<1x128x64xf32, #tpu.memory_space<vmem>>
      %dma_start3A_540 = tpu.memref_squeeze %dma_start3A_539 : memref<1x128x64xf32, #tpu.memory_space<vmem>> -> memref<128x64xf32, #tpu.memory_space<vmem>>
      %dma_start3A_541 = tpu.memref_slice %arg5[%mul3A_534] : memref<25600xi32, #tpu.memory_space<vmem>> -> memref<128xi32, #tpu.memory_space<vmem>>
      %dma_start3A_542 = arith.constant 0 : i32
      %dma_start3A_543 = arith.constant 0 : i32
      %dma_start3A_544 = tpu.memref_slice %arg3[%dma_start3A_542, %dma_start3A_543] : memref<1000000x64xf32, #tpu.memory_space<hbm>> -> memref<1000000x64xf32, #tpu.memory_space<hbm>>
      %dma_start3A_545 = tpu.memref_slice %arg7[%dma_start3A_536] : memref<3x!tpu.dma_semaphore, #tpu.memory_space<semaphore_mem>> -> memref<1x!tpu.dma_semaphore, #tpu.memory_space<semaphore_mem>>
      %dma_start3A_546 = tpu.memref_squeeze %dma_start3A_545 : memref<1x!tpu.dma_semaphore, #tpu.memory_space<semaphore_mem>> -> memref<!tpu.dma_semaphore, #tpu.memory_space<semaphore_mem>>
      tpu.enqueue_indirect_dma source(%dma_start3A_544 : memref<1000000x64xf32, #tpu.memory_space<hbm>>) target(%dma_start3A_540 : memref<128x64xf32, #tpu.memory_space<vmem>>) offsets(%dma_start3A_541 : memref<128xi32, #tpu.memory_space<vmem>>) semaphore(%dma_start3A_546 : memref<!tpu.dma_semaphore, #tpu.memory_space<semaphore_mem>>)
      %add3A_547 = arith.constant 128 : i32
      %add3A_548 = arith.addi %mul3A_534, %add3A_547 : i32
      %dma_start3A_549 = arith.constant 2 : i32
      %dma_start3A_550 = arith.constant 2 : i32
      %dma_start3A_551 = arith.constant 128 : i32
      %dma_start3A_552 = arith.constant 0 : i32
      %dma_start3A_553 = tpu.memref_slice %arg6[%dma_start3A_549, %dma_start3A_551, %dma_start3A_552] : memref<3x200x64xf32, #tpu.memory_space<vmem>> -> memref<1x72x64xf32, #tpu.memory_space<vmem>>
      %dma_start3A_554 = tpu.memref_squeeze %dma_start3A_553 : memref<1x72x64xf32, #tpu.memory_space<vmem>> -> memref<72x64xf32, #tpu.memory_space<vmem>>
      %dma_start3A_555 = tpu.memref_slice %arg5[%add3A_548] : memref<25600xi32, #tpu.memory_space<vmem>> -> memref<72xi32, #tpu.memory_space<vmem>>
      %dma_start3A_556 = arith.constant 0 : i32
      %dma_start3A_557 = arith.constant 0 : i32
      %dma_start3A_558 = tpu.memref_slice %arg3[%dma_start3A_556, %dma_start3A_557] : memref<1000000x64xf32, #tpu.memory_space<hbm>> -> memref<1000000x64xf32, #tpu.memory_space<hbm>>
      %dma_start3A_559 = tpu.memref_slice %arg7[%dma_start3A_550] : memref<3x!tpu.dma_semaphore, #tpu.memory_space<semaphore_mem>> -> memref<1x!tpu.dma_semaphore, #tpu.memory_space<semaphore_mem>>
      %dma_start3A_560 = tpu.memref_squeeze %dma_start3A_559 : memref<1x!tpu.dma_semaphore, #tpu.memory_space<semaphore_mem>> -> memref<!tpu.dma_semaphore, #tpu.memory_space<semaphore_mem>>
      tpu.enqueue_indirect_dma source(%dma_start3A_558 : memref<1000000x64xf32, #tpu.memory_space<hbm>>) target(%dma_start3A_554 : memref<72x64xf32, #tpu.memory_space<vmem>>) offsets(%dma_start3A_555 : memref<72xi32, #tpu.memory_space<vmem>>) semaphore(%dma_start3A_560 : memref<!tpu.dma_semaphore, #tpu.memory_space<semaphore_mem>>)
      %add3A_561 = arith.constant 1 : i32
      %add3A_562 = arith.addi %mul3A_464, %add3A_561 : i32
      %dma_wait3A_563 = arith.constant 1 : i32
      %dma_wait3A_564 = arith.constant 1 : i32
      %dma_wait3A_565 = arith.constant 0 : i32
      %dma_wait3A_566 = arith.constant 0 : i32
      %dma_wait3A_567 = tpu.memref_slice %arg6[%dma_wait3A_563, %dma_wait3A_565, %dma_wait3A_566] : memref<3x200x64xf32, #tpu.memory_space<vmem>> -> memref<1x200x64xf32, #tpu.memory_space<vmem>>
      %dma_wait3A_568 = tpu.memref_squeeze %dma_wait3A_567 : memref<1x200x64xf32, #tpu.memory_space<vmem>> -> memref<200x64xf32, #tpu.memory_space<vmem>>
      %dma_wait3A_569 = arith.constant 0 : i32
      %dma_wait3A_570 = arith.constant 0 : i32
      %dma_wait3A_571 = tpu.memref_slice %arg3[%dma_wait3A_569, %dma_wait3A_570] : memref<1000000x64xf32, #tpu.memory_space<hbm>> -> memref<200x64xf32, #tpu.memory_space<hbm>>
      %dma_wait3A_572 = tpu.memref_slice %arg7[%dma_wait3A_564] : memref<3x!tpu.dma_semaphore, #tpu.memory_space<semaphore_mem>> -> memref<1x!tpu.dma_semaphore, #tpu.memory_space<semaphore_mem>>
      %dma_wait3A_573 = tpu.memref_squeeze %dma_wait3A_572 : memref<1x!tpu.dma_semaphore, #tpu.memory_space<semaphore_mem>> -> memref<!tpu.dma_semaphore, #tpu.memory_space<semaphore_mem>>
      %dma_wait3A_574 = arith.constant 0 : i32
      %dma_wait3A_575 = arith.constant 0 : i32
      %dma_wait3A_576 = tpu.memref_slice %arg6[%dma_wait3A_563, %dma_wait3A_574, %dma_wait3A_575] : memref<3x200x64xf32, #tpu.memory_space<vmem>> -> memref<1x200x64xf32, #tpu.memory_space<vmem>>
      %dma_wait3A_577 = tpu.memref_squeeze %dma_wait3A_576 : memref<1x200x64xf32, #tpu.memory_space<vmem>> -> memref<200x64xf32, #tpu.memory_space<vmem>>
      %dma_wait3A_578 = arith.constant 0 : i32
      %dma_wait3A_579 = arith.constant 0 : i32
      %dma_wait3A_580 = tpu.memref_slice %arg3[%dma_wait3A_578, %dma_wait3A_579] : memref<1000000x64xf32, #tpu.memory_space<hbm>> -> memref<200x64xf32, #tpu.memory_space<hbm>>
      tpu.wait_dma2 semaphore(%dma_wait3A_573 : memref<!tpu.dma_semaphore, #tpu.memory_space<semaphore_mem>>) src(%dma_wait3A_580 : memref<200x64xf32, #tpu.memory_space<hbm>>) dst(%dma_wait3A_577 : memref<200x64xf32, #tpu.memory_space<vmem>>)
      %parallel_loop3A_581 = arith.constant 0 : i32
      %parallel_loop3A_582 = arith.constant 200 : i32
      %parallel_loop3A_583 = arith.constant 1 : i32
      %parallel_loop3A_584 = arith.constant 1 : i32
      scf.for %parallel_loop3A_753 = %parallel_loop3A_581 to %parallel_loop3A_582 step %parallel_loop3A_583  : i32 {
        %parallel_loop3A_754 = arith.constant 0 : i32
        %parallel_loop3A_755 = arith.constant 0 : i32
        %parallel_loop3A_756 = tpu.memref_slice %arg6[%parallel_loop3A_584, %parallel_loop3A_754, %parallel_loop3A_755] : memref<3x200x64xf32, #tpu.memory_space<vmem>> -> memref<1x200x64xf32, #tpu.memory_space<vmem>>
        %parallel_loop3A_757 = tpu.memref_squeeze %parallel_loop3A_756 : memref<1x200x64xf32, #tpu.memory_space<vmem>> -> memref<200x64xf32, #tpu.memory_space<vmem>>
        %parallel_loop3A_758 = arith.index_cast %parallel_loop3A_753 : i32 to index
        %parallel_loop3A_759 = arith.constant 0 : index
        %parallel_loop3A_760 = tpu.vector_load %parallel_loop3A_757[%parallel_loop3A_758, %parallel_loop3A_759] {strides = array<i32>} : memref<200x64xf32, #tpu.memory_space<vmem>>, vector<1x16xf32>,
        %parallel_loop3A_761 = vector.shape_cast %parallel_loop3A_760 : vector<1x16xf32> to vector<16xf32>
        %parallel_loop3A_762 = arith.constant 8.000000e+00 : f32
        %parallel_loop3A_763 = vector.broadcast %parallel_loop3A_762 : f32 to vector<16xf32>
        %parallel_loop3A_764 = arith.mulf %parallel_loop3A_761, %parallel_loop3A_763 : vector<16xf32>
        %parallel_loop3A_765 = arith.constant 0 : i32
        %parallel_loop3A_766 = arith.constant 0 : i32
        %parallel_loop3A_767 = tpu.memref_slice %arg6[%parallel_loop3A_584, %parallel_loop3A_765, %parallel_loop3A_766] : memref<3x200x64xf32, #tpu.memory_space<vmem>> -> memref<1x200x64xf32, #tpu.memory_space<vmem>>
        %parallel_loop3A_768 = tpu.memref_squeeze %parallel_loop3A_767 : memref<1x200x64xf32, #tpu.memory_space<vmem>> -> memref<200x64xf32, #tpu.memory_space<vmem>>
        %parallel_loop3A_769 = arith.index_cast %parallel_loop3A_753 : i32 to index
        %parallel_loop3A_770 = arith.constant 0 : index
        %parallel_loop3A_771 = tpu.vector_load %parallel_loop3A_768[%parallel_loop3A_769, %parallel_loop3A_770] {strides = array<i32>} : memref<200x64xf32, #tpu.memory_space<vmem>>, vector<1x16xf32>,
        %parallel_loop3A_772 = vector.shape_cast %parallel_loop3A_771 : vector<1x16xf32> to vector<16xf32>
        %parallel_loop3A_773 = vector.shape_cast %parallel_loop3A_764 : vector<16xf32> to vector<1x16xf32>
        tpu.vector_store %parallel_loop3A_768[%parallel_loop3A_769, %parallel_loop3A_770], %parallel_loop3A_773 {strides = array<i32>} : memref<200x64xf32, #tpu.memory_space<vmem>>, vector<1x16xf32>,
        %parallel_loop3A_774 = arith.constant 0 : i32
        %parallel_loop3A_775 = arith.constant 0 : i32
        %parallel_loop3A_776 = tpu.memref_slice %arg6[%parallel_loop3A_584, %parallel_loop3A_774, %parallel_loop3A_775] : memref<3x200x64xf32, #tpu.memory_space<vmem>> -> memref<1x200x64xf32, #tpu.memory_space<vmem>>
        %parallel_loop3A_777 = tpu.memref_squeeze %parallel_loop3A_776 : memref<1x200x64xf32, #tpu.memory_space<vmem>> -> memref<200x64xf32, #tpu.memory_space<vmem>>
        %parallel_loop3A_778 = arith.index_cast %parallel_loop3A_753 : i32 to index
        %parallel_loop3A_779 = arith.constant 16 : index
        %parallel_loop3A_780 = tpu.vector_load %parallel_loop3A_777[%parallel_loop3A_778, %parallel_loop3A_779] {strides = array<i32>} : memref<200x64xf32, #tpu.memory_space<vmem>>, vector<1x16xf32>,
        %parallel_loop3A_781 = vector.shape_cast %parallel_loop3A_780 : vector<1x16xf32> to vector<16xf32>
        %parallel_loop3A_782 = arith.constant 8.000000e+00 : f32
        %parallel_loop3A_783 = vector.broadcast %parallel_loop3A_782 : f32 to vector<16xf32>
        %parallel_loop3A_784 = arith.mulf %parallel_loop3A_781, %parallel_loop3A_783 : vector<16xf32>
        %parallel_loop3A_785 = arith.constant 0 : i32
        %parallel_loop3A_786 = arith.constant 0 : i32
        %parallel_loop3A_787 = tpu.memref_slice %arg6[%parallel_loop3A_584, %parallel_loop3A_785, %parallel_loop3A_786] : memref<3x200x64xf32, #tpu.memory_space<vmem>> -> memref<1x200x64xf32, #tpu.memory_space<vmem>>
        %parallel_loop3A_788 = tpu.memref_squeeze %parallel_loop3A_787 : memref<1x200x64xf32, #tpu.memory_space<vmem>> -> memref<200x64xf32, #tpu.memory_space<vmem>>
        %parallel_loop3A_789 = arith.index_cast %parallel_loop3A_753 : i32 to index
        %parallel_loop3A_790 = arith.constant 16 : index
        %parallel_loop3A_791 = tpu.vector_load %parallel_loop3A_788[%parallel_loop3A_789, %parallel_loop3A_790] {strides = array<i32>} : memref<200x64xf32, #tpu.memory_space<vmem>>, vector<1x16xf32>,
        %parallel_loop3A_792 = vector.shape_cast %parallel_loop3A_791 : vector<1x16xf32> to vector<16xf32>
        %parallel_loop3A_793 = vector.shape_cast %parallel_loop3A_784 : vector<16xf32> to vector<1x16xf32>
        tpu.vector_store %parallel_loop3A_788[%parallel_loop3A_789, %parallel_loop3A_790], %parallel_loop3A_793 {strides = array<i32>} : memref<200x64xf32, #tpu.memory_space<vmem>>, vector<1x16xf32>,
        %parallel_loop3A_794 = arith.constant 0 : i32
        %parallel_loop3A_795 = arith.constant 0 : i32
        %parallel_loop3A_796 = tpu.memref_slice %arg6[%parallel_loop3A_584, %parallel_loop3A_794, %parallel_loop3A_795] : memref<3x200x64xf32, #tpu.memory_space<vmem>> -> memref<1x200x64xf32, #tpu.memory_space<vmem>>
        %parallel_loop3A_797 = tpu.memref_squeeze %parallel_loop3A_796 : memref<1x200x64xf32, #tpu.memory_space<vmem>> -> memref<200x64xf32, #tpu.memory_space<vmem>>
        %parallel_loop3A_798 = arith.index_cast %parallel_loop3A_753 : i32 to index
        %parallel_loop3A_799 = arith.constant 32 : index
        %parallel_loop3A_800 = tpu.vector_load %parallel_loop3A_797[%parallel_loop3A_798, %parallel_loop3A_799] {strides = array<i32>} : memref<200x64xf32, #tpu.memory_space<vmem>>, vector<1x16xf32>,
        %parallel_loop3A_801 = vector.shape_cast %parallel_loop3A_800 : vector<1x16xf32> to vector<16xf32>
        %parallel_loop3A_802 = arith.constant 8.000000e+00 : f32
        %parallel_loop3A_803 = vector.broadcast %parallel_loop3A_802 : f32 to vector<16xf32>
        %parallel_loop3A_804 = arith.mulf %parallel_loop3A_801, %parallel_loop3A_803 : vector<16xf32>
        %parallel_loop3A_805 = arith.constant 0 : i32
        %parallel_loop3A_806 = arith.constant 0 : i32
        %parallel_loop3A_807 = tpu.memref_slice %arg6[%parallel_loop3A_584, %parallel_loop3A_805, %parallel_loop3A_806] : memref<3x200x64xf32, #tpu.memory_space<vmem>> -> memref<1x200x64xf32, #tpu.memory_space<vmem>>
        %parallel_loop3A_808 = tpu.memref_squeeze %parallel_loop3A_807 : memref<1x200x64xf32, #tpu.memory_space<vmem>> -> memref<200x64xf32, #tpu.memory_space<vmem>>
        %parallel_loop3A_809 = arith.index_cast %parallel_loop3A_753 : i32 to index
        %parallel_loop3A_810 = arith.constant 32 : index
        %parallel_loop3A_811 = tpu.vector_load %parallel_loop3A_808[%parallel_loop3A_809, %parallel_loop3A_810] {strides = array<i32>} : memref<200x64xf32, #tpu.memory_space<vmem>>, vector<1x16xf32>,
        %parallel_loop3A_812 = vector.shape_cast %parallel_loop3A_811 : vector<1x16xf32> to vector<16xf32>
        %parallel_loop3A_813 = vector.shape_cast %parallel_loop3A_804 : vector<16xf32> to vector<1x16xf32>
        tpu.vector_store %parallel_loop3A_808[%parallel_loop3A_809, %parallel_loop3A_810], %parallel_loop3A_813 {strides = array<i32>} : memref<200x64xf32, #tpu.memory_space<vmem>>, vector<1x16xf32>,
        %parallel_loop3A_814 = arith.constant 0 : i32
        %parallel_loop3A_815 = arith.constant 0 : i32
        %parallel_loop3A_816 = tpu.memref_slice %arg6[%parallel_loop3A_584, %parallel_loop3A_814, %parallel_loop3A_815] : memref<3x200x64xf32, #tpu.memory_space<vmem>> -> memref<1x200x64xf32, #tpu.memory_space<vmem>>
        %parallel_loop3A_817 = tpu.memref_squeeze %parallel_loop3A_816 : memref<1x200x64xf32, #tpu.memory_space<vmem>> -> memref<200x64xf32, #tpu.memory_space<vmem>>
        %parallel_loop3A_818 = arith.index_cast %parallel_loop3A_753 : i32 to index
        %parallel_loop3A_819 = arith.constant 48 : index
        %parallel_loop3A_820 = tpu.vector_load %parallel_loop3A_817[%parallel_loop3A_818, %parallel_loop3A_819] {strides = array<i32>} : memref<200x64xf32, #tpu.memory_space<vmem>>, vector<1x16xf32>,
        %parallel_loop3A_821 = vector.shape_cast %parallel_loop3A_820 : vector<1x16xf32> to vector<16xf32>
        %parallel_loop3A_822 = arith.constant 8.000000e+00 : f32
        %parallel_loop3A_823 = vector.broadcast %parallel_loop3A_822 : f32 to vector<16xf32>
        %parallel_loop3A_824 = arith.mulf %parallel_loop3A_821, %parallel_loop3A_823 : vector<16xf32>
        %parallel_loop3A_825 = arith.constant 0 : i32
        %parallel_loop3A_826 = arith.constant 0 : i32
        %parallel_loop3A_827 = tpu.memref_slice %arg6[%parallel_loop3A_584, %parallel_loop3A_825, %parallel_loop3A_826] : memref<3x200x64xf32, #tpu.memory_space<vmem>> -> memref<1x200x64xf32, #tpu.memory_space<vmem>>
        %parallel_loop3A_828 = tpu.memref_squeeze %parallel_loop3A_827 : memref<1x200x64xf32, #tpu.memory_space<vmem>> -> memref<200x64xf32, #tpu.memory_space<vmem>>
        %parallel_loop3A_829 = arith.index_cast %parallel_loop3A_753 : i32 to index
        %parallel_loop3A_830 = arith.constant 48 : index
        %parallel_loop3A_831 = tpu.vector_load %parallel_loop3A_828[%parallel_loop3A_829, %parallel_loop3A_830] {strides = array<i32>} : memref<200x64xf32, #tpu.memory_space<vmem>>, vector<1x16xf32>,
        %parallel_loop3A_832 = vector.shape_cast %parallel_loop3A_831 : vector<1x16xf32> to vector<16xf32>
        %parallel_loop3A_833 = vector.shape_cast %parallel_loop3A_824 : vector<16xf32> to vector<1x16xf32>
        tpu.vector_store %parallel_loop3A_828[%parallel_loop3A_829, %parallel_loop3A_830], %parallel_loop3A_833 {strides = array<i32>} : memref<200x64xf32, #tpu.memory_space<vmem>>, vector<1x16xf32>,
      } {sc.loop_unroll_factor = 8 : i64, sc.parallel_access}
      %add3A_585 = arith.addi %mul3A_2, %add3A_562 : i32
      %dma_start3A_586 = arith.constant 1 : i32
      %dma_start3A_587 = arith.constant 1 : i32
      %dma_start3A_588 = arith.constant 0 : i32
      %dma_start3A_589 = arith.constant 0 : i32
      %dma_start3A_590 = tpu.memref_slice %arg6[%dma_start3A_586, %dma_start3A_588, %dma_start3A_589] : memref<3x200x64xf32, #tpu.memory_space<vmem>> -> memref<1x200x64xf32, #tpu.memory_space<vmem>>
      %dma_start3A_591 = tpu.memref_squeeze %dma_start3A_590 : memref<1x200x64xf32, #tpu.memory_space<vmem>> -> memref<200x64xf32, #tpu.memory_space<vmem>>
      %dma_start3A_592 = arith.constant 0 : i32
      %dma_start3A_593 = arith.constant 0 : i32
      %dma_start3A_594 = tpu.memref_slice %arg4[%add3A_585, %dma_start3A_592, %dma_start3A_593] : memref<4096x200x128xf32, #tpu.memory_space<hbm>> -> memref<1x200x64xf32, #tpu.memory_space<hbm>>
      %dma_start3A_595 = tpu.memref_squeeze %dma_start3A_594 : memref<1x200x64xf32, #tpu.memory_space<hbm>> -> memref<200x64xf32, #tpu.memory_space<hbm>>
      %dma_start3A_596 = tpu.memref_slice %arg8[%dma_start3A_587] : memref<3x!tpu.dma_semaphore, #tpu.memory_space<semaphore_mem>> -> memref<1x!tpu.dma_semaphore, #tpu.memory_space<semaphore_mem>>
      %dma_start3A_597 = tpu.memref_squeeze %dma_start3A_596 : memref<1x!tpu.dma_semaphore, #tpu.memory_space<semaphore_mem>> -> memref<!tpu.dma_semaphore, #tpu.memory_space<semaphore_mem>>
      %dma_start3A_598 = arith.constant 0 : i32
      %dma_start3A_599 = arith.constant 0 : i32
      %dma_start3A_600 = tpu.memref_slice %arg4[%add3A_585, %dma_start3A_598, %dma_start3A_599] : memref<4096x200x128xf32, #tpu.memory_space<hbm>> -> memref<1x200x64xf32, #tpu.memory_space<hbm>>
      %dma_start3A_601 = tpu.memref_squeeze %dma_start3A_600 : memref<1x200x64xf32, #tpu.memory_space<hbm>> -> memref<200x64xf32, #tpu.memory_space<hbm>>
      %dma_start3A_602 = arith.constant 0 : i32
      %dma_start3A_603 = arith.constant 0 : i32
      %dma_start3A_604 = tpu.memref_slice %arg6[%dma_start3A_586, %dma_start3A_602, %dma_start3A_603] : memref<3x200x64xf32, #tpu.memory_space<vmem>> -> memref<1x200x64xf32, #tpu.memory_space<vmem>>
      %dma_start3A_605 = tpu.memref_squeeze %dma_start3A_604 : memref<1x200x64xf32, #tpu.memory_space<vmem>> -> memref<200x64xf32, #tpu.memory_space<vmem>>
      tpu.enqueue_dma source(%dma_start3A_605 : memref<200x64xf32, #tpu.memory_space<vmem>>) target(%dma_start3A_601 : memref<200x64xf32, #tpu.memory_space<hbm>>) target_semaphore(%dma_start3A_597 : memref<!tpu.dma_semaphore, #tpu.memory_space<semaphore_mem>>)
      %dma_wait3A_606 = arith.constant 0 : i32
      %dma_wait3A_607 = arith.constant 0 : i32
      %dma_wait3A_608 = arith.constant 0 : i32
      %dma_wait3A_609 = arith.constant 0 : i32
      %dma_wait3A_610 = arith.constant 0 : i32
      %dma_wait3A_611 = tpu.memref_slice %arg6[%dma_wait3A_607, %dma_wait3A_609, %dma_wait3A_610] : memref<3x200x64xf32, #tpu.memory_space<vmem>> -> memref<1x200x64xf32, #tpu.memory_space<vmem>>
      %dma_wait3A_612 = tpu.memref_squeeze %dma_wait3A_611 : memref<1x200x64xf32, #tpu.memory_space<vmem>> -> memref<200x64xf32, #tpu.memory_space<vmem>>
      %dma_wait3A_613 = arith.constant 0 : i32
      %dma_wait3A_614 = arith.constant 0 : i32
      %dma_wait3A_615 = tpu.memref_slice %arg4[%dma_wait3A_606, %dma_wait3A_613, %dma_wait3A_614] : memref<4096x200x128xf32, #tpu.memory_space<hbm>> -> memref<1x200x64xf32, #tpu.memory_space<hbm>>
      %dma_wait3A_616 = tpu.memref_squeeze %dma_wait3A_615 : memref<1x200x64xf32, #tpu.memory_space<hbm>> -> memref<200x64xf32, #tpu.memory_space<hbm>>
      %dma_wait3A_617 = tpu.memref_slice %arg8[%dma_wait3A_608] : memref<3x!tpu.dma_semaphore, #tpu.memory_space<semaphore_mem>> -> memref<1x!tpu.dma_semaphore, #tpu.memory_space<semaphore_mem>>
      %dma_wait3A_618 = tpu.memref_squeeze %dma_wait3A_617 : memref<1x!tpu.dma_semaphore, #tpu.memory_space<semaphore_mem>> -> memref<!tpu.dma_semaphore, #tpu.memory_space<semaphore_mem>>
      %dma_wait3A_619 = arith.constant 0 : i32
      %dma_wait3A_620 = arith.constant 0 : i32
      %dma_wait3A_621 = tpu.memref_slice %arg6[%dma_wait3A_607, %dma_wait3A_619, %dma_wait3A_620] : memref<3x200x64xf32, #tpu.memory_space<vmem>> -> memref<1x200x64xf32, #tpu.memory_space<vmem>>
      %dma_wait3A_622 = tpu.memref_squeeze %dma_wait3A_621 : memref<1x200x64xf32, #tpu.memory_space<vmem>> -> memref<200x64xf32, #tpu.memory_space<vmem>>
      %dma_wait3A_623 = arith.constant 0 : i32
      %dma_wait3A_624 = arith.constant 0 : i32
      %dma_wait3A_625 = tpu.memref_slice %arg4[%dma_wait3A_606, %dma_wait3A_623, %dma_wait3A_624] : memref<4096x200x128xf32, #tpu.memory_space<hbm>> -> memref<1x200x64xf32, #tpu.memory_space<hbm>>
      %dma_wait3A_626 = tpu.memref_squeeze %dma_wait3A_625 : memref<1x200x64xf32, #tpu.memory_space<hbm>> -> memref<200x64xf32, #tpu.memory_space<hbm>>
      tpu.wait_dma2 semaphore(%dma_wait3A_618 : memref<!tpu.dma_semaphore, #tpu.memory_space<semaphore_mem>>) src(%dma_wait3A_626 : memref<200x64xf32, #tpu.memory_space<hbm>>) dst(%dma_wait3A_622 : memref<200x64xf32, #tpu.memory_space<vmem>>)
      %add3A_627 = arith.constant 2 : i32
      %add3A_628 = arith.addi %add3A_562, %add3A_627 : i32
      %mul3A_629 = arith.constant 200 : i32
      %mul3A_630 = arith.muli %add3A_628, %mul3A_629 : i32
      %dma_start3A_631 = arith.constant 0 : i32
      %dma_start3A_632 = arith.constant 0 : i32
      %dma_start3A_633 = arith.constant 0 : i32
      %dma_start3A_634 = arith.constant 0 : i32
      %dma_start3A_635 = tpu.memref_slice %arg6[%dma_start3A_631, %dma_start3A_633, %dma_start3A_634] : memref<3x200x64xf32, #tpu.memory_space<vmem>> -> memref<1x128x64xf32, #tpu.memory_space<vmem>>
      %dma_start3A_636 = tpu.memref_squeeze %dma_start3A_635 : memref<1x128x64xf32, #tpu.memory_space<vmem>> -> memref<128x64xf32, #tpu.memory_space<vmem>>
      %dma_start3A_637 = tpu.memref_slice %arg5[%mul3A_630] : memref<25600xi32, #tpu.memory_space<vmem>> -> memref<128xi32, #tpu.memory_space<vmem>>
      %dma_start3A_638 = arith.constant 0 : i32
      %dma_start3A_639 = arith.constant 0 : i32
      %dma_start3A_640 = tpu.memref_slice %arg3[%dma_start3A_638, %dma_start3A_639] : memref<1000000x64xf32, #tpu.memory_space<hbm>> -> memref<1000000x64xf32, #tpu.memory_space<hbm>>
      %dma_start3A_641 = tpu.memref_slice %arg7[%dma_start3A_632] : memref<3x!tpu.dma_semaphore, #tpu.memory_space<semaphore_mem>> -> memref<1x!tpu.dma_semaphore, #tpu.memory_space<semaphore_mem>>
      %dma_start3A_642 = tpu.memref_squeeze %dma_start3A_641 : memref<1x!tpu.dma_semaphore, #tpu.memory_space<semaphore_mem>> -> memref<!tpu.dma_semaphore, #tpu.memory_space<semaphore_mem>>
      tpu.enqueue_indirect_dma source(%dma_start3A_640 : memref<1000000x64xf32, #tpu.memory_space<hbm>>) target(%dma_start3A_636 : memref<128x64xf32, #tpu.memory_space<vmem>>) offsets(%dma_start3A_637 : memref<128xi32, #tpu.memory_space<vmem>>) semaphore(%dma_start3A_642 : memref<!tpu.dma_semaphore, #tpu.memory_space<semaphore_mem>>)
      %add3A_643 = arith.constant 128 : i32
      %add3A_644 = arith.addi %mul3A_630, %add3A_643 : i32
      %dma_start3A_645 = arith.constant 0 : i32
      %dma_start3A_646 = arith.constant 0 : i32
      %dma_start3A_647 = arith.constant 128 : i32
      %dma_start3A_648 = arith.constant 0 : i32
      %dma_start3A_649 = tpu.memref_slice %arg6[%dma_start3A_645, %dma_start3A_647, %dma_start3A_648] : memref<3x200x64xf32, #tpu.memory_space<vmem>> -> memref<1x72x64xf32, #tpu.memory_space<vmem>>
      %dma_start3A_650 = tpu.memref_squeeze %dma_start3A_649 : memref<1x72x64xf32, #tpu.memory_space<vmem>> -> memref<72x64xf32, #tpu.memory_space<vmem>>
      %dma_start3A_651 = tpu.memref_slice %arg5[%add3A_644] : memref<25600xi32, #tpu.memory_space<vmem>> -> memref<72xi32, #tpu.memory_space<vmem>>
      %dma_start3A_652 = arith.constant 0 : i32
      %dma_start3A_653 = arith.constant 0 : i32
      %dma_start3A_654 = tpu.memref_slice %arg3[%dma_start3A_652, %dma_start3A_653] : memref<1000000x64xf32, #tpu.memory_space<hbm>> -> memref<1000000x64xf32, #tpu.memory_space<hbm>>
      %dma_start3A_655 = tpu.memref_slice %arg7[%dma_start3A_646] : memref<3x!tpu.dma_semaphore, #tpu.memory_space<semaphore_mem>> -> memref<1x!tpu.dma_semaphore, #tpu.memory_space<semaphore_mem>>
      %dma_start3A_656 = tpu.memref_squeeze %dma_start3A_655 : memref<1x!tpu.dma_semaphore, #tpu.memory_space<semaphore_mem>> -> memref<!tpu.dma_semaphore, #tpu.memory_space<semaphore_mem>>
      tpu.enqueue_indirect_dma source(%dma_start3A_654 : memref<1000000x64xf32, #tpu.memory_space<hbm>>) target(%dma_start3A_650 : memref<72x64xf32, #tpu.memory_space<vmem>>) offsets(%dma_start3A_651 : memref<72xi32, #tpu.memory_space<vmem>>) semaphore(%dma_start3A_656 : memref<!tpu.dma_semaphore, #tpu.memory_space<semaphore_mem>>)
      %add3A_657 = arith.constant 2 : i32
      %add3A_658 = arith.addi %mul3A_464, %add3A_657 : i32
      %dma_wait3A_659 = arith.constant 2 : i32
      %dma_wait3A_660 = arith.constant 2 : i32
      %dma_wait3A_661 = arith.constant 0 : i32
      %dma_wait3A_662 = arith.constant 0 : i32
      %dma_wait3A_663 = tpu.memref_slice %arg6[%dma_wait3A_659, %dma_wait3A_661, %dma_wait3A_662] : memref<3x200x64xf32, #tpu.memory_space<vmem>> -> memref<1x200x64xf32, #tpu.memory_space<vmem>>
      %dma_wait3A_664 = tpu.memref_squeeze %dma_wait3A_663 : memref<1x200x64xf32, #tpu.memory_space<vmem>> -> memref<200x64xf32, #tpu.memory_space<vmem>>
      %dma_wait3A_665 = arith.constant 0 : i32
      %dma_wait3A_666 = arith.constant 0 : i32
      %dma_wait3A_667 = tpu.memref_slice %arg3[%dma_wait3A_665, %dma_wait3A_666] : memref<1000000x64xf32, #tpu.memory_space<hbm>> -> memref<200x64xf32, #tpu.memory_space<hbm>>
      %dma_wait3A_668 = tpu.memref_slice %arg7[%dma_wait3A_660] : memref<3x!tpu.dma_semaphore, #tpu.memory_space<semaphore_mem>> -> memref<1x!tpu.dma_semaphore, #tpu.memory_space<semaphore_mem>>
      %dma_wait3A_669 = tpu.memref_squeeze %dma_wait3A_668 : memref<1x!tpu.dma_semaphore, #tpu.memory_space<semaphore_mem>> -> memref<!tpu.dma_semaphore, #tpu.memory_space<semaphore_mem>>
      %dma_wait3A_670 = arith.constant 0 : i32
      %dma_wait3A_671 = arith.constant 0 : i32
      %dma_wait3A_672 = tpu.memref_slice %arg6[%dma_wait3A_659, %dma_wait3A_670, %dma_wait3A_671] : memref<3x200x64xf32, #tpu.memory_space<vmem>> -> memref<1x200x64xf32, #tpu.memory_space<vmem>>
      %dma_wait3A_673 = tpu.memref_squeeze %dma_wait3A_672 : memref<1x200x64xf32, #tpu.memory_space<vmem>> -> memref<200x64xf32, #tpu.memory_space<vmem>>
      %dma_wait3A_674 = arith.constant 0 : i32
      %dma_wait3A_675 = arith.constant 0 : i32
      %dma_wait3A_676 = tpu.memref_slice %arg3[%dma_wait3A_674, %dma_wait3A_675] : memref<1000000x64xf32, #tpu.memory_space<hbm>> -> memref<200x64xf32, #tpu.memory_space<hbm>>
      tpu.wait_dma2 semaphore(%dma_wait3A_669 : memref<!tpu.dma_semaphore, #tpu.memory_space<semaphore_mem>>) src(%dma_wait3A_676 : memref<200x64xf32, #tpu.memory_space<hbm>>) dst(%dma_wait3A_673 : memref<200x64xf32, #tpu.memory_space<vmem>>)
      %parallel_loop3A_677 = arith.constant 0 : i32
      %parallel_loop3A_678 = arith.constant 200 : i32
      %parallel_loop3A_679 = arith.constant 1 : i32
      %parallel_loop3A_680 = arith.constant 2 : i32
      scf.for %parallel_loop3A_753 = %parallel_loop3A_677 to %parallel_loop3A_678 step %parallel_loop3A_679  : i32 {
        %parallel_loop3A_754 = arith.constant 0 : i32
        %parallel_loop3A_755 = arith.constant 0 : i32
        %parallel_loop3A_756 = tpu.memref_slice %arg6[%parallel_loop3A_680, %parallel_loop3A_754, %parallel_loop3A_755] : memref<3x200x64xf32, #tpu.memory_space<vmem>> -> memref<1x200x64xf32, #tpu.memory_space<vmem>>
        %parallel_loop3A_757 = tpu.memref_squeeze %parallel_loop3A_756 : memref<1x200x64xf32, #tpu.memory_space<vmem>> -> memref<200x64xf32, #tpu.memory_space<vmem>>
        %parallel_loop3A_758 = arith.index_cast %parallel_loop3A_753 : i32 to index
        %parallel_loop3A_759 = arith.constant 0 : index
        %parallel_loop3A_760 = tpu.vector_load %parallel_loop3A_757[%parallel_loop3A_758, %parallel_loop3A_759] {strides = array<i32>} : memref<200x64xf32, #tpu.memory_space<vmem>>, vector<1x16xf32>,
        %parallel_loop3A_761 = vector.shape_cast %parallel_loop3A_760 : vector<1x16xf32> to vector<16xf32>
        %parallel_loop3A_762 = arith.constant 8.000000e+00 : f32
        %parallel_loop3A_763 = vector.broadcast %parallel_loop3A_762 : f32 to vector<16xf32>
        %parallel_loop3A_764 = arith.mulf %parallel_loop3A_761, %parallel_loop3A_763 : vector<16xf32>
        %parallel_loop3A_765 = arith.constant 0 : i32
        %parallel_loop3A_766 = arith.constant 0 : i32
        %parallel_loop3A_767 = tpu.memref_slice %arg6[%parallel_loop3A_680, %parallel_loop3A_765, %parallel_loop3A_766] : memref<3x200x64xf32, #tpu.memory_space<vmem>> -> memref<1x200x64xf32, #tpu.memory_space<vmem>>
        %parallel_loop3A_768 = tpu.memref_squeeze %parallel_loop3A_767 : memref<1x200x64xf32, #tpu.memory_space<vmem>> -> memref<200x64xf32, #tpu.memory_space<vmem>>
        %parallel_loop3A_769 = arith.index_cast %parallel_loop3A_753 : i32 to index
        %parallel_loop3A_770 = arith.constant 0 : index
        %parallel_loop3A_771 = tpu.vector_load %parallel_loop3A_768[%parallel_loop3A_769, %parallel_loop3A_770] {strides = array<i32>} : memref<200x64xf32, #tpu.memory_space<vmem>>, vector<1x16xf32>,
        %parallel_loop3A_772 = vector.shape_cast %parallel_loop3A_771 : vector<1x16xf32> to vector<16xf32>
        %parallel_loop3A_773 = vector.shape_cast %parallel_loop3A_764 : vector<16xf32> to vector<1x16xf32>
        tpu.vector_store %parallel_loop3A_768[%parallel_loop3A_769, %parallel_loop3A_770], %parallel_loop3A_773 {strides = array<i32>} : memref<200x64xf32, #tpu.memory_space<vmem>>, vector<1x16xf32>,
        %parallel_loop3A_774 = arith.constant 0 : i32
        %parallel_loop3A_775 = arith.constant 0 : i32
        %parallel_loop3A_776 = tpu.memref_slice %arg6[%parallel_loop3A_680, %parallel_loop3A_774, %parallel_loop3A_775] : memref<3x200x64xf32, #tpu.memory_space<vmem>> -> memref<1x200x64xf32, #tpu.memory_space<vmem>>
        %parallel_loop3A_777 = tpu.memref_squeeze %parallel_loop3A_776 : memref<1x200x64xf32, #tpu.memory_space<vmem>> -> memref<200x64xf32, #tpu.memory_space<vmem>>
        %parallel_loop3A_778 = arith.index_cast %parallel_loop3A_753 : i32 to index
        %parallel_loop3A_779 = arith.constant 16 : index
        %parallel_loop3A_780 = tpu.vector_load %parallel_loop3A_777[%parallel_loop3A_778, %parallel_loop3A_779] {strides = array<i32>} : memref<200x64xf32, #tpu.memory_space<vmem>>, vector<1x16xf32>,
        %parallel_loop3A_781 = vector.shape_cast %parallel_loop3A_780 : vector<1x16xf32> to vector<16xf32>
        %parallel_loop3A_782 = arith.constant 8.000000e+00 : f32
        %parallel_loop3A_783 = vector.broadcast %parallel_loop3A_782 : f32 to vector<16xf32>
        %parallel_loop3A_784 = arith.mulf %parallel_loop3A_781, %parallel_loop3A_783 : vector<16xf32>
        %parallel_loop3A_785 = arith.constant 0 : i32
        %parallel_loop3A_786 = arith.constant 0 : i32
        %parallel_loop3A_787 = tpu.memref_slice %arg6[%parallel_loop3A_680, %parallel_loop3A_785, %parallel_loop3A_786] : memref<3x200x64xf32, #tpu.memory_space<vmem>> -> memref<1x200x64xf32, #tpu.memory_space<vmem>>
        %parallel_loop3A_788 = tpu.memref_squeeze %parallel_loop3A_787 : memref<1x200x64xf32, #tpu.memory_space<vmem>> -> memref<200x64xf32, #tpu.memory_space<vmem>>
        %parallel_loop3A_789 = arith.index_cast %parallel_loop3A_753 : i32 to index
        %parallel_loop3A_790 = arith.constant 16 : index
        %parallel_loop3A_791 = tpu.vector_load %parallel_loop3A_788[%parallel_loop3A_789, %parallel_loop3A_790] {strides = array<i32>} : memref<200x64xf32, #tpu.memory_space<vmem>>, vector<1x16xf32>,
        %parallel_loop3A_792 = vector.shape_cast %parallel_loop3A_791 : vector<1x16xf32> to vector<16xf32>
        %parallel_loop3A_793 = vector.shape_cast %parallel_loop3A_784 : vector<16xf32> to vector<1x16xf32>
        tpu.vector_store %parallel_loop3A_788[%parallel_loop3A_789, %parallel_loop3A_790], %parallel_loop3A_793 {strides = array<i32>} : memref<200x64xf32, #tpu.memory_space<vmem>>, vector<1x16xf32>,
        %parallel_loop3A_794 = arith.constant 0 : i32
        %parallel_loop3A_795 = arith.constant 0 : i32
        %parallel_loop3A_796 = tpu.memref_slice %arg6[%parallel_loop3A_680, %parallel_loop3A_794, %parallel_loop3A_795] : memref<3x200x64xf32, #tpu.memory_space<vmem>> -> memref<1x200x64xf32, #tpu.memory_space<vmem>>
        %parallel_loop3A_797 = tpu.memref_squeeze %parallel_loop3A_796 : memref<1x200x64xf32, #tpu.memory_space<vmem>> -> memref<200x64xf32, #tpu.memory_space<vmem>>
        %parallel_loop3A_798 = arith.index_cast %parallel_loop3A_753 : i32 to index
        %parallel_loop3A_799 = arith.constant 32 : index
        %parallel_loop3A_800 = tpu.vector_load %parallel_loop3A_797[%parallel_loop3A_798, %parallel_loop3A_799] {strides = array<i32>} : memref<200x64xf32, #tpu.memory_space<vmem>>, vector<1x16xf32>,
        %parallel_loop3A_801 = vector.shape_cast %parallel_loop3A_800 : vector<1x16xf32> to vector<16xf32>
        %parallel_loop3A_802 = arith.constant 8.000000e+00 : f32
        %parallel_loop3A_803 = vector.broadcast %parallel_loop3A_802 : f32 to vector<16xf32>
        %parallel_loop3A_804 = arith.mulf %parallel_loop3A_801, %parallel_loop3A_803 : vector<16xf32>
        %parallel_loop3A_805 = arith.constant 0 : i32
        %parallel_loop3A_806 = arith.constant 0 : i32
        %parallel_loop3A_807 = tpu.memref_slice %arg6[%parallel_loop3A_680, %parallel_loop3A_805, %parallel_loop3A_806] : memref<3x200x64xf32, #tpu.memory_space<vmem>> -> memref<1x200x64xf32, #tpu.memory_space<vmem>>
        %parallel_loop3A_808 = tpu.memref_squeeze %parallel_loop3A_807 : memref<1x200x64xf32, #tpu.memory_space<vmem>> -> memref<200x64xf32, #tpu.memory_space<vmem>>
        %parallel_loop3A_809 = arith.index_cast %parallel_loop3A_753 : i32 to index
        %parallel_loop3A_810 = arith.constant 32 : index
        %parallel_loop3A_811 = tpu.vector_load %parallel_loop3A_808[%parallel_loop3A_809, %parallel_loop3A_810] {strides = array<i32>} : memref<200x64xf32, #tpu.memory_space<vmem>>, vector<1x16xf32>,
        %parallel_loop3A_812 = vector.shape_cast %parallel_loop3A_811 : vector<1x16xf32> to vector<16xf32>
        %parallel_loop3A_813 = vector.shape_cast %parallel_loop3A_804 : vector<16xf32> to vector<1x16xf32>
        tpu.vector_store %parallel_loop3A_808[%parallel_loop3A_809, %parallel_loop3A_810], %parallel_loop3A_813 {strides = array<i32>} : memref<200x64xf32, #tpu.memory_space<vmem>>, vector<1x16xf32>,
        %parallel_loop3A_814 = arith.constant 0 : i32
        %parallel_loop3A_815 = arith.constant 0 : i32
        %parallel_loop3A_816 = tpu.memref_slice %arg6[%parallel_loop3A_680, %parallel_loop3A_814, %parallel_loop3A_815] : memref<3x200x64xf32, #tpu.memory_space<vmem>> -> memref<1x200x64xf32, #tpu.memory_space<vmem>>
        %parallel_loop3A_817 = tpu.memref_squeeze %parallel_loop3A_816 : memref<1x200x64xf32, #tpu.memory_space<vmem>> -> memref<200x64xf32, #tpu.memory_space<vmem>>
        %parallel_loop3A_818 = arith.index_cast %parallel_loop3A_753 : i32 to index
        %parallel_loop3A_819 = arith.constant 48 : index
        %parallel_loop3A_820 = tpu.vector_load %parallel_loop3A_817[%parallel_loop3A_818, %parallel_loop3A_819] {strides = array<i32>} : memref<200x64xf32, #tpu.memory_space<vmem>>, vector<1x16xf32>,
        %parallel_loop3A_821 = vector.shape_cast %parallel_loop3A_820 : vector<1x16xf32> to vector<16xf32>
        %parallel_loop3A_822 = arith.constant 8.000000e+00 : f32
        %parallel_loop3A_823 = vector.broadcast %parallel_loop3A_822 : f32 to vector<16xf32>
        %parallel_loop3A_824 = arith.mulf %parallel_loop3A_821, %parallel_loop3A_823 : vector<16xf32>
        %parallel_loop3A_825 = arith.constant 0 : i32
        %parallel_loop3A_826 = arith.constant 0 : i32
        %parallel_loop3A_827 = tpu.memref_slice %arg6[%parallel_loop3A_680, %parallel_loop3A_825, %parallel_loop3A_826] : memref<3x200x64xf32, #tpu.memory_space<vmem>> -> memref<1x200x64xf32, #tpu.memory_space<vmem>>
        %parallel_loop3A_828 = tpu.memref_squeeze %parallel_loop3A_827 : memref<1x200x64xf32, #tpu.memory_space<vmem>> -> memref<200x64xf32, #tpu.memory_space<vmem>>
        %parallel_loop3A_829 = arith.index_cast %parallel_loop3A_753 : i32 to index
        %parallel_loop3A_830 = arith.constant 48 : index
        %parallel_loop3A_831 = tpu.vector_load %parallel_loop3A_828[%parallel_loop3A_829, %parallel_loop3A_830] {strides = array<i32>} : memref<200x64xf32, #tpu.memory_space<vmem>>, vector<1x16xf32>,
        %parallel_loop3A_832 = vector.shape_cast %parallel_loop3A_831 : vector<1x16xf32> to vector<16xf32>
        %parallel_loop3A_833 = vector.shape_cast %parallel_loop3A_824 : vector<16xf32> to vector<1x16xf32>
        tpu.vector_store %parallel_loop3A_828[%parallel_loop3A_829, %parallel_loop3A_830], %parallel_loop3A_833 {strides = array<i32>} : memref<200x64xf32, #tpu.memory_space<vmem>>, vector<1x16xf32>,
      } {sc.loop_unroll_factor = 8 : i64, sc.parallel_access}
      %add3A_681 = arith.addi %mul3A_2, %add3A_658 : i32
      %dma_start3A_682 = arith.constant 2 : i32
      %dma_start3A_683 = arith.constant 2 : i32
      %dma_start3A_684 = arith.constant 0 : i32
      %dma_start3A_685 = arith.constant 0 : i32
      %dma_start3A_686 = tpu.memref_slice %arg6[%dma_start3A_682, %dma_start3A_684, %dma_start3A_685] : memref<3x200x64xf32, #tpu.memory_space<vmem>> -> memref<1x200x64xf32, #tpu.memory_space<vmem>>
      %dma_start3A_687 = tpu.memref_squeeze %dma_start3A_686 : memref<1x200x64xf32, #tpu.memory_space<vmem>> -> memref<200x64xf32, #tpu.memory_space<vmem>>
      %dma_start3A_688 = arith.constant 0 : i32
      %dma_start3A_689 = arith.constant 0 : i32
      %dma_start3A_690 = tpu.memref_slice %arg4[%add3A_681, %dma_start3A_688, %dma_start3A_689] : memref<4096x200x128xf32, #tpu.memory_space<hbm>> -> memref<1x200x64xf32, #tpu.memory_space<hbm>>
      %dma_start3A_691 = tpu.memref_squeeze %dma_start3A_690 : memref<1x200x64xf32, #tpu.memory_space<hbm>> -> memref<200x64xf32, #tpu.memory_space<hbm>>
      %dma_start3A_692 = tpu.memref_slice %arg8[%dma_start3A_683] : memref<3x!tpu.dma_semaphore, #tpu.memory_space<semaphore_mem>> -> memref<1x!tpu.dma_semaphore, #tpu.memory_space<semaphore_mem>>
      %dma_start3A_693 = tpu.memref_squeeze %dma_start3A_692 : memref<1x!tpu.dma_semaphore, #tpu.memory_space<semaphore_mem>> -> memref<!tpu.dma_semaphore, #tpu.memory_space<semaphore_mem>>
      %dma_start3A_694 = arith.constant 0 : i32
      %dma_start3A_695 = arith.constant 0 : i32
      %dma_start3A_696 = tpu.memref_slice %arg4[%add3A_681, %dma_start3A_694, %dma_start3A_695] : memref<4096x200x128xf32, #tpu.memory_space<hbm>> -> memref<1x200x64xf32, #tpu.memory_space<hbm>>
      %dma_start3A_697 = tpu.memref_squeeze %dma_start3A_696 : memref<1x200x64xf32, #tpu.memory_space<hbm>> -> memref<200x64xf32, #tpu.memory_space<hbm>>
      %dma_start3A_698 = arith.constant 0 : i32
      %dma_start3A_699 = arith.constant 0 : i32
      %dma_start3A_700 = tpu.memref_slice %arg6[%dma_start3A_682, %dma_start3A_698, %dma_start3A_699] : memref<3x200x64xf32, #tpu.memory_space<vmem>> -> memref<1x200x64xf32, #tpu.memory_space<vmem>>
      %dma_start3A_701 = tpu.memref_squeeze %dma_start3A_700 : memref<1x200x64xf32, #tpu.memory_space<vmem>> -> memref<200x64xf32, #tpu.memory_space<vmem>>
      tpu.enqueue_dma source(%dma_start3A_701 : memref<200x64xf32, #tpu.memory_space<vmem>>) target(%dma_start3A_697 : memref<200x64xf32, #tpu.memory_space<hbm>>) target_semaphore(%dma_start3A_693 : memref<!tpu.dma_semaphore, #tpu.memory_space<semaphore_mem>>)
      %dma_wait3A_702 = arith.constant 0 : i32
      %dma_wait3A_703 = arith.constant 1 : i32
      %dma_wait3A_704 = arith.constant 1 : i32
      %dma_wait3A_705 = arith.constant 0 : i32
      %dma_wait3A_706 = arith.constant 0 : i32
      %dma_wait3A_707 = tpu.memref_slice %arg6[%dma_wait3A_703, %dma_wait3A_705, %dma_wait3A_706] : memref<3x200x64xf32, #tpu.memory_space<vmem>> -> memref<1x200x64xf32, #tpu.memory_space<vmem>>
      %dma_wait3A_708 = tpu.memref_squeeze %dma_wait3A_707 : memref<1x200x64xf32, #tpu.memory_space<vmem>> -> memref<200x64xf32, #tpu.memory_space<vmem>>
      %dma_wait3A_709 = arith.constant 0 : i32
      %dma_wait3A_710 = arith.constant 0 : i32
      %dma_wait3A_711 = tpu.memref_slice %arg4[%dma_wait3A_702, %dma_wait3A_709, %dma_wait3A_710] : memref<4096x200x128xf32, #tpu.memory_space<hbm>> -> memref<1x200x64xf32, #tpu.memory_space<hbm>>
      %dma_wait3A_712 = tpu.memref_squeeze %dma_wait3A_711 : memref<1x200x64xf32, #tpu.memory_space<hbm>> -> memref<200x64xf32, #tpu.memory_space<hbm>>
      %dma_wait3A_713 = tpu.memref_slice %arg8[%dma_wait3A_704] : memref<3x!tpu.dma_semaphore, #tpu.memory_space<semaphore_mem>> -> memref<1x!tpu.dma_semaphore, #tpu.memory_space<semaphore_mem>>
      %dma_wait3A_714 = tpu.memref_squeeze %dma_wait3A_713 : memref<1x!tpu.dma_semaphore, #tpu.memory_space<semaphore_mem>> -> memref<!tpu.dma_semaphore, #tpu.memory_space<semaphore_mem>>
      %dma_wait3A_715 = arith.constant 0 : i32
      %dma_wait3A_716 = arith.constant 0 : i32
      %dma_wait3A_717 = tpu.memref_slice %arg6[%dma_wait3A_703, %dma_wait3A_715, %dma_wait3A_716] : memref<3x200x64xf32, #tpu.memory_space<vmem>> -> memref<1x200x64xf32, #tpu.memory_space<vmem>>
      %dma_wait3A_718 = tpu.memref_squeeze %dma_wait3A_717 : memref<1x200x64xf32, #tpu.memory_space<vmem>> -> memref<200x64xf32, #tpu.memory_space<vmem>>
      %dma_wait3A_719 = arith.constant 0 : i32
      %dma_wait3A_720 = arith.constant 0 : i32
      %dma_wait3A_721 = tpu.memref_slice %arg4[%dma_wait3A_702, %dma_wait3A_719, %dma_wait3A_720] : memref<4096x200x128xf32, #tpu.memory_space<hbm>> -> memref<1x200x64xf32, #tpu.memory_space<hbm>>
      %dma_wait3A_722 = tpu.memref_squeeze %dma_wait3A_721 : memref<1x200x64xf32, #tpu.memory_space<hbm>> -> memref<200x64xf32, #tpu.memory_space<hbm>>
      tpu.wait_dma2 semaphore(%dma_wait3A_714 : memref<!tpu.dma_semaphore, #tpu.memory_space<semaphore_mem>>) src(%dma_wait3A_722 : memref<200x64xf32, #tpu.memory_space<hbm>>) dst(%dma_wait3A_718 : memref<200x64xf32, #tpu.memory_space<vmem>>)
      %add3A_723 = arith.constant 2 : i32
      %add3A_724 = arith.addi %add3A_658, %add3A_723 : i32
      %mul3A_725 = arith.constant 200 : i32
      %mul3A_726 = arith.muli %add3A_724, %mul3A_725 : i32
      %dma_start3A_727 = arith.constant 1 : i32
      %dma_start3A_728 = arith.constant 1 : i32
      %dma_start3A_729 = arith.constant 0 : i32
      %dma_start3A_730 = arith.constant 0 : i32
      %dma_start3A_731 = tpu.memref_slice %arg6[%dma_start3A_727, %dma_start3A_729, %dma_start3A_730] : memref<3x200x64xf32, #tpu.memory_space<vmem>> -> memref<1x128x64xf32, #tpu.memory_space<vmem>>
      %dma_start3A_732 = tpu.memref_squeeze %dma_start3A_731 : memref<1x128x64xf32, #tpu.memory_space<vmem>> -> memref<128x64xf32, #tpu.memory_space<vmem>>
      %dma_start3A_733 = tpu.memref_slice %arg5[%mul3A_726] : memref<25600xi32, #tpu.memory_space<vmem>> -> memref<128xi32, #tpu.memory_space<vmem>>
      %dma_start3A_734 = arith.constant 0 : i32
      %dma_start3A_735 = arith.constant 0 : i32
      %dma_start3A_736 = tpu.memref_slice %arg3[%dma_start3A_734, %dma_start3A_735] : memref<1000000x64xf32, #tpu.memory_space<hbm>> -> memref<1000000x64xf32, #tpu.memory_space<hbm>>
      %dma_start3A_737 = tpu.memref_slice %arg7[%dma_start3A_728] : memref<3x!tpu.dma_semaphore, #tpu.memory_space<semaphore_mem>> -> memref<1x!tpu.dma_semaphore, #tpu.memory_space<semaphore_mem>>
      %dma_start3A_738 = tpu.memref_squeeze %dma_start3A_737 : memref<1x!tpu.dma_semaphore, #tpu.memory_space<semaphore_mem>> -> memref<!tpu.dma_semaphore, #tpu.memory_space<semaphore_mem>>
      tpu.enqueue_indirect_dma source(%dma_start3A_736 : memref<1000000x64xf32, #tpu.memory_space<hbm>>) target(%dma_start3A_732 : memref<128x64xf32, #tpu.memory_space<vmem>>) offsets(%dma_start3A_733 : memref<128xi32, #tpu.memory_space<vmem>>) semaphore(%dma_start3A_738 : memref<!tpu.dma_semaphore, #tpu.memory_space<semaphore_mem>>)
      %add3A_739 = arith.constant 128 : i32
      %add3A_740 = arith.addi %mul3A_726, %add3A_739 : i32
      %dma_start3A_741 = arith.constant 1 : i32
      %dma_start3A_742 = arith.constant 1 : i32
      %dma_start3A_743 = arith.constant 128 : i32
      %dma_start3A_744 = arith.constant 0 : i32
      %dma_start3A_745 = tpu.memref_slice %arg6[%dma_start3A_741, %dma_start3A_743, %dma_start3A_744] : memref<3x200x64xf32, #tpu.memory_space<vmem>> -> memref<1x72x64xf32, #tpu.memory_space<vmem>>
      %dma_start3A_746 = tpu.memref_squeeze %dma_start3A_745 : memref<1x72x64xf32, #tpu.memory_space<vmem>> -> memref<72x64xf32, #tpu.memory_space<vmem>>
      %dma_start3A_747 = tpu.memref_slice %arg5[%add3A_740] : memref<25600xi32, #tpu.memory_space<vmem>> -> memref<72xi32, #tpu.memory_space<vmem>>
      %dma_start3A_748 = arith.constant 0 : i32
      %dma_start3A_749 = arith.constant 0 : i32
      %dma_start3A_750 = tpu.memref_slice %arg3[%dma_start3A_748, %dma_start3A_749] : memref<1000000x64xf32, #tpu.memory_space<hbm>> -> memref<1000000x64xf32, #tpu.memory_space<hbm>>
      %dma_start3A_751 = tpu.memref_slice %arg7[%dma_start3A_742] : memref<3x!tpu.dma_semaphore, #tpu.memory_space<semaphore_mem>> -> memref<1x!tpu.dma_semaphore, #tpu.memory_space<semaphore_mem>>
      %dma_start3A_752 = tpu.memref_squeeze %dma_start3A_751 : memref<1x!tpu.dma_semaphore, #tpu.memory_space<semaphore_mem>> -> memref<!tpu.dma_semaphore, #tpu.memory_space<semaphore_mem>>
      tpu.enqueue_indirect_dma source(%dma_start3A_750 : memref<1000000x64xf32, #tpu.memory_space<hbm>>) target(%dma_start3A_746 : memref<72x64xf32, #tpu.memory_space<vmem>>) offsets(%dma_start3A_747 : memref<72xi32, #tpu.memory_space<vmem>>) semaphore(%dma_start3A_752 : memref<!tpu.dma_semaphore, #tpu.memory_space<semaphore_mem>>)
    }
    %scan3A_310 = arith.constant 41 : i32
    %dma_wait3A_311 = arith.constant 0 : i32
    %dma_wait3A_312 = arith.constant 0 : i32
    %dma_wait3A_313 = arith.constant 0 : i32
    %dma_wait3A_314 = arith.constant 0 : i32
    %dma_wait3A_315 = tpu.memref_slice %arg6[%dma_wait3A_311, %dma_wait3A_313, %dma_wait3A_314] : memref<3x200x64xf32, #tpu.memory_space<vmem>> -> memref<1x200x64xf32, #tpu.memory_space<vmem>>
    %dma_wait3A_316 = tpu.memref_squeeze %dma_wait3A_315 : memref<1x200x64xf32, #tpu.memory_space<vmem>> -> memref<200x64xf32, #tpu.memory_space<vmem>>
    %dma_wait3A_317 = arith.constant 0 : i32
    %dma_wait3A_318 = arith.constant 0 : i32
    %dma_wait3A_319 = tpu.memref_slice %arg3[%dma_wait3A_317, %dma_wait3A_318] : memref<1000000x64xf32, #tpu.memory_space<hbm>> -> memref<200x64xf32, #tpu.memory_space<hbm>>
    %dma_wait3A_320 = tpu.memref_slice %arg7[%dma_wait3A_312] : memref<3x!tpu.dma_semaphore, #tpu.memory_space<semaphore_mem>> -> memref<1x!tpu.dma_semaphore, #tpu.memory_space<semaphore_mem>>
    %dma_wait3A_321 = tpu.memref_squeeze %dma_wait3A_320 : memref<1x!tpu.dma_semaphore, #tpu.memory_space<semaphore_mem>> -> memref<!tpu.dma_semaphore, #tpu.memory_space<semaphore_mem>>
    %dma_wait3A_322 = arith.constant 0 : i32
    %dma_wait3A_323 = arith.constant 0 : i32
    %dma_wait3A_324 = tpu.memref_slice %arg6[%dma_wait3A_311, %dma_wait3A_322, %dma_wait3A_323] : memref<3x200x64xf32, #tpu.memory_space<vmem>> -> memref<1x200x64xf32, #tpu.memory_space<vmem>>
    %dma_wait3A_325 = tpu.memref_squeeze %dma_wait3A_324 : memref<1x200x64xf32, #tpu.memory_space<vmem>> -> memref<200x64xf32, #tpu.memory_space<vmem>>
    %dma_wait3A_326 = arith.constant 0 : i32
    %dma_wait3A_327 = arith.constant 0 : i32
    %dma_wait3A_328 = tpu.memref_slice %arg3[%dma_wait3A_326, %dma_wait3A_327] : memref<1000000x64xf32, #tpu.memory_space<hbm>> -> memref<200x64xf32, #tpu.memory_space<hbm>>
    tpu.wait_dma2 semaphore(%dma_wait3A_321 : memref<!tpu.dma_semaphore, #tpu.memory_space<semaphore_mem>>) src(%dma_wait3A_328 : memref<200x64xf32, #tpu.memory_space<hbm>>) dst(%dma_wait3A_325 : memref<200x64xf32, #tpu.memory_space<vmem>>)
    %parallel_loop3A_329 = arith.constant 0 : i32
    %parallel_loop3A_330 = arith.constant 200 : i32
    %parallel_loop3A_331 = arith.constant 1 : i32
    %parallel_loop3A_332 = arith.constant 0 : i32
    scf.for %parallel_loop3A_462 = %parallel_loop3A_329 to %parallel_loop3A_330 step %parallel_loop3A_331  : i32 {
      %parallel_loop3A_463 = arith.constant 0 : i32
      %parallel_loop3A_464 = arith.constant 0 : i32
      %parallel_loop3A_465 = tpu.memref_slice %arg6[%parallel_loop3A_332, %parallel_loop3A_463, %parallel_loop3A_464] : memref<3x200x64xf32, #tpu.memory_space<vmem>> -> memref<1x200x64xf32, #tpu.memory_space<vmem>>
      %parallel_loop3A_466 = tpu.memref_squeeze %parallel_loop3A_465 : memref<1x200x64xf32, #tpu.memory_space<vmem>> -> memref<200x64xf32, #tpu.memory_space<vmem>>
      %parallel_loop3A_467 = arith.index_cast %parallel_loop3A_462 : i32 to index
      %parallel_loop3A_468 = arith.constant 0 : index
      %parallel_loop3A_469 = tpu.vector_load %parallel_loop3A_466[%parallel_loop3A_467, %parallel_loop3A_468] {strides = array<i32>} : memref<200x64xf32, #tpu.memory_space<vmem>>, vector<1x16xf32>,
      %parallel_loop3A_470 = vector.shape_cast %parallel_loop3A_469 : vector<1x16xf32> to vector<16xf32>
      %parallel_loop3A_471 = arith.constant 8.000000e+00 : f32
      %parallel_loop3A_472 = vector.broadcast %parallel_loop3A_471 : f32 to vector<16xf32>
      %parallel_loop3A_473 = arith.mulf %parallel_loop3A_470, %parallel_loop3A_472 : vector<16xf32>
      %parallel_loop3A_474 = arith.constant 0 : i32
      %parallel_loop3A_475 = arith.constant 0 : i32
      %parallel_loop3A_476 = tpu.memref_slice %arg6[%parallel_loop3A_332, %parallel_loop3A_474, %parallel_loop3A_475] : memref<3x200x64xf32, #tpu.memory_space<vmem>> -> memref<1x200x64xf32, #tpu.memory_space<vmem>>
      %parallel_loop3A_477 = tpu.memref_squeeze %parallel_loop3A_476 : memref<1x200x64xf32, #tpu.memory_space<vmem>> -> memref<200x64xf32, #tpu.memory_space<vmem>>
      %parallel_loop3A_478 = arith.index_cast %parallel_loop3A_462 : i32 to index
      %parallel_loop3A_479 = arith.constant 0 : index
      %parallel_loop3A_480 = tpu.vector_load %parallel_loop3A_477[%parallel_loop3A_478, %parallel_loop3A_479] {strides = array<i32>} : memref<200x64xf32, #tpu.memory_space<vmem>>, vector<1x16xf32>,
      %parallel_loop3A_481 = vector.shape_cast %parallel_loop3A_480 : vector<1x16xf32> to vector<16xf32>
      %parallel_loop3A_482 = vector.shape_cast %parallel_loop3A_473 : vector<16xf32> to vector<1x16xf32>
      tpu.vector_store %parallel_loop3A_477[%parallel_loop3A_478, %parallel_loop3A_479], %parallel_loop3A_482 {strides = array<i32>} : memref<200x64xf32, #tpu.memory_space<vmem>>, vector<1x16xf32>,
      %parallel_loop3A_483 = arith.constant 0 : i32
      %parallel_loop3A_484 = arith.constant 0 : i32
      %parallel_loop3A_485 = tpu.memref_slice %arg6[%parallel_loop3A_332, %parallel_loop3A_483, %parallel_loop3A_484] : memref<3x200x64xf32, #tpu.memory_space<vmem>> -> memref<1x200x64xf32, #tpu.memory_space<vmem>>
      %parallel_loop3A_486 = tpu.memref_squeeze %parallel_loop3A_485 : memref<1x200x64xf32, #tpu.memory_space<vmem>> -> memref<200x64xf32, #tpu.memory_space<vmem>>
      %parallel_loop3A_487 = arith.index_cast %parallel_loop3A_462 : i32 to index
      %parallel_loop3A_488 = arith.constant 16 : index
      %parallel_loop3A_489 = tpu.vector_load %parallel_loop3A_486[%parallel_loop3A_487, %parallel_loop3A_488] {strides = array<i32>} : memref<200x64xf32, #tpu.memory_space<vmem>>, vector<1x16xf32>,
      %parallel_loop3A_490 = vector.shape_cast %parallel_loop3A_489 : vector<1x16xf32> to vector<16xf32>
      %parallel_loop3A_491 = arith.constant 8.000000e+00 : f32
      %parallel_loop3A_492 = vector.broadcast %parallel_loop3A_491 : f32 to vector<16xf32>
      %parallel_loop3A_493 = arith.mulf %parallel_loop3A_490, %parallel_loop3A_492 : vector<16xf32>
      %parallel_loop3A_494 = arith.constant 0 : i32
      %parallel_loop3A_495 = arith.constant 0 : i32
      %parallel_loop3A_496 = tpu.memref_slice %arg6[%parallel_loop3A_332, %parallel_loop3A_494, %parallel_loop3A_495] : memref<3x200x64xf32, #tpu.memory_space<vmem>> -> memref<1x200x64xf32, #tpu.memory_space<vmem>>
      %parallel_loop3A_497 = tpu.memref_squeeze %parallel_loop3A_496 : memref<1x200x64xf32, #tpu.memory_space<vmem>> -> memref<200x64xf32, #tpu.memory_space<vmem>>
      %parallel_loop3A_498 = arith.index_cast %parallel_loop3A_462 : i32 to index
      %parallel_loop3A_499 = arith.constant 16 : index
      %parallel_loop3A_500 = tpu.vector_load %parallel_loop3A_497[%parallel_loop3A_498, %parallel_loop3A_499] {strides = array<i32>} : memref<200x64xf32, #tpu.memory_space<vmem>>, vector<1x16xf32>,
      %parallel_loop3A_501 = vector.shape_cast %parallel_loop3A_500 : vector<1x16xf32> to vector<16xf32>
      %parallel_loop3A_502 = vector.shape_cast %parallel_loop3A_493 : vector<16xf32> to vector<1x16xf32>
      tpu.vector_store %parallel_loop3A_497[%parallel_loop3A_498, %parallel_loop3A_499], %parallel_loop3A_502 {strides = array<i32>} : memref<200x64xf32, #tpu.memory_space<vmem>>, vector<1x16xf32>,
      %parallel_loop3A_503 = arith.constant 0 : i32
      %parallel_loop3A_504 = arith.constant 0 : i32
      %parallel_loop3A_505 = tpu.memref_slice %arg6[%parallel_loop3A_332, %parallel_loop3A_503, %parallel_loop3A_504] : memref<3x200x64xf32, #tpu.memory_space<vmem>> -> memref<1x200x64xf32, #tpu.memory_space<vmem>>
      %parallel_loop3A_506 = tpu.memref_squeeze %parallel_loop3A_505 : memref<1x200x64xf32, #tpu.memory_space<vmem>> -> memref<200x64xf32, #tpu.memory_space<vmem>>
      %parallel_loop3A_507 = arith.index_cast %parallel_loop3A_462 : i32 to index
      %parallel_loop3A_508 = arith.constant 32 : index
      %parallel_loop3A_509 = tpu.vector_load %parallel_loop3A_506[%parallel_loop3A_507, %parallel_loop3A_508] {strides = array<i32>} : memref<200x64xf32, #tpu.memory_space<vmem>>, vector<1x16xf32>,
      %parallel_loop3A_510 = vector.shape_cast %parallel_loop3A_509 : vector<1x16xf32> to vector<16xf32>
      %parallel_loop3A_511 = arith.constant 8.000000e+00 : f32
      %parallel_loop3A_512 = vector.broadcast %parallel_loop3A_511 : f32 to vector<16xf32>
      %parallel_loop3A_513 = arith.mulf %parallel_loop3A_510, %parallel_loop3A_512 : vector<16xf32>
      %parallel_loop3A_514 = arith.constant 0 : i32
      %parallel_loop3A_515 = arith.constant 0 : i32
      %parallel_loop3A_516 = tpu.memref_slice %arg6[%parallel_loop3A_332, %parallel_loop3A_514, %parallel_loop3A_515] : memref<3x200x64xf32, #tpu.memory_space<vmem>> -> memref<1x200x64xf32, #tpu.memory_space<vmem>>
      %parallel_loop3A_517 = tpu.memref_squeeze %parallel_loop3A_516 : memref<1x200x64xf32, #tpu.memory_space<vmem>> -> memref<200x64xf32, #tpu.memory_space<vmem>>
      %parallel_loop3A_518 = arith.index_cast %parallel_loop3A_462 : i32 to index
      %parallel_loop3A_519 = arith.constant 32 : index
      %parallel_loop3A_520 = tpu.vector_load %parallel_loop3A_517[%parallel_loop3A_518, %parallel_loop3A_519] {strides = array<i32>} : memref<200x64xf32, #tpu.memory_space<vmem>>, vector<1x16xf32>,
      %parallel_loop3A_521 = vector.shape_cast %parallel_loop3A_520 : vector<1x16xf32> to vector<16xf32>
      %parallel_loop3A_522 = vector.shape_cast %parallel_loop3A_513 : vector<16xf32> to vector<1x16xf32>
      tpu.vector_store %parallel_loop3A_517[%parallel_loop3A_518, %parallel_loop3A_519], %parallel_loop3A_522 {strides = array<i32>} : memref<200x64xf32, #tpu.memory_space<vmem>>, vector<1x16xf32>,
      %parallel_loop3A_523 = arith.constant 0 : i32
      %parallel_loop3A_524 = arith.constant 0 : i32
      %parallel_loop3A_525 = tpu.memref_slice %arg6[%parallel_loop3A_332, %parallel_loop3A_523, %parallel_loop3A_524] : memref<3x200x64xf32, #tpu.memory_space<vmem>> -> memref<1x200x64xf32, #tpu.memory_space<vmem>>
      %parallel_loop3A_526 = tpu.memref_squeeze %parallel_loop3A_525 : memref<1x200x64xf32, #tpu.memory_space<vmem>> -> memref<200x64xf32, #tpu.memory_space<vmem>>
      %parallel_loop3A_527 = arith.index_cast %parallel_loop3A_462 : i32 to index
      %parallel_loop3A_528 = arith.constant 48 : index
      %parallel_loop3A_529 = tpu.vector_load %parallel_loop3A_526[%parallel_loop3A_527, %parallel_loop3A_528] {strides = array<i32>} : memref<200x64xf32, #tpu.memory_space<vmem>>, vector<1x16xf32>,
      %parallel_loop3A_530 = vector.shape_cast %parallel_loop3A_529 : vector<1x16xf32> to vector<16xf32>
      %parallel_loop3A_531 = arith.constant 8.000000e+00 : f32
      %parallel_loop3A_532 = vector.broadcast %parallel_loop3A_531 : f32 to vector<16xf32>
      %parallel_loop3A_533 = arith.mulf %parallel_loop3A_530, %parallel_loop3A_532 : vector<16xf32>
      %parallel_loop3A_534 = arith.constant 0 : i32
      %parallel_loop3A_535 = arith.constant 0 : i32
      %parallel_loop3A_536 = tpu.memref_slice %arg6[%parallel_loop3A_332, %parallel_loop3A_534, %parallel_loop3A_535] : memref<3x200x64xf32, #tpu.memory_space<vmem>> -> memref<1x200x64xf32, #tpu.memory_space<vmem>>
      %parallel_loop3A_537 = tpu.memref_squeeze %parallel_loop3A_536 : memref<1x200x64xf32, #tpu.memory_space<vmem>> -> memref<200x64xf32, #tpu.memory_space<vmem>>
      %parallel_loop3A_538 = arith.index_cast %parallel_loop3A_462 : i32 to index
      %parallel_loop3A_539 = arith.constant 48 : index
      %parallel_loop3A_540 = tpu.vector_load %parallel_loop3A_537[%parallel_loop3A_538, %parallel_loop3A_539] {strides = array<i32>} : memref<200x64xf32, #tpu.memory_space<vmem>>, vector<1x16xf32>,
      %parallel_loop3A_541 = vector.shape_cast %parallel_loop3A_540 : vector<1x16xf32> to vector<16xf32>
      %parallel_loop3A_542 = vector.shape_cast %parallel_loop3A_533 : vector<16xf32> to vector<1x16xf32>
      tpu.vector_store %parallel_loop3A_537[%parallel_loop3A_538, %parallel_loop3A_539], %parallel_loop3A_542 {strides = array<i32>} : memref<200x64xf32, #tpu.memory_space<vmem>>, vector<1x16xf32>,
    } {sc.loop_unroll_factor = 8 : i64, sc.parallel_access}
    %add3A_333 = arith.constant 126 : i32
    %add3A_334 = arith.addi %mul3A_2, %add3A_333 : i32
    %dma_start3A_335 = arith.constant 0 : i32
    %dma_start3A_336 = arith.constant 0 : i32
    %dma_start3A_337 = arith.constant 0 : i32
    %dma_start3A_338 = arith.constant 0 : i32
    %dma_start3A_339 = tpu.memref_slice %arg6[%dma_start3A_335, %dma_start3A_337, %dma_start3A_338] : memref<3x200x64xf32, #tpu.memory_space<vmem>> -> memref<1x200x64xf32, #tpu.memory_space<vmem>>
    %dma_start3A_340 = tpu.memref_squeeze %dma_start3A_339 : memref<1x200x64xf32, #tpu.memory_space<vmem>> -> memref<200x64xf32, #tpu.memory_space<vmem>>
    %dma_start3A_341 = arith.constant 0 : i32
    %dma_start3A_342 = arith.constant 0 : i32
    %dma_start3A_343 = tpu.memref_slice %arg4[%add3A_334, %dma_start3A_341, %dma_start3A_342] : memref<4096x200x128xf32, #tpu.memory_space<hbm>> -> memref<1x200x64xf32, #tpu.memory_space<hbm>>
    %dma_start3A_344 = tpu.memref_squeeze %dma_start3A_343 : memref<1x200x64xf32, #tpu.memory_space<hbm>> -> memref<200x64xf32, #tpu.memory_space<hbm>>
    %dma_start3A_345 = tpu.memref_slice %arg8[%dma_start3A_336] : memref<3x!tpu.dma_semaphore, #tpu.memory_space<semaphore_mem>> -> memref<1x!tpu.dma_semaphore, #tpu.memory_space<semaphore_mem>>
    %dma_start3A_346 = tpu.memref_squeeze %dma_start3A_345 : memref<1x!tpu.dma_semaphore, #tpu.memory_space<semaphore_mem>> -> memref<!tpu.dma_semaphore, #tpu.memory_space<semaphore_mem>>
    %dma_start3A_347 = arith.constant 0 : i32
    %dma_start3A_348 = arith.constant 0 : i32
    %dma_start3A_349 = tpu.memref_slice %arg4[%add3A_334, %dma_start3A_347, %dma_start3A_348] : memref<4096x200x128xf32, #tpu.memory_space<hbm>> -> memref<1x200x64xf32, #tpu.memory_space<hbm>>
    %dma_start3A_350 = tpu.memref_squeeze %dma_start3A_349 : memref<1x200x64xf32, #tpu.memory_space<hbm>> -> memref<200x64xf32, #tpu.memory_space<hbm>>
    %dma_start3A_351 = arith.constant 0 : i32
    %dma_start3A_352 = arith.constant 0 : i32
    %dma_start3A_353 = tpu.memref_slice %arg6[%dma_start3A_335, %dma_start3A_351, %dma_start3A_352] : memref<3x200x64xf32, #tpu.memory_space<vmem>> -> memref<1x200x64xf32, #tpu.memory_space<vmem>>
    %dma_start3A_354 = tpu.memref_squeeze %dma_start3A_353 : memref<1x200x64xf32, #tpu.memory_space<vmem>> -> memref<200x64xf32, #tpu.memory_space<vmem>>
    tpu.enqueue_dma source(%dma_start3A_354 : memref<200x64xf32, #tpu.memory_space<vmem>>) target(%dma_start3A_350 : memref<200x64xf32, #tpu.memory_space<hbm>>) target_semaphore(%dma_start3A_346 : memref<!tpu.dma_semaphore, #tpu.memory_space<semaphore_mem>>)
    %dma_wait3A_355 = arith.constant 1 : i32
    %dma_wait3A_356 = arith.constant 1 : i32
    %dma_wait3A_357 = arith.constant 0 : i32
    %dma_wait3A_358 = arith.constant 0 : i32
    %dma_wait3A_359 = tpu.memref_slice %arg6[%dma_wait3A_355, %dma_wait3A_357, %dma_wait3A_358] : memref<3x200x64xf32, #tpu.memory_space<vmem>> -> memref<1x200x64xf32, #tpu.memory_space<vmem>>
    %dma_wait3A_360 = tpu.memref_squeeze %dma_wait3A_359 : memref<1x200x64xf32, #tpu.memory_space<vmem>> -> memref<200x64xf32, #tpu.memory_space<vmem>>
    %dma_wait3A_361 = arith.constant 0 : i32
    %dma_wait3A_362 = arith.constant 0 : i32
    %dma_wait3A_363 = tpu.memref_slice %arg3[%dma_wait3A_361, %dma_wait3A_362] : memref<1000000x64xf32, #tpu.memory_space<hbm>> -> memref<200x64xf32, #tpu.memory_space<hbm>>
    %dma_wait3A_364 = tpu.memref_slice %arg7[%dma_wait3A_356] : memref<3x!tpu.dma_semaphore, #tpu.memory_space<semaphore_mem>> -> memref<1x!tpu.dma_semaphore, #tpu.memory_space<semaphore_mem>>
    %dma_wait3A_365 = tpu.memref_squeeze %dma_wait3A_364 : memref<1x!tpu.dma_semaphore, #tpu.memory_space<semaphore_mem>> -> memref<!tpu.dma_semaphore, #tpu.memory_space<semaphore_mem>>
    %dma_wait3A_366 = arith.constant 0 : i32
    %dma_wait3A_367 = arith.constant 0 : i32
    %dma_wait3A_368 = tpu.memref_slice %arg6[%dma_wait3A_355, %dma_wait3A_366, %dma_wait3A_367] : memref<3x200x64xf32, #tpu.memory_space<vmem>> -> memref<1x200x64xf32, #tpu.memory_space<vmem>>
    %dma_wait3A_369 = tpu.memref_squeeze %dma_wait3A_368 : memref<1x200x64xf32, #tpu.memory_space<vmem>> -> memref<200x64xf32, #tpu.memory_space<vmem>>
    %dma_wait3A_370 = arith.constant 0 : i32
    %dma_wait3A_371 = arith.constant 0 : i32
    %dma_wait3A_372 = tpu.memref_slice %arg3[%dma_wait3A_370, %dma_wait3A_371] : memref<1000000x64xf32, #tpu.memory_space<hbm>> -> memref<200x64xf32, #tpu.memory_space<hbm>>
    tpu.wait_dma2 semaphore(%dma_wait3A_365 : memref<!tpu.dma_semaphore, #tpu.memory_space<semaphore_mem>>) src(%dma_wait3A_372 : memref<200x64xf32, #tpu.memory_space<hbm>>) dst(%dma_wait3A_369 : memref<200x64xf32, #tpu.memory_space<vmem>>)
    %parallel_loop3A_373 = arith.constant 0 : i32
    %parallel_loop3A_374 = arith.constant 200 : i32
    %parallel_loop3A_375 = arith.constant 1 : i32
    %parallel_loop3A_376 = arith.constant 1 : i32
    scf.for %parallel_loop3A_462 = %parallel_loop3A_373 to %parallel_loop3A_374 step %parallel_loop3A_375  : i32 {
      %parallel_loop3A_463 = arith.constant 0 : i32
      %parallel_loop3A_464 = arith.constant 0 : i32
      %parallel_loop3A_465 = tpu.memref_slice %arg6[%parallel_loop3A_376, %parallel_loop3A_463, %parallel_loop3A_464] : memref<3x200x64xf32, #tpu.memory_space<vmem>> -> memref<1x200x64xf32, #tpu.memory_space<vmem>>
      %parallel_loop3A_466 = tpu.memref_squeeze %parallel_loop3A_465 : memref<1x200x64xf32, #tpu.memory_space<vmem>> -> memref<200x64xf32, #tpu.memory_space<vmem>>
      %parallel_loop3A_467 = arith.index_cast %parallel_loop3A_462 : i32 to index
      %parallel_loop3A_468 = arith.constant 0 : index
      %parallel_loop3A_469 = tpu.vector_load %parallel_loop3A_466[%parallel_loop3A_467, %parallel_loop3A_468] {strides = array<i32>} : memref<200x64xf32, #tpu.memory_space<vmem>>, vector<1x16xf32>,
      %parallel_loop3A_470 = vector.shape_cast %parallel_loop3A_469 : vector<1x16xf32> to vector<16xf32>
      %parallel_loop3A_471 = arith.constant 8.000000e+00 : f32
      %parallel_loop3A_472 = vector.broadcast %parallel_loop3A_471 : f32 to vector<16xf32>
      %parallel_loop3A_473 = arith.mulf %parallel_loop3A_470, %parallel_loop3A_472 : vector<16xf32>
      %parallel_loop3A_474 = arith.constant 0 : i32
      %parallel_loop3A_475 = arith.constant 0 : i32
      %parallel_loop3A_476 = tpu.memref_slice %arg6[%parallel_loop3A_376, %parallel_loop3A_474, %parallel_loop3A_475] : memref<3x200x64xf32, #tpu.memory_space<vmem>> -> memref<1x200x64xf32, #tpu.memory_space<vmem>>
      %parallel_loop3A_477 = tpu.memref_squeeze %parallel_loop3A_476 : memref<1x200x64xf32, #tpu.memory_space<vmem>> -> memref<200x64xf32, #tpu.memory_space<vmem>>
      %parallel_loop3A_478 = arith.index_cast %parallel_loop3A_462 : i32 to index
      %parallel_loop3A_479 = arith.constant 0 : index
      %parallel_loop3A_480 = tpu.vector_load %parallel_loop3A_477[%parallel_loop3A_478, %parallel_loop3A_479] {strides = array<i32>} : memref<200x64xf32, #tpu.memory_space<vmem>>, vector<1x16xf32>,
      %parallel_loop3A_481 = vector.shape_cast %parallel_loop3A_480 : vector<1x16xf32> to vector<16xf32>
      %parallel_loop3A_482 = vector.shape_cast %parallel_loop3A_473 : vector<16xf32> to vector<1x16xf32>
      tpu.vector_store %parallel_loop3A_477[%parallel_loop3A_478, %parallel_loop3A_479], %parallel_loop3A_482 {strides = array<i32>} : memref<200x64xf32, #tpu.memory_space<vmem>>, vector<1x16xf32>,
      %parallel_loop3A_483 = arith.constant 0 : i32
      %parallel_loop3A_484 = arith.constant 0 : i32
      %parallel_loop3A_485 = tpu.memref_slice %arg6[%parallel_loop3A_376, %parallel_loop3A_483, %parallel_loop3A_484] : memref<3x200x64xf32, #tpu.memory_space<vmem>> -> memref<1x200x64xf32, #tpu.memory_space<vmem>>
      %parallel_loop3A_486 = tpu.memref_squeeze %parallel_loop3A_485 : memref<1x200x64xf32, #tpu.memory_space<vmem>> -> memref<200x64xf32, #tpu.memory_space<vmem>>
      %parallel_loop3A_487 = arith.index_cast %parallel_loop3A_462 : i32 to index
      %parallel_loop3A_488 = arith.constant 16 : index
      %parallel_loop3A_489 = tpu.vector_load %parallel_loop3A_486[%parallel_loop3A_487, %parallel_loop3A_488] {strides = array<i32>} : memref<200x64xf32, #tpu.memory_space<vmem>>, vector<1x16xf32>,
      %parallel_loop3A_490 = vector.shape_cast %parallel_loop3A_489 : vector<1x16xf32> to vector<16xf32>
      %parallel_loop3A_491 = arith.constant 8.000000e+00 : f32
      %parallel_loop3A_492 = vector.broadcast %parallel_loop3A_491 : f32 to vector<16xf32>
      %parallel_loop3A_493 = arith.mulf %parallel_loop3A_490, %parallel_loop3A_492 : vector<16xf32>
      %parallel_loop3A_494 = arith.constant 0 : i32
      %parallel_loop3A_495 = arith.constant 0 : i32
      %parallel_loop3A_496 = tpu.memref_slice %arg6[%parallel_loop3A_376, %parallel_loop3A_494, %parallel_loop3A_495] : memref<3x200x64xf32, #tpu.memory_space<vmem>> -> memref<1x200x64xf32, #tpu.memory_space<vmem>>
      %parallel_loop3A_497 = tpu.memref_squeeze %parallel_loop3A_496 : memref<1x200x64xf32, #tpu.memory_space<vmem>> -> memref<200x64xf32, #tpu.memory_space<vmem>>
      %parallel_loop3A_498 = arith.index_cast %parallel_loop3A_462 : i32 to index
      %parallel_loop3A_499 = arith.constant 16 : index
      %parallel_loop3A_500 = tpu.vector_load %parallel_loop3A_497[%parallel_loop3A_498, %parallel_loop3A_499] {strides = array<i32>} : memref<200x64xf32, #tpu.memory_space<vmem>>, vector<1x16xf32>,
      %parallel_loop3A_501 = vector.shape_cast %parallel_loop3A_500 : vector<1x16xf32> to vector<16xf32>
      %parallel_loop3A_502 = vector.shape_cast %parallel_loop3A_493 : vector<16xf32> to vector<1x16xf32>
      tpu.vector_store %parallel_loop3A_497[%parallel_loop3A_498, %parallel_loop3A_499], %parallel_loop3A_502 {strides = array<i32>} : memref<200x64xf32, #tpu.memory_space<vmem>>, vector<1x16xf32>,
      %parallel_loop3A_503 = arith.constant 0 : i32
      %parallel_loop3A_504 = arith.constant 0 : i32
      %parallel_loop3A_505 = tpu.memref_slice %arg6[%parallel_loop3A_376, %parallel_loop3A_503, %parallel_loop3A_504] : memref<3x200x64xf32, #tpu.memory_space<vmem>> -> memref<1x200x64xf32, #tpu.memory_space<vmem>>
      %parallel_loop3A_506 = tpu.memref_squeeze %parallel_loop3A_505 : memref<1x200x64xf32, #tpu.memory_space<vmem>> -> memref<200x64xf32, #tpu.memory_space<vmem>>
      %parallel_loop3A_507 = arith.index_cast %parallel_loop3A_462 : i32 to index
      %parallel_loop3A_508 = arith.constant 32 : index
      %parallel_loop3A_509 = tpu.vector_load %parallel_loop3A_506[%parallel_loop3A_507, %parallel_loop3A_508] {strides = array<i32>} : memref<200x64xf32, #tpu.memory_space<vmem>>, vector<1x16xf32>,
      %parallel_loop3A_510 = vector.shape_cast %parallel_loop3A_509 : vector<1x16xf32> to vector<16xf32>
      %parallel_loop3A_511 = arith.constant 8.000000e+00 : f32
      %parallel_loop3A_512 = vector.broadcast %parallel_loop3A_511 : f32 to vector<16xf32>
      %parallel_loop3A_513 = arith.mulf %parallel_loop3A_510, %parallel_loop3A_512 : vector<16xf32>
      %parallel_loop3A_514 = arith.constant 0 : i32
      %parallel_loop3A_515 = arith.constant 0 : i32
      %parallel_loop3A_516 = tpu.memref_slice %arg6[%parallel_loop3A_376, %parallel_loop3A_514, %parallel_loop3A_515] : memref<3x200x64xf32, #tpu.memory_space<vmem>> -> memref<1x200x64xf32, #tpu.memory_space<vmem>>
      %parallel_loop3A_517 = tpu.memref_squeeze %parallel_loop3A_516 : memref<1x200x64xf32, #tpu.memory_space<vmem>> -> memref<200x64xf32, #tpu.memory_space<vmem>>
      %parallel_loop3A_518 = arith.index_cast %parallel_loop3A_462 : i32 to index
      %parallel_loop3A_519 = arith.constant 32 : index
      %parallel_loop3A_520 = tpu.vector_load %parallel_loop3A_517[%parallel_loop3A_518, %parallel_loop3A_519] {strides = array<i32>} : memref<200x64xf32, #tpu.memory_space<vmem>>, vector<1x16xf32>,
      %parallel_loop3A_521 = vector.shape_cast %parallel_loop3A_520 : vector<1x16xf32> to vector<16xf32>
      %parallel_loop3A_522 = vector.shape_cast %parallel_loop3A_513 : vector<16xf32> to vector<1x16xf32>
      tpu.vector_store %parallel_loop3A_517[%parallel_loop3A_518, %parallel_loop3A_519], %parallel_loop3A_522 {strides = array<i32>} : memref<200x64xf32, #tpu.memory_space<vmem>>, vector<1x16xf32>,
      %parallel_loop3A_523 = arith.constant 0 : i32
      %parallel_loop3A_524 = arith.constant 0 : i32
      %parallel_loop3A_525 = tpu.memref_slice %arg6[%parallel_loop3A_376, %parallel_loop3A_523, %parallel_loop3A_524] : memref<3x200x64xf32, #tpu.memory_space<vmem>> -> memref<1x200x64xf32, #tpu.memory_space<vmem>>
      %parallel_loop3A_526 = tpu.memref_squeeze %parallel_loop3A_525 : memref<1x200x64xf32, #tpu.memory_space<vmem>> -> memref<200x64xf32, #tpu.memory_space<vmem>>
      %parallel_loop3A_527 = arith.index_cast %parallel_loop3A_462 : i32 to index
      %parallel_loop3A_528 = arith.constant 48 : index
      %parallel_loop3A_529 = tpu.vector_load %parallel_loop3A_526[%parallel_loop3A_527, %parallel_loop3A_528] {strides = array<i32>} : memref<200x64xf32, #tpu.memory_space<vmem>>, vector<1x16xf32>,
      %parallel_loop3A_530 = vector.shape_cast %parallel_loop3A_529 : vector<1x16xf32> to vector<16xf32>
      %parallel_loop3A_531 = arith.constant 8.000000e+00 : f32
      %parallel_loop3A_532 = vector.broadcast %parallel_loop3A_531 : f32 to vector<16xf32>
      %parallel_loop3A_533 = arith.mulf %parallel_loop3A_530, %parallel_loop3A_532 : vector<16xf32>
      %parallel_loop3A_534 = arith.constant 0 : i32
      %parallel_loop3A_535 = arith.constant 0 : i32
      %parallel_loop3A_536 = tpu.memref_slice %arg6[%parallel_loop3A_376, %parallel_loop3A_534, %parallel_loop3A_535] : memref<3x200x64xf32, #tpu.memory_space<vmem>> -> memref<1x200x64xf32, #tpu.memory_space<vmem>>
      %parallel_loop3A_537 = tpu.memref_squeeze %parallel_loop3A_536 : memref<1x200x64xf32, #tpu.memory_space<vmem>> -> memref<200x64xf32, #tpu.memory_space<vmem>>
      %parallel_loop3A_538 = arith.index_cast %parallel_loop3A_462 : i32 to index
      %parallel_loop3A_539 = arith.constant 48 : index
      %parallel_loop3A_540 = tpu.vector_load %parallel_loop3A_537[%parallel_loop3A_538, %parallel_loop3A_539] {strides = array<i32>} : memref<200x64xf32, #tpu.memory_space<vmem>>, vector<1x16xf32>,
      %parallel_loop3A_541 = vector.shape_cast %parallel_loop3A_540 : vector<1x16xf32> to vector<16xf32>
      %parallel_loop3A_542 = vector.shape_cast %parallel_loop3A_533 : vector<16xf32> to vector<1x16xf32>
      tpu.vector_store %parallel_loop3A_537[%parallel_loop3A_538, %parallel_loop3A_539], %parallel_loop3A_542 {strides = array<i32>} : memref<200x64xf32, #tpu.memory_space<vmem>>, vector<1x16xf32>,
    } {sc.loop_unroll_factor = 8 : i64, sc.parallel_access}
    %add3A_377 = arith.constant 127 : i32
    %add3A_378 = arith.addi %mul3A_2, %add3A_377 : i32
    %dma_start3A_379 = arith.constant 1 : i32
    %dma_start3A_380 = arith.constant 1 : i32
    %dma_start3A_381 = arith.constant 0 : i32
    %dma_start3A_382 = arith.constant 0 : i32
    %dma_start3A_383 = tpu.memref_slice %arg6[%dma_start3A_379, %dma_start3A_381, %dma_start3A_382] : memref<3x200x64xf32, #tpu.memory_space<vmem>> -> memref<1x200x64xf32, #tpu.memory_space<vmem>>
    %dma_start3A_384 = tpu.memref_squeeze %dma_start3A_383 : memref<1x200x64xf32, #tpu.memory_space<vmem>> -> memref<200x64xf32, #tpu.memory_space<vmem>>
    %dma_start3A_385 = arith.constant 0 : i32
    %dma_start3A_386 = arith.constant 0 : i32
    %dma_start3A_387 = tpu.memref_slice %arg4[%add3A_378, %dma_start3A_385, %dma_start3A_386] : memref<4096x200x128xf32, #tpu.memory_space<hbm>> -> memref<1x200x64xf32, #tpu.memory_space<hbm>>
    %dma_start3A_388 = tpu.memref_squeeze %dma_start3A_387 : memref<1x200x64xf32, #tpu.memory_space<hbm>> -> memref<200x64xf32, #tpu.memory_space<hbm>>
    %dma_start3A_389 = tpu.memref_slice %arg8[%dma_start3A_380] : memref<3x!tpu.dma_semaphore, #tpu.memory_space<semaphore_mem>> -> memref<1x!tpu.dma_semaphore, #tpu.memory_space<semaphore_mem>>
    %dma_start3A_390 = tpu.memref_squeeze %dma_start3A_389 : memref<1x!tpu.dma_semaphore, #tpu.memory_space<semaphore_mem>> -> memref<!tpu.dma_semaphore, #tpu.memory_space<semaphore_mem>>
    %dma_start3A_391 = arith.constant 0 : i32
    %dma_start3A_392 = arith.constant 0 : i32
    %dma_start3A_393 = tpu.memref_slice %arg4[%add3A_378, %dma_start3A_391, %dma_start3A_392] : memref<4096x200x128xf32, #tpu.memory_space<hbm>> -> memref<1x200x64xf32, #tpu.memory_space<hbm>>
    %dma_start3A_394 = tpu.memref_squeeze %dma_start3A_393 : memref<1x200x64xf32, #tpu.memory_space<hbm>> -> memref<200x64xf32, #tpu.memory_space<hbm>>
    %dma_start3A_395 = arith.constant 0 : i32
    %dma_start3A_396 = arith.constant 0 : i32
    %dma_start3A_397 = tpu.memref_slice %arg6[%dma_start3A_379, %dma_start3A_395, %dma_start3A_396] : memref<3x200x64xf32, #tpu.memory_space<vmem>> -> memref<1x200x64xf32, #tpu.memory_space<vmem>>
    %dma_start3A_398 = tpu.memref_squeeze %dma_start3A_397 : memref<1x200x64xf32, #tpu.memory_space<vmem>> -> memref<200x64xf32, #tpu.memory_space<vmem>>
    tpu.enqueue_dma source(%dma_start3A_398 : memref<200x64xf32, #tpu.memory_space<vmem>>) target(%dma_start3A_394 : memref<200x64xf32, #tpu.memory_space<hbm>>) target_semaphore(%dma_start3A_390 : memref<!tpu.dma_semaphore, #tpu.memory_space<semaphore_mem>>)
    %dma_wait3A_399 = arith.constant 0 : i32
    %dma_wait3A_400 = arith.constant 2 : i32
    %dma_wait3A_401 = arith.constant 2 : i32
    %dma_wait3A_402 = arith.constant 0 : i32
    %dma_wait3A_403 = arith.constant 0 : i32
    %dma_wait3A_404 = tpu.memref_slice %arg6[%dma_wait3A_400, %dma_wait3A_402, %dma_wait3A_403] : memref<3x200x64xf32, #tpu.memory_space<vmem>> -> memref<1x200x64xf32, #tpu.memory_space<vmem>>
    %dma_wait3A_405 = tpu.memref_squeeze %dma_wait3A_404 : memref<1x200x64xf32, #tpu.memory_space<vmem>> -> memref<200x64xf32, #tpu.memory_space<vmem>>
    %dma_wait3A_406 = arith.constant 0 : i32
    %dma_wait3A_407 = arith.constant 0 : i32
    %dma_wait3A_408 = tpu.memref_slice %arg4[%dma_wait3A_399, %dma_wait3A_406, %dma_wait3A_407] : memref<4096x200x128xf32, #tpu.memory_space<hbm>> -> memref<1x200x64xf32, #tpu.memory_space<hbm>>
    %dma_wait3A_409 = tpu.memref_squeeze %dma_wait3A_408 : memref<1x200x64xf32, #tpu.memory_space<hbm>> -> memref<200x64xf32, #tpu.memory_space<hbm>>
    %dma_wait3A_410 = tpu.memref_slice %arg8[%dma_wait3A_401] : memref<3x!tpu.dma_semaphore, #tpu.memory_space<semaphore_mem>> -> memref<1x!tpu.dma_semaphore, #tpu.memory_space<semaphore_mem>>
    %dma_wait3A_411 = tpu.memref_squeeze %dma_wait3A_410 : memref<1x!tpu.dma_semaphore, #tpu.memory_space<semaphore_mem>> -> memref<!tpu.dma_semaphore, #tpu.memory_space<semaphore_mem>>
    %dma_wait3A_412 = arith.constant 0 : i32
    %dma_wait3A_413 = arith.constant 0 : i32
    %dma_wait3A_414 = tpu.memref_slice %arg6[%dma_wait3A_400, %dma_wait3A_412, %dma_wait3A_413] : memref<3x200x64xf32, #tpu.memory_space<vmem>> -> memref<1x200x64xf32, #tpu.memory_space<vmem>>
    %dma_wait3A_415 = tpu.memref_squeeze %dma_wait3A_414 : memref<1x200x64xf32, #tpu.memory_space<vmem>> -> memref<200x64xf32, #tpu.memory_space<vmem>>
    %dma_wait3A_416 = arith.constant 0 : i32
    %dma_wait3A_417 = arith.constant 0 : i32
    %dma_wait3A_418 = tpu.memref_slice %arg4[%dma_wait3A_399, %dma_wait3A_416, %dma_wait3A_417] : memref<4096x200x128xf32, #tpu.memory_space<hbm>> -> memref<1x200x64xf32, #tpu.memory_space<hbm>>
    %dma_wait3A_419 = tpu.memref_squeeze %dma_wait3A_418 : memref<1x200x64xf32, #tpu.memory_space<hbm>> -> memref<200x64xf32, #tpu.memory_space<hbm>>
    tpu.wait_dma2 semaphore(%dma_wait3A_411 : memref<!tpu.dma_semaphore, #tpu.memory_space<semaphore_mem>>) src(%dma_wait3A_419 : memref<200x64xf32, #tpu.memory_space<hbm>>) dst(%dma_wait3A_415 : memref<200x64xf32, #tpu.memory_space<vmem>>)
    %dma_wait3A_420 = arith.constant 0 : i32
    %dma_wait3A_421 = arith.constant 0 : i32
    %dma_wait3A_422 = arith.constant 0 : i32
    %dma_wait3A_423 = arith.constant 0 : i32
    %dma_wait3A_424 = arith.constant 0 : i32
    %dma_wait3A_425 = tpu.memref_slice %arg6[%dma_wait3A_421, %dma_wait3A_423, %dma_wait3A_424] : memref<3x200x64xf32, #tpu.memory_space<vmem>> -> memref<1x200x64xf32, #tpu.memory_space<vmem>>
    %dma_wait3A_426 = tpu.memref_squeeze %dma_wait3A_425 : memref<1x200x64xf32, #tpu.memory_space<vmem>> -> memref<200x64xf32, #tpu.memory_space<vmem>>
    %dma_wait3A_427 = arith.constant 0 : i32
    %dma_wait3A_428 = arith.constant 0 : i32
    %dma_wait3A_429 = tpu.memref_slice %arg4[%dma_wait3A_420, %dma_wait3A_427, %dma_wait3A_428] : memref<4096x200x128xf32, #tpu.memory_space<hbm>> -> memref<1x200x64xf32, #tpu.memory_space<hbm>>
    %dma_wait3A_430 = tpu.memref_squeeze %dma_wait3A_429 : memref<1x200x64xf32, #tpu.memory_space<hbm>> -> memref<200x64xf32, #tpu.memory_space<hbm>>
    %dma_wait3A_431 = tpu.memref_slice %arg8[%dma_wait3A_422] : memref<3x!tpu.dma_semaphore, #tpu.memory_space<semaphore_mem>> -> memref<1x!tpu.dma_semaphore, #tpu.memory_space<semaphore_mem>>
    %dma_wait3A_432 = tpu.memref_squeeze %dma_wait3A_431 : memref<1x!tpu.dma_semaphore, #tpu.memory_space<semaphore_mem>> -> memref<!tpu.dma_semaphore, #tpu.memory_space<semaphore_mem>>
    %dma_wait3A_433 = arith.constant 0 : i32
    %dma_wait3A_434 = arith.constant 0 : i32
    %dma_wait3A_435 = tpu.memref_slice %arg6[%dma_wait3A_421, %dma_wait3A_433, %dma_wait3A_434] : memref<3x200x64xf32, #tpu.memory_space<vmem>> -> memref<1x200x64xf32, #tpu.memory_space<vmem>>
    %dma_wait3A_436 = tpu.memref_squeeze %dma_wait3A_435 : memref<1x200x64xf32, #tpu.memory_space<vmem>> -> memref<200x64xf32, #tpu.memory_space<vmem>>
    %dma_wait3A_437 = arith.constant 0 : i32
    %dma_wait3A_438 = arith.constant 0 : i32
    %dma_wait3A_439 = tpu.memref_slice %arg4[%dma_wait3A_420, %dma_wait3A_437, %dma_wait3A_438] : memref<4096x200x128xf32, #tpu.memory_space<hbm>> -> memref<1x200x64xf32, #tpu.memory_space<hbm>>
    %dma_wait3A_440 = tpu.memref_squeeze %dma_wait3A_439 : memref<1x200x64xf32, #tpu.memory_space<hbm>> -> memref<200x64xf32, #tpu.memory_space<hbm>>
    tpu.wait_dma2 semaphore(%dma_wait3A_432 : memref<!tpu.dma_semaphore, #tpu.memory_space<semaphore_mem>>) src(%dma_wait3A_440 : memref<200x64xf32, #tpu.memory_space<hbm>>) dst(%dma_wait3A_436 : memref<200x64xf32, #tpu.memory_space<vmem>>)
    %dma_wait3A_441 = arith.constant 0 : i32
    %dma_wait3A_442 = arith.constant 1 : i32
    %dma_wait3A_443 = arith.constant 1 : i32
    %dma_wait3A_444 = arith.constant 0 : i32
    %dma_wait3A_445 = arith.constant 0 : i32
    %dma_wait3A_446 = tpu.memref_slice %arg6[%dma_wait3A_442, %dma_wait3A_444, %dma_wait3A_445] : memref<3x200x64xf32, #tpu.memory_space<vmem>> -> memref<1x200x64xf32, #tpu.memory_space<vmem>>
    %dma_wait3A_447 = tpu.memref_squeeze %dma_wait3A_446 : memref<1x200x64xf32, #tpu.memory_space<vmem>> -> memref<200x64xf32, #tpu.memory_space<vmem>>
    %dma_wait3A_448 = arith.constant 0 : i32
    %dma_wait3A_449 = arith.constant 0 : i32
    %dma_wait3A_450 = tpu.memref_slice %arg4[%dma_wait3A_441, %dma_wait3A_448, %dma_wait3A_449] : memref<4096x200x128xf32, #tpu.memory_space<hbm>> -> memref<1x200x64xf32, #tpu.memory_space<hbm>>
    %dma_wait3A_451 = tpu.memref_squeeze %dma_wait3A_450 : memref<1x200x64xf32, #tpu.memory_space<hbm>> -> memref<200x64xf32, #tpu.memory_space<hbm>>
    %dma_wait3A_452 = tpu.memref_slice %arg8[%dma_wait3A_443] : memref<3x!tpu.dma_semaphore, #tpu.memory_space<semaphore_mem>> -> memref<1x!tpu.dma_semaphore, #tpu.memory_space<semaphore_mem>>
    %dma_wait3A_453 = tpu.memref_squeeze %dma_wait3A_452 : memref<1x!tpu.dma_semaphore, #tpu.memory_space<semaphore_mem>> -> memref<!tpu.dma_semaphore, #tpu.memory_space<semaphore_mem>>
    %dma_wait3A_454 = arith.constant 0 : i32
    %dma_wait3A_455 = arith.constant 0 : i32
    %dma_wait3A_456 = tpu.memref_slice %arg6[%dma_wait3A_442, %dma_wait3A_454, %dma_wait3A_455] : memref<3x200x64xf32, #tpu.memory_space<vmem>> -> memref<1x200x64xf32, #tpu.memory_space<vmem>>
    %dma_wait3A_457 = tpu.memref_squeeze %dma_wait3A_456 : memref<1x200x64xf32, #tpu.memory_space<vmem>> -> memref<200x64xf32, #tpu.memory_space<vmem>>
    %dma_wait3A_458 = arith.constant 0 : i32
    %dma_wait3A_459 = arith.constant 0 : i32
    %dma_wait3A_460 = tpu.memref_slice %arg4[%dma_wait3A_441, %dma_wait3A_458, %dma_wait3A_459] : memref<4096x200x128xf32, #tpu.memory_space<hbm>> -> memref<1x200x64xf32, #tpu.memory_space<hbm>>
    %dma_wait3A_461 = tpu.memref_squeeze %dma_wait3A_460 : memref<1x200x64xf32, #tpu.memory_space<hbm>> -> memref<200x64xf32, #tpu.memory_space<hbm>>
    tpu.wait_dma2 semaphore(%dma_wait3A_453 : memref<!tpu.dma_semaphore, #tpu.memory_space<semaphore_mem>>) src(%dma_wait3A_461 : memref<200x64xf32, #tpu.memory_space<hbm>>) dst(%dma_wait3A_457 : memref<200x64xf32, #tpu.memory_space<vmem>>)
    return
  }
}

</mosaic_0001>

<sc_bundles>
// kernel: kernel.3.cloned.1.call-start
scs
__scs_entry_jumppad:
0x0: {  	(pc) =	sbr.rel $0x88, $3  }
0x1: {  	(tag) =	ssettag $0x0;
	lr =	simm.s32 $0x1  }
0x2: {  	[smem:$0x3F9F] =	sst lr;
	_ =	strace $0xD0000000  }
0x3: {  	_ = 	snop  }
0x4: {  	_ = 	snop  }
0x5: {  	_ = 	snop  }
0x6: {  	_ = 	snop  }
0x7: {  	_ = 	snop  }
__scs_overlays_trampoline_lowered:
0x8: {  	[smem:$0x3FAE] =	sst s0  }
0x9: {  	[smem:$0x3FAF] =	sst s1  }
0xa: {  	[smem:$0x3FB0] =	sst s2  }
0xb: {  	[smem:$0x3FB1] =	sst s3  }
0xc: {  	[smem:$0x3FB2] =	sst s4  }
0xd: {  	[smem:$0x3FB3] =	sst s5  }
0xe: {  	[smem:$0x3FB4] =	sst s6  }
0xf: {  	[smem:$0x3FB5] =	sst s7  }
0x10: {  	[smem:$0x3FB6] =	sst s8  }
0x11: {  	[smem:$0x3FB7] =	sst s9;
	s0 =	simm.s32 @!p0 $0x0  }
0x12: {  	s1 =	sld [smem:$0x3F9D];
	s0 =	simm.s32 @p0 $0x1  }
0x13: {  	[smem:$0x3FB8] =	sst s0;
	s0 =	simm.s32 @!p1 $0x0  }
0x14: {  	s2 =	sld [smem:$0x3F9C];
	s0 =	simm.s32 @p1 $0x1  }
0x15: {  	[smem:$0x3FB9] =	sst s0;
	s0 =	simm.s32 @!p2 $0x0  }
0x16: {  	s3 =	sld [smem:$0x3FDB];
	s0 =	simm.s32 @p2 $0x1  }
0x17: {  	s4 =	simm.s32 $0x1BF5;
	[smem:$0x3FBB] =	sst s0  }
0x18: {  	s0 =	sld [smem:$0x3F9E];
	_ =	swait.ge [sflag:s4], $0x0  }
0x19: {  	s7 =	sld [smem:$0x3F9F]  }
0x1a: {  	s8 =	sadd.s32 $0xFFFFE003, lr  }
0x1b: {  	s9 =	sadd.s32 $0xFFFFFEF7, lr;
	s5 =	simm.s32 $0xFFFFFFFF;
	p2 =	slt.u32 s8, $0xFFFFF086  }
0x1c: {  	p1 =	slt.u32 s9, $0xF7A;
	s5 =	simm.s32 @!p2 $0x0  }
0x1d: {  	s5 =	simm.s32 @p1 $0x1;
	p0 =	seq.s32 s7, s2  }
0x1e: {  	s7 =	smul.u32 @!p0 $0xF7A, s2;
	p2 =	seq.s32 @!p0 s5, $0x0  }
0x1f: {  	s9 =	smul.u32 $0xF7A, s1;
	s8 =	simm.s32 @!p0 $0x1BF5;
	p2 =	por !p2, p0  }
0x20: {  	[sflag:s8] =	ssyncset.s32 @!p0 $0xFFFFF086;
	s6 =	sadd.s32 @!p0 s3, s7;
	s7 =	simm.s32 @!p0 $0x108  }
0x21: {  	s3 =	sadd.s32 s3, s9;
	s6 =	sadd.s32 @!p0 $0x88, s6;
	s7 =	simm.s32 @p2 $0x1082  }
0x22: {  	[simem:s7], [sflag:s8] =	dma.local @!p0 [hbm:s6], $0xF7A  }
0x23: {  	s9 =	sor.u32 $0xD0000000, s2;
	s6 =	simm.s32 $0x108;
	_ =	swait.ge @!p0 [sflag:s8], $0x0  }
0x24: {  	s3 =	sadd.s32 $0x88, s3;
	s6 =	simm.s32 @!p1 $0x1082;
	[sflag:s4] =	ssyncset.s32 $0xFFFFF086  }
0x25: {  	[simem:s6], [sflag:s4] =	dma.local [hbm:s3], $0xF7A  }
0x26: {  	[smem:$0x3F9F] =	sst s1;
	(tag) =	ssettag s2;
	_ =	strace s9  }
0x27: {  	s1 =	sld [smem:$0x3FAF]  }
0x28: {  	s2 =	sld [smem:$0x3FB0]  }
0x29: {  	s4 =	sld [smem:$0x3FB2]  }
0x2a: {  	p0 =	seq.s32 s5, $0x0;
	s5 =	sld [smem:$0x3FB3]  }
0x2b: {  	s6 =	sld [smem:$0x3FB4]  }
0x2c: {  	s7 =	sld [smem:$0x3FB5]  }
0x2d: {  	s3 =	simm.s32 $0x108;
	s8 =	sld [smem:$0x3FB6]  }
0x2e: {  	s3 =	simm.s32 @!p0 $0x1082;
	s9 =	sld [smem:$0x3FB7]  }
0x2f: {  	lr =	sadd.s32 s0, s3;
	s0 =	sld [smem:$0x3FAE]  }
0x30: {  	s3 =	sld [smem:$0x3FB1]  }
0x31: {  	[smem:$0x3FBA] =	sst s10  }
0x32: {  	s10 =	sld [smem:$0x3FB8];
	_ =	sdelay $0x3  }
0x33: {  	p0 =	seq.s32 s10, $0x1;
	s10 =	sld [smem:$0x3FBA];
	_ =	sdelay $0x3  }
0x34: {  	[smem:$0x3FBA] =	sst s10  }
0x35: {  	s10 =	sld [smem:$0x3FB9];
	_ =	sdelay $0x3  }
0x36: {  	p1 =	seq.s32 s10, $0x1;
	s10 =	sld [smem:$0x3FBA];
	_ =	sdelay $0x3  }
0x37: {  	[smem:$0x3FBA] =	sst s10  }
0x38: {  	s10 =	sld [smem:$0x3FBB]  }
0x39: {  	_ = 	snop;
	(pc) =	sbr.ind lr, $3  }
0x3a: {  	_ = 	snop  }
0x3b: {  	_ = 	snop  }
0x3c: {  	p2 =	seq.s32 s10, $0x1;
	s10 =	sld [smem:$0x3FBA]  }
0x3d: {  	_ =	shalt  }
0x3e: {  	_ =	shalt  }
0x3f: {  	_ =	shalt  }
0x40: {  	_ =	shalt  }
0x41: {  	_ =	shalt  }
0x42: {  	_ =	shalt  }
0x43: {  	_ =	shalt  }
0x44: {  	_ =	shalt  }
0x45: {  	_ =	shalt  }
0x46: {  	_ =	shalt  }
0x47: {  	_ =	shalt  }
0x48: {  	_ =	shalt  }
0x49: {  	_ =	shalt  }
0x4a: {  	_ =	shalt  }
0x4b: {  	_ =	shalt  }
0x4c: {  	_ =	shalt  }
0x4d: {  	_ =	shalt  }
0x4e: {  	_ =	shalt  }
0x4f: {  	_ =	shalt  }
0x50: {  	_ =	shalt  }
0x51: {  	_ =	shalt  }
0x52: {  	_ =	shalt  }
0x53: {  	_ =	shalt  }
0x54: {  	_ =	shalt  }
0x55: {  	_ =	shalt  }
0x56: {  	_ =	shalt  }
0x57: {  	_ =	shalt  }
0x58: {  	_ =	shalt  }
0x59: {  	_ =	shalt  }
0x5a: {  	_ =	shalt  }
0x5b: {  	_ =	shalt  }
0x5c: {  	_ =	shalt  }
0x5d: {  	_ =	shalt  }
0x5e: {  	_ =	shalt  }
0x5f: {  	_ =	shalt  }
0x60: {  	_ =	shalt  }
0x61: {  	_ =	shalt  }
0x62: {  	_ =	shalt  }
0x63: {  	_ =	shalt  }
0x64: {  	_ =	shalt  }
0x65: {  	_ =	shalt  }
0x66: {  	_ =	shalt  }
0x67: {  	_ =	shalt  }
0x68: {  	_ =	shalt  }
0x69: {  	_ =	shalt  }
0x6a: {  	_ =	shalt  }
0x6b: {  	_ =	shalt  }
0x6c: {  	_ =	shalt  }
0x6d: {  	_ =	shalt  }
0x6e: {  	_ =	shalt  }
0x6f: {  	_ =	shalt  }
0x70: {  	_ =	shalt  }
0x71: {  	_ =	shalt  }
0x72: {  	_ =	shalt  }
0x73: {  	_ =	shalt  }
0x74: {  	_ =	shalt  }
0x75: {  	_ =	shalt  }
0x76: {  	_ =	shalt  }
0x77: {  	_ =	shalt  }
0x78: {  	_ =	shalt  }
0x79: {  	_ =	shalt  }
0x7a: {  	_ =	shalt  }
0x7b: {  	_ =	shalt  }
0x7c: {  	_ =	shalt  }
0x7d: {  	_ =	shalt  }
0x7e: {  	_ =	shalt  }
0x7f: {  	_ =	shalt  }
0x80: {  	_ =	shalt  }
0x81: {  	_ =	shalt  }
0x82: {  	_ =	shalt  }
0x83: {  	_ =	shalt  }
0x84: {  	_ =	shalt  }
0x85: {  	_ =	shalt  }
0x86: {  	_ =	shalt  }
0x87: {  	_ =	shalt  }
.Lfunc_end0:
.L_simem_size_0:
called_computation.1_lowered:
.L_overlay_start_0:
0x88: {  	s2 =	sld [smem:$0x3FD9]  }
0x89: {  	s3 =	sld [smem:$0x3FFE];
	_ =	sdelay $0x1  }
0x8a: {  	s1 =	srdreg.scid  }
0x8b: {  	s0 =	sand.u32 $0x1, s1  }
0x8c: {  	s17 =	sshll.u32 s0, $0xA;
	s2 =	sadd.s32 s3, s2  }
0x8d: {  	s2 =	sadd.s32 s2, s17  }
0x8e: {  	[smem:$0x3FC6] =	sst s2  }
0x8f: {  	_ = 	snop  }
0x90: {  	s2 =	sld [smem:$0x3FD0];
	(tm) =	ssettm $0x1  }
0x91: {  	s18 =	sld [smem:$0x3FFB];
	_ =	sdelay $0x3  }
0x92: {  	_ =	strace s18  }
0x93: {  	s3 =	sld [smem:$0x3FFC];
	_ =	sdelay $0x3  }
0x94: {  	_ =	strace s3  }
0x95: {  	s3 =	sld [smem:$0x3FFD];
	_ =	sdelay $0x3  }
0x96: {  	_ =	strace s3  }
0x97: {  	_ =	strace $0x8FFFFFFF  }
0x98: {  	s19 =	sld [smem:$0x3FDB];
	_ =	sdelay $0x1  }
0x99: {  	s4 =	simm.s32 $_scs_section_size  }
0x9a: {  	s5 =	simm.s32 $_size__tile_overlayer_lowered;
	s6 =	simm.s32 $_tile_overlayer_lowered  }
0x9b: {  	s22 =	simm.s32 $0x1BFF;
	s21 =	sshll.u32 s6, $0x1;
	s3 =	sadd.s32 s4, s19  }
0x9c: {  	s7 =	simm.s32 $0x0;
	s20 =	sshll.u32 s5, $0x1;
	s5 =	sadd.s32 s21, s3  }
0x9d: {  	[timem:s7], [sflag:s22] =	dma.local [hbm:s5], s20  }
0x9e: {  	_ =	swait.ge [sflag:s22], s20  }
0x9f: {  	s4 =	ssub.s32 $0x0, s20;
	[sflag:s22] =	ssyncset.done $0x0  }
0xa0: {  	[sflag:s22] =	ssyncadd.s32 s4;
	_ =	sdelay $0x1  }
0xa1: {  	s23 =	simm.s32 $0x1B8B  }
0xa2: {  	_ =	swait.ge [sflag:s23], $0x1  }
0xa3: {  	[sflag:s23] =	ssyncset.done $0x0  }
0xa4: {  	s25 =	simm.s32 $0x1B8E;
	s24 =	sld [smem:$0x3FFE];
	[sflag:s23] =	ssyncadd.s32 $0xFFFFFFFF  }
0xa5: {  	s26 =	simm.s32 $execute0_lowered;
	[smem:$0x3FD2] =	sst s25  }
0xa6: {  	s5 =	sshll.u32 s26, $0x1;
	_ =	strace $0x80000046;
	[dreg:$0x1] =	wrdreg $0xFFFFFFFF  }
0xa7: {  	s28 =	simm.s32 $_size_execute0_lowered;
	s3 =	sadd.s32 s3, s5;
	[dreg:$0x0] =	wrdreg $0x0  }
0xa8: {  	s5 =	sshll.u32 s28, $0x1;
	[dreg:$0x2] =	wrdreg s3  }
0xa9: {  	[dreg:$0x3] =	wrdreg s5  }
0xaa: {  	[dreg:$0x4] =	wrdreg $0xC0  }
0xab: {  	_ =	task [dreg:s7], $0x5FFFF  }
0xac: {  	[dreg:$0x1] =	wrdreg $0xFFFFFFFF  }
0xad: {  	[dreg:$0x0] =	wrdreg $0x60  }
0xae: {  	[dreg:$0x2] =	wrdreg s2  }
0xaf: {  	[dreg:$0x3] =	wrdreg s24  }
0xb0: {  	[dreg:$0x4] =	wrdreg $0x9  }
0xb1: {  	_ =	task.clear_ibuf [dreg:s7], $0x5FFFF;
	_ =	strace $0x90000046  }
0xb2: {  	s29 =	simm.s32 $0x9;
	_ =	strace $0x80000048  }
0xb3: {  	_ =	swait.ge [sflag:s29], $0x1  }
0xb4: {  	[sflag:s29] =	ssyncadd.s32 $0xFFFFFFFF  }
0xb5: {  	_ =	strace $0x90000048  }
0xb6: {  	_ =	sfence  }
0xb7: {  	s30 =	sld [smem:$0x0];
	_ =	sdelay $0x2  }
0xb8: {  	s31 =	sshll.u32 s1, $0xD;
	s1 =	sshrl.u32 s1, $0x2  }
0xb9: {  	s3 =	sand.u32 $0x4000, s31;
	s1 =	sadd.s32 s1, s30  }
0xba: {  	s0 =	sor.u32 s3, s0;
	s1 =	sshll.u32 s1, $0x11  }
0xbb: {  	s0 =	sor.u32 s1, s0  }
0xbc: {  	s0 =	sadd.s32 $0x8F2B, s0  }
0xbd: {  	[sflag:s0] =	ssyncadd.remote.s32 $0x1  }
0xbe: {  	_ =	sfence.sel $0xFFFF  }
0xbf: {  	[dreg:$0x0] =	wrdreg $0xFFFFFFFF;
	(pc) =	sbr.abs _section_cstart, $3  }
0xc0: {  	[dreg:$0x1] =	wrdreg $0xFFFFFFFF  }
0xc1: {  	_ =	task.clear_ibuf [dreg:s7], $0x2FFFF;
	_ =	strace $0x9FFFFFFF  }
0xc2: {  	(tm) =	ssettm $0x7FFFFFFF  }
0xc3: {  	_ =	shalt  }
tec
execute0_lowered:
.L_overlay_start_1:
0x0: {  	(tag) =	ssettag $0x1  }
0x1: {  	s0 =	rddreg [dreg:$0x0]  }
0x2: {  	s1 =	rddreg [dreg:$0x1]  }
0x3: {  	s2 =	srdreg.scid;
	s3 =	stileid.u32  }
0x4: {  	s4 =	simm.s32 $0x0;
	s14 =	simm.s32 $0x7;
	s15 =	simm.s32 $0x80  }
0x5: {  	s16 =	simm.s32 $0x6400;
	s17 =	simm.s32 $0x48;
	s18 =	simm.s32 $0x8400  }
0x6: {  	s20 =	simm.s32 $0x9600;
	s29 =	simm.s32 $0xE800;
	s30 =	simm.s32 $0x2  }
0x7: {  	s31 =	simm.s32 $0x4;
	s19 =	simm.s32 $0x3;
	s21 =	simm.s32 $0x5  }
0x8: {  	s2 =	sand.u32 $0x1, s2;
	s3 =	sshll.u32 s3, $0x1;
	[smem:$0x7FF] =	sst s4  }
0x9: {  	s4 =	sadd.s32 $0xA00, s1;
	s5 =	sor.u32 s2, s3;
	_ =	strace $0x80000047  }
0xa: {  	s2 =	ssub.s32 $0x2, s2;
	s3 =	sadd.s32 $0xF42E00, s1;
	s6 =	smul.u32 $0x64000, s5  }
0xb: {  	s1 =	simm.s32 $0x0;
	s7 =	sshrl.u32 s2, $0x1;
	s8 =	smul.u32 $0x320000, s5  }
0xc: {  	s23 =	smul.u32 $0xC80, s5;
	s5 =	sshll.u32 s5, $0x7;
	s22 =	ssub.s32 s2, s7  }
0xd: {  	s10 =	sor.u32 $0x1, s5;
	s6 =	sadd.s32 s4, s6;
	s24 =	sshrl.u32 s8, $0x3  }
0xe: {  	s0 =	sadd.s32 s0, s23;
	s13 =	smax.u32 s22, $0x1;
	s22 =	simm.s32 $0xB600  }
0xf: {  	s23 =	simm.s32 $0x1;
	[dreg:$0x3] =	wrdreg s0;
	s25 =	sadd.s32 $0xC80, s6  }
0x10: {  	s26 =	sadd.s32 s4, s24;
	s28 =	sadd.s32 $0x1900, s6;
	[dreg:$0x4] =	wrdreg s25  }
0x11: {  	s24 =	simm.s32 $0x40;
	s0 =	simm.s32 $0x6;
	[dreg:$0x5] =	wrdreg s28  }
0x12: {  	s11 =	sadd.s32 $0x62700, s26;
	s12 =	sadd.s32 $0x63380, s26;
	s26 =	simm.s32 $0xC800  }
.LBB2_1:
0x13: {  	s2 =	simm.s32 $0x0;
	s7 =	rddreg [dreg:$0x3]  }
0x14: {  	[tilespmem:s2], [sflag:$0x7] =	stream.linear.gather [hbm4b:s7+s2], $0x6400, $0x38;
	[tilespmem:$0xFA00] =	vst v63  }
0x15: {  	_ =	swait.ge [sflag:s14], $0x6400  }
0x16: {  	[sflag:s14] =	ssyncset.done $0x0  }
0x17: {  	[sflag:s14] =	ssyncadd.s32 $0xFFFF9C00  }
0x18: {  	[tilespmem:s16], [sflag:$0x1] =	stream.indirect.gather [hbm4b:s3+s15], $0x40, s2, s15, $0xb8;
	[tilespmem:$0xFA00] =	vst v63  }
0x19: {  	_ = 	snop  }
0x1a: {  	[tilespmem:s18], [sflag:$0x1] =	stream.indirect.gather [hbm4b:s3+s17], $0x40, s15, s17, $0xb8;
	[tilespmem:$0xFA00] =	vst v63  }
0x1b: {  	s25 =	simm.s32 $0xC8  }
0x1c: {  	[tilespmem:s20], [sflag:$0x2] =	stream.indirect.gather [hbm4b:s3+s15], $0x40, s25, s15, $0xb8;
	[tilespmem:$0xFA00] =	vst v63  }
0x1d: {  	s28 =	simm.s32 $0x148  }
0x1e: {  	[tilespmem:s22], [sflag:$0x2] =	stream.indirect.gather [hbm4b:s3+s17], $0x40, s28, s17, $0xb8;
	[tilespmem:$0xFA00] =	vst v63  }
0x1f: {  	_ =	swait.ge [sflag:s23], $0x3200  }
0x20: {  	[sflag:s23] =	ssyncset.done $0x0  }
0x21: {  	s2 =	simm.s32 $0x6500;
	[sflag:s23] =	ssyncadd.s32 $0xFFFFCE00  }
0x22: {  	v0 =	vld [tilespmem:s2+$0xF0]  }
0x23: {  	v1 =	vld [tilespmem:s2+$0xFFFFFF10]  }
0x24: {  	v2 =	vld [tilespmem:s2+$0xFFFFFF20]  }
0x25: {  	v3 =	vld [tilespmem:s2+$0xFFFFFF30]  }
0x26: {  	v4 =	vld [tilespmem:s2+$0xFFFFFF40]  }
0x27: {  	v5 =	vld [tilespmem:s2+$0xFFFFFF50];
	v0 =	vmul.f32 $8.000000000e+00, v0  }
0x28: {  	v6 =	vld [tilespmem:s2+$0xFFFFFF60];
	v1 =	vmul.f32 $8.000000000e+00, v1  }
0x29: {  	v7 =	vld [tilespmem:s2+$0xFFFFFF70];
	v2 =	vmul.f32 $8.000000000e+00, v2;
	[tilespmem:s2+$0xF0] =	vst v0  }
0x2a: {  	[tilespmem:s2+$0xFFFFFF10] =	vst v1;
	v0 =	vmul.f32 $8.000000000e+00, v3;
	v1 =	vld [tilespmem:s2+$0xFFFFFF80]  }
0x2b: {  	[tilespmem:s2+$0xFFFFFF20] =	vst v2;
	v2 =	vmul.f32 $8.000000000e+00, v4;
	v3 =	vld [tilespmem:s2+$0xFFFFFF90]  }
0x2c: {  	v4 =	vld [tilespmem:s2+$0xFFFFFFA0];
	[tilespmem:s2+$0xFFFFFF30] =	vst v0;
	v0 =	vmul.f32 $8.000000000e+00, v5  }
0x2d: {  	[tilespmem:s2+$0xFFFFFF40] =	vst v2;
	v2 =	vmul.f32 $8.000000000e+00, v6;
	v5 =	vld [tilespmem:s2+$0xFFFFFFB0]  }
0x2e: {  	v6 =	vld [tilespmem:s2+$0xFFFFFFC0];
	[tilespmem:s2+$0xFFFFFF50] =	vst v0;
	v0 =	vmul.f32 $8.000000000e+00, v7  }
0x2f: {  	[tilespmem:s2+$0xFFFFFF60] =	vst v2;
	v2 =	vld [tilespmem:s2+$0xFFFFFFD0];
	v1 =	vmul.f32 $8.000000000e+00, v1  }
0x30: {  	[tilespmem:s2+$0xFFFFFF70] =	vst v0;
	v0 =	vmul.f32 $8.000000000e+00, v3;
	v3 =	vld [tilespmem:s2+$0xFFFFFFE0]  }
0x31: {  	[tilespmem:s2+$0xFFFFFF80] =	vst v1;
	v1 =	vmul.f32 $8.000000000e+00, v4;
	v4 =	vld [tilespmem:s2+$0xFFFFFFF0]  }
0x32: {  	[tilespmem:s2+$0xFFFFFF90] =	vst v0;
	v0 =	vmul.f32 $8.000000000e+00, v5;
	v5 =	vld [tilespmem:s2+$0x0]  }
0x33: {  	[tilespmem:s2+$0xFFFFFFA0] =	vst v1;
	v1 =	vmul.f32 $8.000000000e+00, v6;
	v6 =	vld [tilespmem:s2+$0x10]  }
0x34: {  	[tilespmem:s2+$0xFFFFFFB0] =	vst v0;
	v0 =	vmul.f32 $8.000000000e+00, v2;
	v2 =	vld [tilespmem:s2+$0x20]  }
0x35: {  	[tilespmem:s2+$0xFFFFFFC0] =	vst v1;
	v1 =	vmul.f32 $8.000000000e+00, v3;
	v3 =	vld [tilespmem:s2+$0x30]  }
0x36: {  	[tilespmem:s2+$0xFFFFFFD0] =	vst v0;
	v0 =	vmul.f32 $8.000000000e+00, v4;
	v4 =	vld [tilespmem:s2+$0x40]  }
0x37: {  	[tilespmem:s2+$0xFFFFFFE0] =	vst v1;
	v1 =	vmul.f32 $8.000000000e+00, v5;
	v5 =	vld [tilespmem:s2+$0x50]  }
0x38: {  	[tilespmem:s2+$0xFFFFFFF0] =	vst v0;
	v0 =	vmul.f32 $8.000000000e+00, v6;
	v6 =	vld [tilespmem:s2+$0x60]  }
0x39: {  	[tilespmem:s2+$0x0] =	vst v1;
	v1 =	vmul.f32 $8.000000000e+00, v2;
	v2 =	vld [tilespmem:s2+$0x70]  }
0x3a: {  	[tilespmem:s2+$0x10] =	vst v0;
	v0 =	vmul.f32 $8.000000000e+00, v3;
	v3 =	vld [tilespmem:s2+$0x80]  }
0x3b: {  	[tilespmem:s2+$0x20] =	vst v1;
	v1 =	vmul.f32 $8.000000000e+00, v4;
	v4 =	vld [tilespmem:s2+$0x90]  }
0x3c: {  	v7 =	vld [tilespmem:s2+$0xA0];
	[tilespmem:s2+$0x30] =	vst v0;
	v5 =	vmul.f32 $8.000000000e+00, v5  }
0x3d: {  	v0 =	vld [tilespmem:s2+$0xB0];
	[tilespmem:s2+$0x40] =	vst v1;
	v6 =	vmul.f32 $8.000000000e+00, v6  }
0x3e: {  	v1 =	vld [tilespmem:s2+$0xC0];
	[tilespmem:s2+$0x50] =	vst v5;
	v5 =	vmul.f32 $8.000000000e+00, v2  }
0x3f: {  	v2 =	vld [tilespmem:s2+$0xD0];
	[tilespmem:s2+$0x60] =	vst v6;
	v6 =	vmul.f32 $8.000000000e+00, v3  }
0x40: {  	v3 =	vld [tilespmem:s2+$0xE0];
	[tilespmem:s2+$0x70] =	vst v5;
	v5 =	vmul.f32 $8.000000000e+00, v4  }
0x41: {  	s8 =	simm.s32 $0x6700;
	s7 =	simm.s32 $0x0;
	v4 =	vld [tilespmem:s2+$0xFFFFFF00];
	[tilespmem:s2+$0x80] =	vst v6;
	v6 =	vmul.f32 $8.000000000e+00, v7  }
.LBB2_2:
0x42: {  	v7 =	vld [tilespmem:s8+$0xF0];
	s7 =	sadd.s32 $0x8, s7;
	[tilespmem:s2+$0x90] =	vst v5;
	v0 =	vmul.f32 $8.000000000e+00, v0  }
0x43: {  	v5 =	vld [tilespmem:s8+$0xFFFFFF10];
	p0 =	slt.u32 s7, $0xC0;
	[tilespmem:s2+$0xA0] =	vst v6;
	v1 =	vmul.f32 $8.000000000e+00, v1  }
0x44: {  	v6 =	vld [tilespmem:s8+$0xFFFFFF20];
	[tilespmem:s2+$0xB0] =	vst v0;
	v0 =	vmul.f32 $8.000000000e+00, v2  }
0x45: {  	v2 =	vld [tilespmem:s8+$0xFFFFFF30];
	[tilespmem:s2+$0xC0] =	vst v1;
	v1 =	vmul.f32 $8.000000000e+00, v3  }
0x46: {  	v3 =	vld [tilespmem:s8+$0xFFFFFF40];
	v4 =	vmul.f32 $8.000000000e+00, v4;
	[tilespmem:s2+$0xD0] =	vst v0  }
0x47: {  	v0 =	vld [tilespmem:s8+$0xFFFFFF50];
	v7 =	vmul.f32 $8.000000000e+00, v7;
	[tilespmem:s2+$0xE0] =	vst v1  }
0x48: {  	v1 =	vmul.f32 $8.000000000e+00, v5;
	v5 =	vld [tilespmem:s8+$0xFFFFFF60];
	[tilespmem:s2+$0xFFFFFF00] =	vst v4;
	s2 =	smov.u32 s8  }
0x49: {  	v4 =	vmul.f32 $8.000000000e+00, v6;
	v6 =	vld [tilespmem:s8+$0xFFFFFF70];
	[tilespmem:s8+$0xF0] =	vst v7  }
0x4a: {  	[tilespmem:s8+$0xFFFFFF10] =	vst v1;
	v1 =	vmul.f32 $8.000000000e+00, v2;
	v2 =	vld [tilespmem:s8+$0xFFFFFF80]  }
0x4b: {  	[tilespmem:s8+$0xFFFFFF20] =	vst v4;
	v3 =	vmul.f32 $8.000000000e+00, v3;
	v4 =	vld [tilespmem:s8+$0xFFFFFF90]  }
0x4c: {  	[tilespmem:s8+$0xFFFFFF30] =	vst v1;
	v0 =	vmul.f32 $8.000000000e+00, v0;
	v1 =	vld [tilespmem:s8+$0xFFFFFFA0]  }
0x4d: {  	[tilespmem:s8+$0xFFFFFF40] =	vst v3;
	v3 =	vmul.f32 $8.000000000e+00, v5;
	v5 =	vld [tilespmem:s8+$0xFFFFFFB0]  }
0x4e: {  	[tilespmem:s8+$0xFFFFFF50] =	vst v0;
	v0 =	vmul.f32 $8.000000000e+00, v6;
	v6 =	vld [tilespmem:s8+$0xFFFFFFC0]  }
0x4f: {  	[tilespmem:s8+$0xFFFFFF60] =	vst v3;
	v2 =	vmul.f32 $8.000000000e+00, v2;
	v3 =	vld [tilespmem:s8+$0xFFFFFFD0]  }
0x50: {  	[tilespmem:s8+$0xFFFFFF70] =	vst v0;
	v0 =	vmul.f32 $8.000000000e+00, v4;
	v4 =	vld [tilespmem:s8+$0xFFFFFFE0]  }
0x51: {  	[tilespmem:s8+$0xFFFFFF80] =	vst v2;
	v1 =	vmul.f32 $8.000000000e+00, v1;
	v2 =	vld [tilespmem:s8+$0xFFFFFFF0]  }
0x52: {  	[tilespmem:s8+$0xFFFFFF90] =	vst v0;
	v0 =	vmul.f32 $8.000000000e+00, v5;
	v5 =	vld [tilespmem:s8+$0x0]  }
0x53: {  	[tilespmem:s8+$0xFFFFFFA0] =	vst v1;
	v1 =	vmul.f32 $8.000000000e+00, v6;
	v6 =	vld [tilespmem:s8+$0x10]  }
0x54: {  	[tilespmem:s8+$0xFFFFFFB0] =	vst v0;
	v0 =	vmul.f32 $8.000000000e+00, v3;
	v3 =	vld [tilespmem:s8+$0x20]  }
0x55: {  	[tilespmem:s8+$0xFFFFFFC0] =	vst v1;
	v1 =	vmul.f32 $8.000000000e+00, v4;
	v4 =	vld [tilespmem:s8+$0x30]  }
0x56: {  	[tilespmem:s8+$0xFFFFFFD0] =	vst v0;
	v0 =	vmul.f32 $8.000000000e+00, v2;
	v2 =	vld [tilespmem:s8+$0x40]  }
0x57: {  	[tilespmem:s8+$0xFFFFFFE0] =	vst v1;
	v1 =	vmul.f32 $8.000000000e+00, v5;
	v5 =	vld [tilespmem:s8+$0x50]  }
0x58: {  	[tilespmem:s8+$0xFFFFFFF0] =	vst v0;
	v0 =	vmul.f32 $8.000000000e+00, v6;
	v6 =	vld [tilespmem:s8+$0x60]  }
0x59: {  	[tilespmem:s8+$0x0] =	vst v1;
	v1 =	vmul.f32 $8.000000000e+00, v3;
	v3 =	vld [tilespmem:s8+$0x70]  }
0x5a: {  	[tilespmem:s8+$0x10] =	vst v0;
	v0 =	vmul.f32 $8.000000000e+00, v4;
	v4 =	vld [tilespmem:s8+$0x80]  }
0x5b: {  	[tilespmem:s8+$0x20] =	vst v1;
	v1 =	vmul.f32 $8.000000000e+00, v2;
	v7 =	vld [tilespmem:s8+$0x90]  }
0x5c: {  	[tilespmem:s8+$0x30] =	vst v0;
	v2 =	vmul.f32 $8.000000000e+00, v5;
	v8 =	vld [tilespmem:s8+$0xA0]  }
.Ltmp0:
0x5d: {  	[tilespmem:s8+$0x40] =	vst v1;
	v5 =	vmul.f32 $8.000000000e+00, v6;
	v0 =	vld [tilespmem:s8+$0xB0];
	(pc) =	sbr.rel @p0 .LBB2_2-.Ltmp0, $4  }
0x5e: {  	[tilespmem:s8+$0x50] =	vst v2;
	v3 =	vmul.f32 $8.000000000e+00, v3;
	v1 =	vld [tilespmem:s8+$0xC0]  }
0x5f: {  	[tilespmem:s8+$0x60] =	vst v5;
	v6 =	vmul.f32 $8.000000000e+00, v4;
	v2 =	vld [tilespmem:s8+$0xD0]  }
0x60: {  	[tilespmem:s8+$0x70] =	vst v3;
	v5 =	vmul.f32 $8.000000000e+00, v7;
	v3 =	vld [tilespmem:s8+$0xE0]  }
0x61: {  	s8 =	sadd.s32 $0x200, s8;
	v4 =	vld [tilespmem:s2+$0xFFFFFF00];
	[tilespmem:s2+$0x80] =	vst v6;
	v6 =	vmul.f32 $8.000000000e+00, v8  }
0x62: {  	[tilespmem:s2+$0x90] =	vst v5;
	v0 =	vmul.f32 $8.000000000e+00, v0  }
0x63: {  	[tilespmem:s2+$0xA0] =	vst v6;
	v1 =	vmul.f32 $8.000000000e+00, v1  }
0x64: {  	[tilespmem:s2+$0xB0] =	vst v0;
	v0 =	vmul.f32 $8.000000000e+00, v2  }
0x65: {  	[tilespmem:s2+$0xC0] =	vst v1;
	v1 =	vmul.f32 $8.000000000e+00, v3  }
0x66: {  	v2 =	vmul.f32 $8.000000000e+00, v4;
	[tilespmem:s2+$0xD0] =	vst v0  }
0x67: {  	[tilespmem:s2+$0xE0] =	vst v1  }
0x68: {  	[tilespmem:s2+$0xFFFFFF00] =	vst v2  }
0x69: {  	[hbm4b:s6+s24] =	stream.strided.scatter [tilespmem:s16], [sflag:$0x4], $0x3200, s15, s24, $0x38;
	[tilespmem:$0xFA00] =	vst v63  }
0x6a: {  	s25 =	simm.s32 $0x190  }
0x6b: {  	[tilespmem:s26], [sflag:$0x3] =	stream.indirect.gather [hbm4b:s3+s15], $0x40, s25, s15, $0xb8;
	[tilespmem:$0xFA00] =	vst v63  }
0x6c: {  	s28 =	simm.s32 $0x210  }
0x6d: {  	[tilespmem:s29], [sflag:$0x3] =	stream.indirect.gather [hbm4b:s3+s17], $0x40, s28, s17, $0xb8;
	[tilespmem:$0xFA00] =	vst v63  }
0x6e: {  	_ =	swait.ge [sflag:s30], $0x3200  }
0x6f: {  	[sflag:s30] =	ssyncset.done $0x0  }
0x70: {  	s2 =	simm.s32 $0x97F0;
	[sflag:s30] =	ssyncadd.s32 $0xFFFFCE00  }
0x71: {  	v0 =	vld [tilespmem:s2+$0x0]  }
0x72: {  	v1 =	vld [tilespmem:s2+$0xFFFFFE20]  }
0x73: {  	v2 =	vld [tilespmem:s2+$0xFFFFFE30]  }
0x74: {  	v3 =	vld [tilespmem:s2+$0xFFFFFE40]  }
0x75: {  	v4 =	vld [tilespmem:s2+$0xFFFFFE50]  }
0x76: {  	v5 =	vld [tilespmem:s2+$0xFFFFFE60];
	v0 =	vmul.f32 $8.000000000e+00, v0  }
0x77: {  	v6 =	vld [tilespmem:s2+$0xFFFFFE70];
	v1 =	vmul.f32 $8.000000000e+00, v1  }
0x78: {  	v7 =	vld [tilespmem:s2+$0xFFFFFE80];
	v2 =	vmul.f32 $8.000000000e+00, v2;
	[tilespmem:s2+$0x0] =	vst v0  }
0x79: {  	[tilespmem:s2+$0xFFFFFE20] =	vst v1;
	v0 =	vmul.f32 $8.000000000e+00, v3;
	v1 =	vld [tilespmem:s2+$0xFFFFFE90]  }
0x7a: {  	[tilespmem:s2+$0xFFFFFE30] =	vst v2;
	v2 =	vmul.f32 $8.000000000e+00, v4;
	v3 =	vld [tilespmem:s2+$0xFFFFFEA0]  }
0x7b: {  	v4 =	vld [tilespmem:s2+$0xFFFFFEB0];
	[tilespmem:s2+$0xFFFFFE40] =	vst v0;
	v0 =	vmul.f32 $8.000000000e+00, v5  }
0x7c: {  	[tilespmem:s2+$0xFFFFFE50] =	vst v2;
	v2 =	vmul.f32 $8.000000000e+00, v6;
	v5 =	vld [tilespmem:s2+$0xFFFFFEC0]  }
0x7d: {  	v6 =	vld [tilespmem:s2+$0xFFFFFED0];
	[tilespmem:s2+$0xFFFFFE60] =	vst v0;
	v0 =	vmul.f32 $8.000000000e+00, v7  }
0x7e: {  	[tilespmem:s2+$0xFFFFFE70] =	vst v2;
	v2 =	vld [tilespmem:s2+$0xFFFFFEE0];
	v1 =	vmul.f32 $8.000000000e+00, v1  }
0x7f: {  	[tilespmem:s2+$0xFFFFFE80] =	vst v0;
	v0 =	vmul.f32 $8.000000000e+00, v3;
	v3 =	vld [tilespmem:s2+$0xFFFFFEF0]  }
0x80: {  	[tilespmem:s2+$0xFFFFFE90] =	vst v1;
	v1 =	vmul.f32 $8.000000000e+00, v4;
	v4 =	vld [tilespmem:s2+$0xFFFFFF00]  }
0x81: {  	[tilespmem:s2+$0xFFFFFEA0] =	vst v0;
	v0 =	vmul.f32 $8.000000000e+00, v5;
	v5 =	vld [tilespmem:s2+$0xFFFFFF10]  }
0x82: {  	[tilespmem:s2+$0xFFFFFEB0] =	vst v1;
	v1 =	vmul.f32 $8.000000000e+00, v6;
	v6 =	vld [tilespmem:s2+$0xFFFFFF20]  }
0x83: {  	[tilespmem:s2+$0xFFFFFEC0] =	vst v0;
	v0 =	vmul.f32 $8.000000000e+00, v2;
	v2 =	vld [tilespmem:s2+$0xFFFFFF30]  }
0x84: {  	[tilespmem:s2+$0xFFFFFED0] =	vst v1;
	v1 =	vmul.f32 $8.000000000e+00, v3;
	v3 =	vld [tilespmem:s2+$0xFFFFFF40]  }
0x85: {  	[tilespmem:s2+$0xFFFFFEE0] =	vst v0;
	v0 =	vmul.f32 $8.000000000e+00, v4;
	v4 =	vld [tilespmem:s2+$0xFFFFFF50]  }
0x86: {  	[tilespmem:s2+$0xFFFFFEF0] =	vst v1;
	v1 =	vmul.f32 $8.000000000e+00, v5;
	v5 =	vld [tilespmem:s2+$0xFFFFFF60]  }
0x87: {  	[tilespmem:s2+$0xFFFFFF00] =	vst v0;
	v0 =	vmul.f32 $8.000000000e+00, v6;
	v6 =	vld [tilespmem:s2+$0xFFFFFF70]  }
0x88: {  	[tilespmem:s2+$0xFFFFFF10] =	vst v1;
	v1 =	vmul.f32 $8.000000000e+00, v2;
	v2 =	vld [tilespmem:s2+$0xFFFFFF80]  }
0x89: {  	[tilespmem:s2+$0xFFFFFF20] =	vst v0;
	v0 =	vmul.f32 $8.000000000e+00, v3;
	v3 =	vld [tilespmem:s2+$0xFFFFFF90]  }
0x8a: {  	[tilespmem:s2+$0xFFFFFF30] =	vst v1;
	v1 =	vmul.f32 $8.000000000e+00, v4;
	v4 =	vld [tilespmem:s2+$0xFFFFFFA0]  }
0x8b: {  	v7 =	vld [tilespmem:s2+$0xFFFFFFB0];
	[tilespmem:s2+$0xFFFFFF40] =	vst v0;
	v5 =	vmul.f32 $8.000000000e+00, v5  }
0x8c: {  	v0 =	vld [tilespmem:s2+$0xFFFFFFC0];
	[tilespmem:s2+$0xFFFFFF50] =	vst v1;
	v6 =	vmul.f32 $8.000000000e+00, v6  }
0x8d: {  	v1 =	vld [tilespmem:s2+$0xFFFFFFD0];
	[tilespmem:s2+$0xFFFFFF60] =	vst v5;
	v5 =	vmul.f32 $8.000000000e+00, v2  }
0x8e: {  	v2 =	vld [tilespmem:s2+$0xFFFFFFE0];
	[tilespmem:s2+$0xFFFFFF70] =	vst v6;
	v6 =	vmul.f32 $8.000000000e+00, v3  }
0x8f: {  	v3 =	vld [tilespmem:s2+$0xFFFFFFF0];
	[tilespmem:s2+$0xFFFFFF80] =	vst v5;
	v5 =	vmul.f32 $8.000000000e+00, v4  }
0x90: {  	s7 =	simm.s32 $0x0;
	s8 =	simm.s32 $0x99F0;
	v4 =	vld [tilespmem:s2+$0xFFFFFE10];
	[tilespmem:s2+$0xFFFFFF90] =	vst v6;
	v6 =	vmul.f32 $8.000000000e+00, v7  }
.LBB2_4:
0x91: {  	v7 =	vld [tilespmem:s8+$0x0];
	s7 =	sadd.s32 $0x8, s7;
	[tilespmem:s2+$0xFFFFFFA0] =	vst v5;
	v0 =	vmul.f32 $8.000000000e+00, v0  }
0x92: {  	v5 =	vld [tilespmem:s8+$0xFFFFFE20];
	p0 =	slt.u32 s7, $0xC0;
	[tilespmem:s2+$0xFFFFFFB0] =	vst v6;
	v1 =	vmul.f32 $8.000000000e+00, v1  }
0x93: {  	v6 =	vld [tilespmem:s8+$0xFFFFFE30];
	[tilespmem:s2+$0xFFFFFFC0] =	vst v0;
	v0 =	vmul.f32 $8.000000000e+00, v2  }
0x94: {  	v2 =	vld [tilespmem:s8+$0xFFFFFE40];
	[tilespmem:s2+$0xFFFFFFD0] =	vst v1;
	v1 =	vmul.f32 $8.000000000e+00, v3  }
0x95: {  	v3 =	vld [tilespmem:s8+$0xFFFFFE50];
	v4 =	vmul.f32 $8.000000000e+00, v4;
	[tilespmem:s2+$0xFFFFFFE0] =	vst v0  }
0x96: {  	v0 =	vld [tilespmem:s8+$0xFFFFFE60];
	v7 =	vmul.f32 $8.000000000e+00, v7;
	[tilespmem:s2+$0xFFFFFFF0] =	vst v1  }
0x97: {  	v1 =	vmul.f32 $8.000000000e+00, v5;
	v5 =	vld [tilespmem:s8+$0xFFFFFE70];
	[tilespmem:s2+$0xFFFFFE10] =	vst v4;
	s2 =	smov.u32 s8  }
0x98: {  	v4 =	vmul.f32 $8.000000000e+00, v6;
	v6 =	vld [tilespmem:s8+$0xFFFFFE80];
	[tilespmem:s8+$0x0] =	vst v7  }
0x99: {  	[tilespmem:s8+$0xFFFFFE20] =	vst v1;
	v1 =	vmul.f32 $8.000000000e+00, v2;
	v2 =	vld [tilespmem:s8+$0xFFFFFE90]  }
0x9a: {  	[tilespmem:s8+$0xFFFFFE30] =	vst v4;
	v3 =	vmul.f32 $8.000000000e+00, v3;
	v4 =	vld [tilespmem:s8+$0xFFFFFEA0]  }
0x9b: {  	[tilespmem:s8+$0xFFFFFE40] =	vst v1;
	v0 =	vmul.f32 $8.000000000e+00, v0;
	v1 =	vld [tilespmem:s8+$0xFFFFFEB0]  }
0x9c: {  	[tilespmem:s8+$0xFFFFFE50] =	vst v3;
	v3 =	vmul.f32 $8.000000000e+00, v5;
	v5 =	vld [tilespmem:s8+$0xFFFFFEC0]  }
0x9d: {  	[tilespmem:s8+$0xFFFFFE60] =	vst v0;
	v0 =	vmul.f32 $8.000000000e+00, v6;
	v6 =	vld [tilespmem:s8+$0xFFFFFED0]  }
0x9e: {  	[tilespmem:s8+$0xFFFFFE70] =	vst v3;
	v2 =	vmul.f32 $8.000000000e+00, v2;
	v3 =	vld [tilespmem:s8+$0xFFFFFEE0]  }
0x9f: {  	[tilespmem:s8+$0xFFFFFE80] =	vst v0;
	v0 =	vmul.f32 $8.000000000e+00, v4;
	v4 =	vld [tilespmem:s8+$0xFFFFFEF0]  }
0xa0: {  	[tilespmem:s8+$0xFFFFFE90] =	vst v2;
	v1 =	vmul.f32 $8.000000000e+00, v1;
	v2 =	vld [tilespmem:s8+$0xFFFFFF00]  }
0xa1: {  	[tilespmem:s8+$0xFFFFFEA0] =	vst v0;
	v0 =	vmul.f32 $8.000000000e+00, v5;
	v5 =	vld [tilespmem:s8+$0xFFFFFF10]  }
0xa2: {  	[tilespmem:s8+$0xFFFFFEB0] =	vst v1;
	v1 =	vmul.f32 $8.000000000e+00, v6;
	v6 =	vld [tilespmem:s8+$0xFFFFFF20]  }
0xa3: {  	[tilespmem:s8+$0xFFFFFEC0] =	vst v0;
	v0 =	vmul.f32 $8.000000000e+00, v3;
	v3 =	vld [tilespmem:s8+$0xFFFFFF30]  }
0xa4: {  	[tilespmem:s8+$0xFFFFFED0] =	vst v1;
	v1 =	vmul.f32 $8.000000000e+00, v4;
	v4 =	vld [tilespmem:s8+$0xFFFFFF40]  }
0xa5: {  	[tilespmem:s8+$0xFFFFFEE0] =	vst v0;
	v0 =	vmul.f32 $8.000000000e+00, v2;
	v2 =	vld [tilespmem:s8+$0xFFFFFF50]  }
0xa6: {  	[tilespmem:s8+$0xFFFFFEF0] =	vst v1;
	v1 =	vmul.f32 $8.000000000e+00, v5;
	v5 =	vld [tilespmem:s8+$0xFFFFFF60]  }
0xa7: {  	[tilespmem:s8+$0xFFFFFF00] =	vst v0;
	v0 =	vmul.f32 $8.000000000e+00, v6;
	v6 =	vld [tilespmem:s8+$0xFFFFFF70]  }
0xa8: {  	[tilespmem:s8+$0xFFFFFF10] =	vst v1;
	v1 =	vmul.f32 $8.000000000e+00, v3;
	v3 =	vld [tilespmem:s8+$0xFFFFFF80]  }
0xa9: {  	[tilespmem:s8+$0xFFFFFF20] =	vst v0;
	v0 =	vmul.f32 $8.000000000e+00, v4;
	v4 =	vld [tilespmem:s8+$0xFFFFFF90]  }
0xaa: {  	[tilespmem:s8+$0xFFFFFF30] =	vst v1;
	v1 =	vmul.f32 $8.000000000e+00, v2;
	v7 =	vld [tilespmem:s8+$0xFFFFFFA0]  }
0xab: {  	[tilespmem:s8+$0xFFFFFF40] =	vst v0;
	v2 =	vmul.f32 $8.000000000e+00, v5;
	v8 =	vld [tilespmem:s8+$0xFFFFFFB0]  }
.Ltmp1:
0xac: {  	[tilespmem:s8+$0xFFFFFF50] =	vst v1;
	v5 =	vmul.f32 $8.000000000e+00, v6;
	v0 =	vld [tilespmem:s8+$0xFFFFFFC0];
	(pc) =	sbr.rel @p0 .LBB2_4-.Ltmp1, $4  }
0xad: {  	[tilespmem:s8+$0xFFFFFF60] =	vst v2;
	v3 =	vmul.f32 $8.000000000e+00, v3;
	v1 =	vld [tilespmem:s8+$0xFFFFFFD0]  }
0xae: {  	[tilespmem:s8+$0xFFFFFF70] =	vst v5;
	v6 =	vmul.f32 $8.000000000e+00, v4;
	v2 =	vld [tilespmem:s8+$0xFFFFFFE0]  }
0xaf: {  	[tilespmem:s8+$0xFFFFFF80] =	vst v3;
	v5 =	vmul.f32 $8.000000000e+00, v7;
	v3 =	vld [tilespmem:s8+$0xFFFFFFF0]  }
0xb0: {  	s8 =	sadd.s32 $0x200, s8;
	v4 =	vld [tilespmem:s2+$0xFFFFFE10];
	[tilespmem:s2+$0xFFFFFF90] =	vst v6;
	v6 =	vmul.f32 $8.000000000e+00, v8  }
0xb1: {  	[tilespmem:s2+$0xFFFFFFA0] =	vst v5;
	v0 =	vmul.f32 $8.000000000e+00, v0  }
0xb2: {  	[tilespmem:s2+$0xFFFFFFB0] =	vst v6;
	v1 =	vmul.f32 $8.000000000e+00, v1  }
0xb3: {  	[tilespmem:s2+$0xFFFFFFC0] =	vst v0;
	v0 =	vmul.f32 $8.000000000e+00, v2  }
0xb4: {  	[tilespmem:s2+$0xFFFFFFD0] =	vst v1;
	v1 =	vmul.f32 $8.000000000e+00, v3  }
0xb5: {  	v2 =	vmul.f32 $8.000000000e+00, v4;
	[tilespmem:s2+$0xFFFFFFE0] =	vst v0  }
0xb6: {  	[tilespmem:s2+$0xFFFFFFF0] =	vst v1  }
0xb7: {  	[tilespmem:s2+$0xFFFFFE10] =	vst v2  }
0xb8: {  	s2 =	rddreg [dreg:$0x4]  }
0xb9: {  	[hbm4b:s2+s24] =	stream.strided.scatter [tilespmem:s20], [sflag:$0x5], $0x3200, s15, s24, $0x38;
	[tilespmem:$0xFA00] =	vst v63  }
0xba: {  	_ =	swait.ge [sflag:s31], $0x3200  }
0xbb: {  	[sflag:s31] =	ssyncset.done $0x0  }
0xbc: {  	s25 =	simm.s32 $0x258;
	[sflag:s31] =	ssyncadd.s32 $0xFFFFCE00  }
0xbd: {  	[tilespmem:s16], [sflag:$0x1] =	stream.indirect.gather [hbm4b:s3+s15], $0x40, s25, s15, $0xb8;
	[tilespmem:$0xFA00] =	vst v63  }
0xbe: {  	s28 =	simm.s32 $0x2D8  }
0xbf: {  	[tilespmem:s18], [sflag:$0x1] =	stream.indirect.gather [hbm4b:s3+s17], $0x40, s28, s17, $0xb8;
	[tilespmem:$0xFA00] =	vst v63  }
0xc0: {  	_ =	swait.ge [sflag:s19], $0x3200  }
0xc1: {  	[sflag:s19] =	ssyncset.done $0x0  }
0xc2: {  	s2 =	simm.s32 $0xC800;
	[sflag:s19] =	ssyncadd.s32 $0xFFFFCE00  }
0xc3: {  	v0 =	vld [tilespmem:s2+$0x1F0]  }
0xc4: {  	v1 =	vld [tilespmem:s2+$0x10]  }
0xc5: {  	v2 =	vld [tilespmem:s2+$0x20]  }
0xc6: {  	v3 =	vld [tilespmem:s2+$0x30]  }
0xc7: {  	v4 =	vld [tilespmem:s2+$0x40]  }
0xc8: {  	v5 =	vld [tilespmem:s2+$0x50];
	v0 =	vmul.f32 $8.000000000e+00, v0  }
0xc9: {  	v6 =	vld [tilespmem:s2+$0x60];
	v1 =	vmul.f32 $8.000000000e+00, v1  }
0xca: {  	v7 =	vld [tilespmem:s2+$0x70];
	v2 =	vmul.f32 $8.000000000e+00, v2;
	[tilespmem:s2+$0x1F0] =	vst v0  }
0xcb: {  	[tilespmem:s2+$0x10] =	vst v1;
	v0 =	vmul.f32 $8.000000000e+00, v3;
	v1 =	vld [tilespmem:s2+$0x80]  }
0xcc: {  	[tilespmem:s2+$0x20] =	vst v2;
	v2 =	vmul.f32 $8.000000000e+00, v4;
	v3 =	vld [tilespmem:s2+$0x90]  }
0xcd: {  	v4 =	vld [tilespmem:s2+$0xA0];
	[tilespmem:s2+$0x30] =	vst v0;
	v0 =	vmul.f32 $8.000000000e+00, v5  }
0xce: {  	[tilespmem:s2+$0x40] =	vst v2;
	v2 =	vmul.f32 $8.000000000e+00, v6;
	v5 =	vld [tilespmem:s2+$0xB0]  }
0xcf: {  	v6 =	vld [tilespmem:s2+$0xC0];
	[tilespmem:s2+$0x50] =	vst v0;
	v0 =	vmul.f32 $8.000000000e+00, v7  }
0xd0: {  	[tilespmem:s2+$0x60] =	vst v2;
	v2 =	vld [tilespmem:s2+$0xD0];
	v1 =	vmul.f32 $8.000000000e+00, v1  }
0xd1: {  	[tilespmem:s2+$0x70] =	vst v0;
	v0 =	vmul.f32 $8.000000000e+00, v3;
	v3 =	vld [tilespmem:s2+$0xE0]  }
0xd2: {  	[tilespmem:s2+$0x80] =	vst v1;
	v1 =	vmul.f32 $8.000000000e+00, v4;
	v4 =	vld [tilespmem:s2+$0xF0]  }
0xd3: {  	[tilespmem:s2+$0x90] =	vst v0;
	v0 =	vmul.f32 $8.000000000e+00, v5;
	v5 =	vld [tilespmem:s2+$0x100]  }
0xd4: {  	[tilespmem:s2+$0xA0] =	vst v1;
	v1 =	vmul.f32 $8.000000000e+00, v6;
	v6 =	vld [tilespmem:s2+$0x110]  }
0xd5: {  	[tilespmem:s2+$0xB0] =	vst v0;
	v0 =	vmul.f32 $8.000000000e+00, v2;
	v2 =	vld [tilespmem:s2+$0x120]  }
0xd6: {  	[tilespmem:s2+$0xC0] =	vst v1;
	v1 =	vmul.f32 $8.000000000e+00, v3;
	v3 =	vld [tilespmem:s2+$0x130]  }
0xd7: {  	[tilespmem:s2+$0xD0] =	vst v0;
	v0 =	vmul.f32 $8.000000000e+00, v4;
	v4 =	vld [tilespmem:s2+$0x140]  }
0xd8: {  	[tilespmem:s2+$0xE0] =	vst v1;
	v1 =	vmul.f32 $8.000000000e+00, v5;
	v5 =	vld [tilespmem:s2+$0x150]  }
0xd9: {  	[tilespmem:s2+$0xF0] =	vst v0;
	v0 =	vmul.f32 $8.000000000e+00, v6;
	v6 =	vld [tilespmem:s2+$0x160]  }
0xda: {  	[tilespmem:s2+$0x100] =	vst v1;
	v1 =	vmul.f32 $8.000000000e+00, v2;
	v2 =	vld [tilespmem:s2+$0x170]  }
0xdb: {  	[tilespmem:s2+$0x110] =	vst v0;
	v0 =	vmul.f32 $8.000000000e+00, v3;
	v3 =	vld [tilespmem:s2+$0x180]  }
0xdc: {  	[tilespmem:s2+$0x120] =	vst v1;
	v1 =	vmul.f32 $8.000000000e+00, v4;
	v4 =	vld [tilespmem:s2+$0x190]  }
0xdd: {  	v7 =	vld [tilespmem:s2+$0x1A0];
	[tilespmem:s2+$0x130] =	vst v0;
	v5 =	vmul.f32 $8.000000000e+00, v5  }
0xde: {  	v0 =	vld [tilespmem:s2+$0x1B0];
	[tilespmem:s2+$0x140] =	vst v1;
	v6 =	vmul.f32 $8.000000000e+00, v6  }
0xdf: {  	v1 =	vld [tilespmem:s2+$0x1C0];
	[tilespmem:s2+$0x150] =	vst v5;
	v5 =	vmul.f32 $8.000000000e+00, v2  }
0xe0: {  	v2 =	vld [tilespmem:s2+$0x1D0];
	[tilespmem:s2+$0x160] =	vst v6;
	v6 =	vmul.f32 $8.000000000e+00, v3  }
0xe1: {  	v3 =	vld [tilespmem:s2+$0x1E0];
	[tilespmem:s2+$0x170] =	vst v5;
	v5 =	vmul.f32 $8.000000000e+00, v4  }
0xe2: {  	s7 =	simm.s32 $0x0;
	s8 =	simm.s32 $0xCA00;
	v4 =	vld [tilespmem:s2+$0x0];
	[tilespmem:s2+$0x180] =	vst v6;
	v6 =	vmul.f32 $8.000000000e+00, v7  }
.LBB2_6:
0xe3: {  	v7 =	vld [tilespmem:s8+$0x1F0];
	s7 =	sadd.s32 $0x8, s7;
	[tilespmem:s2+$0x190] =	vst v5;
	v0 =	vmul.f32 $8.000000000e+00, v0  }
0xe4: {  	v5 =	vld [tilespmem:s8+$0x10];
	p0 =	slt.u32 s7, $0xC0;
	[tilespmem:s2+$0x1A0] =	vst v6;
	v1 =	vmul.f32 $8.000000000e+00, v1  }
0xe5: {  	v6 =	vld [tilespmem:s8+$0x20];
	[tilespmem:s2+$0x1B0] =	vst v0;
	v0 =	vmul.f32 $8.000000000e+00, v2  }
0xe6: {  	v2 =	vld [tilespmem:s8+$0x30];
	[tilespmem:s2+$0x1C0] =	vst v1;
	v1 =	vmul.f32 $8.000000000e+00, v3  }
0xe7: {  	v3 =	vld [tilespmem:s8+$0x40];
	v4 =	vmul.f32 $8.000000000e+00, v4;
	[tilespmem:s2+$0x1D0] =	vst v0  }
0xe8: {  	v0 =	vld [tilespmem:s8+$0x50];
	v7 =	vmul.f32 $8.000000000e+00, v7;
	[tilespmem:s2+$0x1E0] =	vst v1  }
0xe9: {  	v1 =	vmul.f32 $8.000000000e+00, v5;
	v5 =	vld [tilespmem:s8+$0x60];
	[tilespmem:s2+$0x0] =	vst v4;
	s2 =	smov.u32 s8  }
0xea: {  	v4 =	vmul.f32 $8.000000000e+00, v6;
	v6 =	vld [tilespmem:s8+$0x70];
	[tilespmem:s8+$0x1F0] =	vst v7  }
0xeb: {  	[tilespmem:s8+$0x10] =	vst v1;
	v1 =	vmul.f32 $8.000000000e+00, v2;
	v2 =	vld [tilespmem:s8+$0x80]  }
0xec: {  	[tilespmem:s8+$0x20] =	vst v4;
	v3 =	vmul.f32 $8.000000000e+00, v3;
	v4 =	vld [tilespmem:s8+$0x90]  }
0xed: {  	[tilespmem:s8+$0x30] =	vst v1;
	v0 =	vmul.f32 $8.000000000e+00, v0;
	v1 =	vld [tilespmem:s8+$0xA0]  }
0xee: {  	[tilespmem:s8+$0x40] =	vst v3;
	v3 =	vmul.f32 $8.000000000e+00, v5;
	v5 =	vld [tilespmem:s8+$0xB0]  }
0xef: {  	[tilespmem:s8+$0x50] =	vst v0;
	v0 =	vmul.f32 $8.000000000e+00, v6;
	v6 =	vld [tilespmem:s8+$0xC0]  }
0xf0: {  	[tilespmem:s8+$0x60] =	vst v3;
	v2 =	vmul.f32 $8.000000000e+00, v2;
	v3 =	vld [tilespmem:s8+$0xD0]  }
0xf1: {  	[tilespmem:s8+$0x70] =	vst v0;
	v0 =	vmul.f32 $8.000000000e+00, v4;
	v4 =	vld [tilespmem:s8+$0xE0]  }
0xf2: {  	[tilespmem:s8+$0x80] =	vst v2;
	v1 =	vmul.f32 $8.000000000e+00, v1;
	v2 =	vld [tilespmem:s8+$0xF0]  }
0xf3: {  	[tilespmem:s8+$0x90] =	vst v0;
	v0 =	vmul.f32 $8.000000000e+00, v5;
	v5 =	vld [tilespmem:s8+$0x100]  }
0xf4: {  	[tilespmem:s8+$0xA0] =	vst v1;
	v1 =	vmul.f32 $8.000000000e+00, v6;
	v6 =	vld [tilespmem:s8+$0x110]  }
0xf5: {  	[tilespmem:s8+$0xB0] =	vst v0;
	v0 =	vmul.f32 $8.000000000e+00, v3;
	v3 =	vld [tilespmem:s8+$0x120]  }
0xf6: {  	[tilespmem:s8+$0xC0] =	vst v1;
	v1 =	vmul.f32 $8.000000000e+00, v4;
	v4 =	vld [tilespmem:s8+$0x130]  }
0xf7: {  	[tilespmem:s8+$0xD0] =	vst v0;
	v0 =	vmul.f32 $8.000000000e+00, v2;
	v2 =	vld [tilespmem:s8+$0x140]  }
0xf8: {  	[tilespmem:s8+$0xE0] =	vst v1;
	v1 =	vmul.f32 $8.000000000e+00, v5;
	v5 =	vld [tilespmem:s8+$0x150]  }
0xf9: {  	[tilespmem:s8+$0xF0] =	vst v0;
	v0 =	vmul.f32 $8.000000000e+00, v6;
	v6 =	vld [tilespmem:s8+$0x160]  }
0xfa: {  	[tilespmem:s8+$0x100] =	vst v1;
	v1 =	vmul.f32 $8.000000000e+00, v3;
	v3 =	vld [tilespmem:s8+$0x170]  }
0xfb: {  	[tilespmem:s8+$0x110] =	vst v0;
	v0 =	vmul.f32 $8.000000000e+00, v4;
	v4 =	vld [tilespmem:s8+$0x180]  }
0xfc: {  	[tilespmem:s8+$0x120] =	vst v1;
	v1 =	vmul.f32 $8.000000000e+00, v2;
	v7 =	vld [tilespmem:s8+$0x190]  }
0xfd: {  	[tilespmem:s8+$0x130] =	vst v0;
	v2 =	vmul.f32 $8.000000000e+00, v5;
	v8 =	vld [tilespmem:s8+$0x1A0]  }
.Ltmp2:
0xfe: {  	[tilespmem:s8+$0x140] =	vst v1;
	v5 =	vmul.f32 $8.000000000e+00, v6;
	v0 =	vld [tilespmem:s8+$0x1B0];
	(pc) =	sbr.rel @p0 .LBB2_6-.Ltmp2, $4  }
0xff: {  	[tilespmem:s8+$0x150] =	vst v2;
	v3 =	vmul.f32 $8.000000000e+00, v3;
	v1 =	vld [tilespmem:s8+$0x1C0]  }
0x100: {  	[tilespmem:s8+$0x160] =	vst v5;
	v6 =	vmul.f32 $8.000000000e+00, v4;
	v2 =	vld [tilespmem:s8+$0x1D0]  }
0x101: {  	[tilespmem:s8+$0x170] =	vst v3;
	v5 =	vmul.f32 $8.000000000e+00, v7;
	v3 =	vld [tilespmem:s8+$0x1E0]  }
0x102: {  	s8 =	sadd.s32 $0x200, s8;
	v4 =	vld [tilespmem:s2+$0x0];
	[tilespmem:s2+$0x180] =	vst v6;
	v6 =	vmul.f32 $8.000000000e+00, v8  }
0x103: {  	[tilespmem:s2+$0x190] =	vst v5;
	v0 =	vmul.f32 $8.000000000e+00, v0  }
0x104: {  	[tilespmem:s2+$0x1A0] =	vst v6;
	v1 =	vmul.f32 $8.000000000e+00, v1  }
0x105: {  	[tilespmem:s2+$0x1B0] =	vst v0;
	v61 =	vmul.f32 $8.000000000e+00, v2  }
0x106: {  	[tilespmem:s2+$0x1C0] =	vst v1;
	v62 =	vmul.f32 $8.000000000e+00, v3  }
0x107: {  	v63 =	vmul.f32 $8.000000000e+00, v4;
	[tilespmem:s2+$0x1D0] =	vst v61  }
0x108: {  	[tilespmem:s2+$0x1E0] =	vst v62  }
0x109: {  	[tilespmem:s2+$0x0] =	vst v63  }
0x10a: {  	s2 =	rddreg [dreg:$0x5]  }
0x10b: {  	[hbm4b:s2+s24] =	stream.strided.scatter [tilespmem:s26], [sflag:$0x6], $0x3200, s15, s24, $0x38;
	[tilespmem:$0xFA00] =	vst v63  }
0x10c: {  	_ =	swait.ge [sflag:s21], $0x3200  }
0x10d: {  	[sflag:s21] =	ssyncset.done $0x0  }
0x10e: {  	s25 =	simm.s32 $0x320;
	[sflag:s21] =	ssyncadd.s32 $0xFFFFCE00  }
0x10f: {  	[tilespmem:s20], [sflag:$0x2] =	stream.indirect.gather [hbm4b:s3+s15], $0x40, s25, s15, $0xb8;
	[tilespmem:$0xFA00] =	vst v63  }
0x110: {  	s28 =	simm.s32 $0x3A0;
	s25 =	simm.s32 $0x1  }
0x111: {  	[tilespmem:s22], [sflag:$0x2] =	stream.indirect.gather [hbm4b:s3+s17], $0x40, s28, s17, $0xb8;
	[tilespmem:$0xFA00] =	vst v63  }
.LBB2_8:
0x112: {  	_ =	swait.ge [sflag:s23], $0x3200  }
0x113: {  	[sflag:s23] =	ssyncset.done $0x0  }
0x114: {  	s28 =	simm.s32 $0x6500;
	[sflag:s23] =	ssyncadd.s32 $0xFFFFCE00  }
0x115: {  	v0 =	vld [tilespmem:s28+$0xF0]  }
0x116: {  	v1 =	vld [tilespmem:s28+$0xFFFFFF10]  }
0x117: {  	v2 =	vld [tilespmem:s28+$0xFFFFFF20]  }
0x118: {  	v3 =	vld [tilespmem:s28+$0xFFFFFF30]  }
0x119: {  	v4 =	vld [tilespmem:s28+$0xFFFFFF40]  }
0x11a: {  	v5 =	vld [tilespmem:s28+$0xFFFFFF50];
	v0 =	vmul.f32 $8.000000000e+00, v0  }
0x11b: {  	v6 =	vld [tilespmem:s28+$0xFFFFFF60];
	v1 =	vmul.f32 $8.000000000e+00, v1  }
0x11c: {  	v7 =	vld [tilespmem:s28+$0xFFFFFF70];
	v2 =	vmul.f32 $8.000000000e+00, v2;
	[tilespmem:s28+$0xF0] =	vst v0  }
0x11d: {  	[tilespmem:s28+$0xFFFFFF10] =	vst v1;
	v0 =	vmul.f32 $8.000000000e+00, v3;
	v1 =	vld [tilespmem:s28+$0xFFFFFF80]  }
0x11e: {  	[tilespmem:s28+$0xFFFFFF20] =	vst v2;
	v2 =	vmul.f32 $8.000000000e+00, v4;
	v3 =	vld [tilespmem:s28+$0xFFFFFF90]  }
0x11f: {  	v4 =	vld [tilespmem:s28+$0xFFFFFFA0];
	[tilespmem:s28+$0xFFFFFF30] =	vst v0;
	v0 =	vmul.f32 $8.000000000e+00, v5  }
0x120: {  	[tilespmem:s28+$0xFFFFFF40] =	vst v2;
	v2 =	vmul.f32 $8.000000000e+00, v6;
	v5 =	vld [tilespmem:s28+$0xFFFFFFB0]  }
0x121: {  	v6 =	vld [tilespmem:s28+$0xFFFFFFC0];
	[tilespmem:s28+$0xFFFFFF50] =	vst v0;
	v0 =	vmul.f32 $8.000000000e+00, v7  }
0x122: {  	[tilespmem:s28+$0xFFFFFF60] =	vst v2;
	v2 =	vld [tilespmem:s28+$0xFFFFFFD0];
	v1 =	vmul.f32 $8.000000000e+00, v1  }
0x123: {  	[tilespmem:s28+$0xFFFFFF70] =	vst v0;
	v0 =	vmul.f32 $8.000000000e+00, v3;
	v3 =	vld [tilespmem:s28+$0xFFFFFFE0]  }
0x124: {  	[tilespmem:s28+$0xFFFFFF80] =	vst v1;
	v1 =	vmul.f32 $8.000000000e+00, v4;
	v4 =	vld [tilespmem:s28+$0xFFFFFFF0]  }
0x125: {  	[tilespmem:s28+$0xFFFFFF90] =	vst v0;
	v0 =	vmul.f32 $8.000000000e+00, v5;
	v5 =	vld [tilespmem:s28+$0x0]  }
0x126: {  	[tilespmem:s28+$0xFFFFFFA0] =	vst v1;
	v1 =	vmul.f32 $8.000000000e+00, v6;
	v6 =	vld [tilespmem:s28+$0x10]  }
0x127: {  	[tilespmem:s28+$0xFFFFFFB0] =	vst v0;
	v0 =	vmul.f32 $8.000000000e+00, v2;
	v2 =	vld [tilespmem:s28+$0x20]  }
0x128: {  	[tilespmem:s28+$0xFFFFFFC0] =	vst v1;
	v1 =	vmul.f32 $8.000000000e+00, v3;
	v3 =	vld [tilespmem:s28+$0x30]  }
0x129: {  	[tilespmem:s28+$0xFFFFFFD0] =	vst v0;
	v0 =	vmul.f32 $8.000000000e+00, v4;
	v4 =	vld [tilespmem:s28+$0x40]  }
0x12a: {  	[tilespmem:s28+$0xFFFFFFE0] =	vst v1;
	v1 =	vmul.f32 $8.000000000e+00, v5;
	v5 =	vld [tilespmem:s28+$0x50]  }
0x12b: {  	[tilespmem:s28+$0xFFFFFFF0] =	vst v0;
	v0 =	vmul.f32 $8.000000000e+00, v6;
	v6 =	vld [tilespmem:s28+$0x60]  }
0x12c: {  	[tilespmem:s28+$0x0] =	vst v1;
	v1 =	vmul.f32 $8.000000000e+00, v2;
	v2 =	vld [tilespmem:s28+$0x70]  }
0x12d: {  	[tilespmem:s28+$0x10] =	vst v0;
	v0 =	vmul.f32 $8.000000000e+00, v3;
	v3 =	vld [tilespmem:s28+$0x80]  }
0x12e: {  	[tilespmem:s28+$0x20] =	vst v1;
	v1 =	vmul.f32 $8.000000000e+00, v4;
	v4 =	vld [tilespmem:s28+$0x90]  }
0x12f: {  	v7 =	vld [tilespmem:s28+$0xA0];
	[tilespmem:s28+$0x30] =	vst v0;
	v5 =	vmul.f32 $8.000000000e+00, v5  }
0x130: {  	v0 =	vld [tilespmem:s28+$0xB0];
	[tilespmem:s28+$0x40] =	vst v1;
	v6 =	vmul.f32 $8.000000000e+00, v6  }
0x131: {  	v1 =	vld [tilespmem:s28+$0xC0];
	[tilespmem:s28+$0x50] =	vst v5;
	v5 =	vmul.f32 $8.000000000e+00, v2  }
0x132: {  	v2 =	vld [tilespmem:s28+$0xD0];
	[tilespmem:s28+$0x60] =	vst v6;
	v6 =	vmul.f32 $8.000000000e+00, v3  }
0x133: {  	v3 =	vld [tilespmem:s28+$0xE0];
	[tilespmem:s28+$0x70] =	vst v5;
	v5 =	vmul.f32 $8.000000000e+00, v4  }
0x134: {  	s2 =	simm.s32 $0x0;
	s7 =	simm.s32 $0x6700;
	v4 =	vld [tilespmem:s28+$0xFFFFFF00];
	[tilespmem:s28+$0x80] =	vst v6;
	v6 =	vmul.f32 $8.000000000e+00, v7  }
.LBB2_9:
0x135: {  	v7 =	vld [tilespmem:s7+$0xF0];
	s2 =	sadd.s32 $0x8, s2;
	[tilespmem:s28+$0x90] =	vst v5;
	v0 =	vmul.f32 $8.000000000e+00, v0  }
0x136: {  	v5 =	vld [tilespmem:s7+$0xFFFFFF10];
	p0 =	slt.u32 s2, $0xC0;
	[tilespmem:s28+$0xA0] =	vst v6;
	v1 =	vmul.f32 $8.000000000e+00, v1  }
0x137: {  	v6 =	vld [tilespmem:s7+$0xFFFFFF20];
	[tilespmem:s28+$0xB0] =	vst v0;
	v0 =	vmul.f32 $8.000000000e+00, v2  }
0x138: {  	v2 =	vld [tilespmem:s7+$0xFFFFFF30];
	[tilespmem:s28+$0xC0] =	vst v1;
	v1 =	vmul.f32 $8.000000000e+00, v3  }
0x139: {  	v3 =	vld [tilespmem:s7+$0xFFFFFF40];
	v4 =	vmul.f32 $8.000000000e+00, v4;
	[tilespmem:s28+$0xD0] =	vst v0  }
0x13a: {  	v0 =	vld [tilespmem:s7+$0xFFFFFF50];
	v7 =	vmul.f32 $8.000000000e+00, v7;
	[tilespmem:s28+$0xE0] =	vst v1  }
0x13b: {  	v1 =	vmul.f32 $8.000000000e+00, v5;
	v5 =	vld [tilespmem:s7+$0xFFFFFF60];
	[tilespmem:s28+$0xFFFFFF00] =	vst v4;
	s28 =	smov.u32 s7  }
0x13c: {  	v4 =	vmul.f32 $8.000000000e+00, v6;
	v6 =	vld [tilespmem:s7+$0xFFFFFF70];
	[tilespmem:s7+$0xF0] =	vst v7  }
0x13d: {  	[tilespmem:s7+$0xFFFFFF10] =	vst v1;
	v1 =	vmul.f32 $8.000000000e+00, v2;
	v2 =	vld [tilespmem:s7+$0xFFFFFF80]  }
0x13e: {  	[tilespmem:s7+$0xFFFFFF20] =	vst v4;
	v3 =	vmul.f32 $8.000000000e+00, v3;
	v4 =	vld [tilespmem:s7+$0xFFFFFF90]  }
0x13f: {  	[tilespmem:s7+$0xFFFFFF30] =	vst v1;
	v0 =	vmul.f32 $8.000000000e+00, v0;
	v1 =	vld [tilespmem:s7+$0xFFFFFFA0]  }
0x140: {  	[tilespmem:s7+$0xFFFFFF40] =	vst v3;
	v3 =	vmul.f32 $8.000000000e+00, v5;
	v5 =	vld [tilespmem:s7+$0xFFFFFFB0]  }
0x141: {  	[tilespmem:s7+$0xFFFFFF50] =	vst v0;
	v0 =	vmul.f32 $8.000000000e+00, v6;
	v6 =	vld [tilespmem:s7+$0xFFFFFFC0]  }
0x142: {  	[tilespmem:s7+$0xFFFFFF60] =	vst v3;
	v2 =	vmul.f32 $8.000000000e+00, v2;
	v3 =	vld [tilespmem:s7+$0xFFFFFFD0]  }
0x143: {  	[tilespmem:s7+$0xFFFFFF70] =	vst v0;
	v0 =	vmul.f32 $8.000000000e+00, v4;
	v4 =	vld [tilespmem:s7+$0xFFFFFFE0]  }
0x144: {  	[tilespmem:s7+$0xFFFFFF80] =	vst v2;
	v1 =	vmul.f32 $8.000000000e+00, v1;
	v2 =	vld [tilespmem:s7+$0xFFFFFFF0]  }
0x145: {  	[tilespmem:s7+$0xFFFFFF90] =	vst v0;
	v0 =	vmul.f32 $8.000000000e+00, v5;
	v5 =	vld [tilespmem:s7+$0x0]  }
0x146: {  	[tilespmem:s7+$0xFFFFFFA0] =	vst v1;
	v1 =	vmul.f32 $8.000000000e+00, v6;
	v6 =	vld [tilespmem:s7+$0x10]  }
0x147: {  	[tilespmem:s7+$0xFFFFFFB0] =	vst v0;
	v0 =	vmul.f32 $8.000000000e+00, v3;
	v3 =	vld [tilespmem:s7+$0x20]  }
0x148: {  	[tilespmem:s7+$0xFFFFFFC0] =	vst v1;
	v1 =	vmul.f32 $8.000000000e+00, v4;
	v4 =	vld [tilespmem:s7+$0x30]  }
0x149: {  	[tilespmem:s7+$0xFFFFFFD0] =	vst v0;
	v0 =	vmul.f32 $8.000000000e+00, v2;
	v2 =	vld [tilespmem:s7+$0x40]  }
0x14a: {  	[tilespmem:s7+$0xFFFFFFE0] =	vst v1;
	v1 =	vmul.f32 $8.000000000e+00, v5;
	v5 =	vld [tilespmem:s7+$0x50]  }
0x14b: {  	[tilespmem:s7+$0xFFFFFFF0] =	vst v0;
	v0 =	vmul.f32 $8.000000000e+00, v6;
	v6 =	vld [tilespmem:s7+$0x60]  }
0x14c: {  	[tilespmem:s7+$0x0] =	vst v1;
	v1 =	vmul.f32 $8.000000000e+00, v3;
	v3 =	vld [tilespmem:s7+$0x70]  }
0x14d: {  	[tilespmem:s7+$0x10] =	vst v0;
	v0 =	vmul.f32 $8.000000000e+00, v4;
	v4 =	vld [tilespmem:s7+$0x80]  }
0x14e: {  	[tilespmem:s7+$0x20] =	vst v1;
	v1 =	vmul.f32 $8.000000000e+00, v2;
	v7 =	vld [tilespmem:s7+$0x90]  }
0x14f: {  	[tilespmem:s7+$0x30] =	vst v0;
	v2 =	vmul.f32 $8.000000000e+00, v5;
	v8 =	vld [tilespmem:s7+$0xA0]  }
.Ltmp3:
0x150: {  	[tilespmem:s7+$0x40] =	vst v1;
	v5 =	vmul.f32 $8.000000000e+00, v6;
	v0 =	vld [tilespmem:s7+$0xB0];
	(pc) =	sbr.rel @p0 .LBB2_9-.Ltmp3, $4  }
0x151: {  	[tilespmem:s7+$0x50] =	vst v2;
	v3 =	vmul.f32 $8.000000000e+00, v3;
	v1 =	vld [tilespmem:s7+$0xC0]  }
0x152: {  	[tilespmem:s7+$0x60] =	vst v5;
	v6 =	vmul.f32 $8.000000000e+00, v4;
	v2 =	vld [tilespmem:s7+$0xD0]  }
0x153: {  	[tilespmem:s7+$0x70] =	vst v3;
	v5 =	vmul.f32 $8.000000000e+00, v7;
	v3 =	vld [tilespmem:s7+$0xE0]  }
0x154: {  	s7 =	sadd.s32 $0x200, s7;
	v4 =	vld [tilespmem:s28+$0xFFFFFF00];
	[tilespmem:s28+$0x80] =	vst v6;
	v6 =	vmul.f32 $8.000000000e+00, v8  }
0x155: {  	[tilespmem:s28+$0x90] =	vst v5;
	v0 =	vmul.f32 $8.000000000e+00, v0  }
0x156: {  	s2 =	smul.u32 $0x3, s25;
	[tilespmem:s28+$0xA0] =	vst v6;
	v1 =	vmul.f32 $8.000000000e+00, v1  }
0x157: {  	[tilespmem:s28+$0xB0] =	vst v0;
	v0 =	vmul.f32 $8.000000000e+00, v2  }
0x158: {  	s7 =	sadd.s32 s5, s2;
	[tilespmem:s28+$0xC0] =	vst v1;
	v1 =	vmul.f32 $8.000000000e+00, v3  }
0x159: {  	s7 =	smul.u32 $0xC80, s7;
	v2 =	vmul.f32 $8.000000000e+00, v4;
	[tilespmem:s28+$0xD0] =	vst v0  }
0x15a: {  	[tilespmem:s28+$0xE0] =	vst v1  }
0x15b: {  	s7 =	sadd.s32 s4, s7;
	[tilespmem:s28+$0xFFFFFF00] =	vst v2;
	s28 =	sadd.s32 $0x2, s2  }
0x15c: {  	[hbm4b:s7+s24] =	stream.strided.scatter [tilespmem:s16], [sflag:$0x4], $0x3200, s15, s24, $0x38;
	[tilespmem:$0xFA00] =	vst v63  }
0x15d: {  	s9 =	smul.u32 $0x320, s28;
	_ =	swait.ge [sflag:s0], $0x3200  }
0x15e: {  	[sflag:s0] =	ssyncset.done $0x0  }
0x15f: {  	s7 =	sshra.s32 s9, $0x2;
	[sflag:s0] =	ssyncadd.s32 $0xFFFFCE00  }
0x160: {  	[tilespmem:s26], [sflag:$0x3] =	stream.indirect.gather [hbm4b:s3+s15], $0x40, s7, s15, $0xb8;
	[tilespmem:$0xFA00] =	vst v63  }
0x161: {  	s7 =	sadd.s32 $0x80, s7  }
0x162: {  	[tilespmem:s29], [sflag:$0x3] =	stream.indirect.gather [hbm4b:s3+s17], $0x40, s7, s17, $0xb8;
	[tilespmem:$0xFA00] =	vst v63  }
0x163: {  	_ =	swait.ge [sflag:s30], $0x3200  }
0x164: {  	[sflag:s30] =	ssyncset.done $0x0  }
0x165: {  	s7 =	simm.s32 $0x97F0;
	[sflag:s30] =	ssyncadd.s32 $0xFFFFCE00  }
0x166: {  	v0 =	vld [tilespmem:s7+$0x0]  }
0x167: {  	v1 =	vld [tilespmem:s7+$0xFFFFFE20]  }
0x168: {  	v2 =	vld [tilespmem:s7+$0xFFFFFE30]  }
0x169: {  	v3 =	vld [tilespmem:s7+$0xFFFFFE40]  }
0x16a: {  	v4 =	vld [tilespmem:s7+$0xFFFFFE50]  }
0x16b: {  	v5 =	vld [tilespmem:s7+$0xFFFFFE60];
	v0 =	vmul.f32 $8.000000000e+00, v0  }
0x16c: {  	v6 =	vld [tilespmem:s7+$0xFFFFFE70];
	v1 =	vmul.f32 $8.000000000e+00, v1  }
0x16d: {  	v7 =	vld [tilespmem:s7+$0xFFFFFE80];
	v2 =	vmul.f32 $8.000000000e+00, v2;
	[tilespmem:s7+$0x0] =	vst v0  }
0x16e: {  	[tilespmem:s7+$0xFFFFFE20] =	vst v1;
	v0 =	vmul.f32 $8.000000000e+00, v3;
	v1 =	vld [tilespmem:s7+$0xFFFFFE90]  }
0x16f: {  	[tilespmem:s7+$0xFFFFFE30] =	vst v2;
	v2 =	vmul.f32 $8.000000000e+00, v4;
	v3 =	vld [tilespmem:s7+$0xFFFFFEA0]  }
0x170: {  	v4 =	vld [tilespmem:s7+$0xFFFFFEB0];
	[tilespmem:s7+$0xFFFFFE40] =	vst v0;
	v0 =	vmul.f32 $8.000000000e+00, v5  }
0x171: {  	[tilespmem:s7+$0xFFFFFE50] =	vst v2;
	v2 =	vmul.f32 $8.000000000e+00, v6;
	v5 =	vld [tilespmem:s7+$0xFFFFFEC0]  }
0x172: {  	v6 =	vld [tilespmem:s7+$0xFFFFFED0];
	[tilespmem:s7+$0xFFFFFE60] =	vst v0;
	v0 =	vmul.f32 $8.000000000e+00, v7  }
0x173: {  	[tilespmem:s7+$0xFFFFFE70] =	vst v2;
	v2 =	vld [tilespmem:s7+$0xFFFFFEE0];
	v1 =	vmul.f32 $8.000000000e+00, v1  }
0x174: {  	[tilespmem:s7+$0xFFFFFE80] =	vst v0;
	v0 =	vmul.f32 $8.000000000e+00, v3;
	v3 =	vld [tilespmem:s7+$0xFFFFFEF0]  }
0x175: {  	[tilespmem:s7+$0xFFFFFE90] =	vst v1;
	v1 =	vmul.f32 $8.000000000e+00, v4;
	v4 =	vld [tilespmem:s7+$0xFFFFFF00]  }
0x176: {  	[tilespmem:s7+$0xFFFFFEA0] =	vst v0;
	v0 =	vmul.f32 $8.000000000e+00, v5;
	v5 =	vld [tilespmem:s7+$0xFFFFFF10]  }
0x177: {  	[tilespmem:s7+$0xFFFFFEB0] =	vst v1;
	v1 =	vmul.f32 $8.000000000e+00, v6;
	v6 =	vld [tilespmem:s7+$0xFFFFFF20]  }
0x178: {  	[tilespmem:s7+$0xFFFFFEC0] =	vst v0;
	v0 =	vmul.f32 $8.000000000e+00, v2;
	v2 =	vld [tilespmem:s7+$0xFFFFFF30]  }
0x179: {  	[tilespmem:s7+$0xFFFFFED0] =	vst v1;
	v1 =	vmul.f32 $8.000000000e+00, v3;
	v3 =	vld [tilespmem:s7+$0xFFFFFF40]  }
0x17a: {  	[tilespmem:s7+$0xFFFFFEE0] =	vst v0;
	v0 =	vmul.f32 $8.000000000e+00, v4;
	v4 =	vld [tilespmem:s7+$0xFFFFFF50]  }
0x17b: {  	[tilespmem:s7+$0xFFFFFEF0] =	vst v1;
	v1 =	vmul.f32 $8.000000000e+00, v5;
	v5 =	vld [tilespmem:s7+$0xFFFFFF60]  }
0x17c: {  	[tilespmem:s7+$0xFFFFFF00] =	vst v0;
	v0 =	vmul.f32 $8.000000000e+00, v6;
	v6 =	vld [tilespmem:s7+$0xFFFFFF70]  }
0x17d: {  	[tilespmem:s7+$0xFFFFFF10] =	vst v1;
	v1 =	vmul.f32 $8.000000000e+00, v2;
	v2 =	vld [tilespmem:s7+$0xFFFFFF80]  }
0x17e: {  	[tilespmem:s7+$0xFFFFFF20] =	vst v0;
	v0 =	vmul.f32 $8.000000000e+00, v3;
	v3 =	vld [tilespmem:s7+$0xFFFFFF90]  }
0x17f: {  	[tilespmem:s7+$0xFFFFFF30] =	vst v1;
	v1 =	vmul.f32 $8.000000000e+00, v4;
	v4 =	vld [tilespmem:s7+$0xFFFFFFA0]  }
0x180: {  	v7 =	vld [tilespmem:s7+$0xFFFFFFB0];
	[tilespmem:s7+$0xFFFFFF40] =	vst v0;
	v5 =	vmul.f32 $8.000000000e+00, v5  }
0x181: {  	v0 =	vld [tilespmem:s7+$0xFFFFFFC0];
	[tilespmem:s7+$0xFFFFFF50] =	vst v1;
	v6 =	vmul.f32 $8.000000000e+00, v6  }
0x182: {  	v1 =	vld [tilespmem:s7+$0xFFFFFFD0];
	[tilespmem:s7+$0xFFFFFF60] =	vst v5;
	v5 =	vmul.f32 $8.000000000e+00, v2  }
0x183: {  	v2 =	vld [tilespmem:s7+$0xFFFFFFE0];
	[tilespmem:s7+$0xFFFFFF70] =	vst v6;
	v6 =	vmul.f32 $8.000000000e+00, v3  }
0x184: {  	v3 =	vld [tilespmem:s7+$0xFFFFFFF0];
	[tilespmem:s7+$0xFFFFFF80] =	vst v5;
	v5 =	vmul.f32 $8.000000000e+00, v4  }
0x185: {  	s8 =	simm.s32 $0x0;
	s9 =	simm.s32 $0x99F0;
	v4 =	vld [tilespmem:s7+$0xFFFFFE10];
	[tilespmem:s7+$0xFFFFFF90] =	vst v6;
	v6 =	vmul.f32 $8.000000000e+00, v7  }
.LBB2_11:
0x186: {  	v7 =	vld [tilespmem:s9+$0x0];
	s8 =	sadd.s32 $0x8, s8;
	[tilespmem:s7+$0xFFFFFFA0] =	vst v5;
	v0 =	vmul.f32 $8.000000000e+00, v0  }
0x187: {  	v5 =	vld [tilespmem:s9+$0xFFFFFE20];
	p0 =	slt.u32 s8, $0xC0;
	[tilespmem:s7+$0xFFFFFFB0] =	vst v6;
	v1 =	vmul.f32 $8.000000000e+00, v1  }
0x188: {  	v6 =	vld [tilespmem:s9+$0xFFFFFE30];
	[tilespmem:s7+$0xFFFFFFC0] =	vst v0;
	v0 =	vmul.f32 $8.000000000e+00, v2  }
0x189: {  	v2 =	vld [tilespmem:s9+$0xFFFFFE40];
	[tilespmem:s7+$0xFFFFFFD0] =	vst v1;
	v1 =	vmul.f32 $8.000000000e+00, v3  }
0x18a: {  	v3 =	vld [tilespmem:s9+$0xFFFFFE50];
	v4 =	vmul.f32 $8.000000000e+00, v4;
	[tilespmem:s7+$0xFFFFFFE0] =	vst v0  }
0x18b: {  	v0 =	vld [tilespmem:s9+$0xFFFFFE60];
	v7 =	vmul.f32 $8.000000000e+00, v7;
	[tilespmem:s7+$0xFFFFFFF0] =	vst v1  }
0x18c: {  	v1 =	vmul.f32 $8.000000000e+00, v5;
	v5 =	vld [tilespmem:s9+$0xFFFFFE70];
	[tilespmem:s7+$0xFFFFFE10] =	vst v4;
	s7 =	smov.u32 s9  }
0x18d: {  	v4 =	vmul.f32 $8.000000000e+00, v6;
	v6 =	vld [tilespmem:s9+$0xFFFFFE80];
	[tilespmem:s9+$0x0] =	vst v7  }
0x18e: {  	[tilespmem:s9+$0xFFFFFE20] =	vst v1;
	v1 =	vmul.f32 $8.000000000e+00, v2;
	v2 =	vld [tilespmem:s9+$0xFFFFFE90]  }
0x18f: {  	[tilespmem:s9+$0xFFFFFE30] =	vst v4;
	v3 =	vmul.f32 $8.000000000e+00, v3;
	v4 =	vld [tilespmem:s9+$0xFFFFFEA0]  }
0x190: {  	[tilespmem:s9+$0xFFFFFE40] =	vst v1;
	v0 =	vmul.f32 $8.000000000e+00, v0;
	v1 =	vld [tilespmem:s9+$0xFFFFFEB0]  }
0x191: {  	[tilespmem:s9+$0xFFFFFE50] =	vst v3;
	v3 =	vmul.f32 $8.000000000e+00, v5;
	v5 =	vld [tilespmem:s9+$0xFFFFFEC0]  }
0x192: {  	[tilespmem:s9+$0xFFFFFE60] =	vst v0;
	v0 =	vmul.f32 $8.000000000e+00, v6;
	v6 =	vld [tilespmem:s9+$0xFFFFFED0]  }
0x193: {  	[tilespmem:s9+$0xFFFFFE70] =	vst v3;
	v2 =	vmul.f32 $8.000000000e+00, v2;
	v3 =	vld [tilespmem:s9+$0xFFFFFEE0]  }
0x194: {  	[tilespmem:s9+$0xFFFFFE80] =	vst v0;
	v0 =	vmul.f32 $8.000000000e+00, v4;
	v4 =	vld [tilespmem:s9+$0xFFFFFEF0]  }
0x195: {  	[tilespmem:s9+$0xFFFFFE90] =	vst v2;
	v1 =	vmul.f32 $8.000000000e+00, v1;
	v2 =	vld [tilespmem:s9+$0xFFFFFF00]  }
0x196: {  	[tilespmem:s9+$0xFFFFFEA0] =	vst v0;
	v0 =	vmul.f32 $8.000000000e+00, v5;
	v5 =	vld [tilespmem:s9+$0xFFFFFF10]  }
0x197: {  	[tilespmem:s9+$0xFFFFFEB0] =	vst v1;
	v1 =	vmul.f32 $8.000000000e+00, v6;
	v6 =	vld [tilespmem:s9+$0xFFFFFF20]  }
0x198: {  	[tilespmem:s9+$0xFFFFFEC0] =	vst v0;
	v0 =	vmul.f32 $8.000000000e+00, v3;
	v3 =	vld [tilespmem:s9+$0xFFFFFF30]  }
0x199: {  	[tilespmem:s9+$0xFFFFFED0] =	vst v1;
	v1 =	vmul.f32 $8.000000000e+00, v4;
	v4 =	vld [tilespmem:s9+$0xFFFFFF40]  }
0x19a: {  	[tilespmem:s9+$0xFFFFFEE0] =	vst v0;
	v0 =	vmul.f32 $8.000000000e+00, v2;
	v2 =	vld [tilespmem:s9+$0xFFFFFF50]  }
0x19b: {  	[tilespmem:s9+$0xFFFFFEF0] =	vst v1;
	v1 =	vmul.f32 $8.000000000e+00, v5;
	v5 =	vld [tilespmem:s9+$0xFFFFFF60]  }
0x19c: {  	[tilespmem:s9+$0xFFFFFF00] =	vst v0;
	v0 =	vmul.f32 $8.000000000e+00, v6;
	v6 =	vld [tilespmem:s9+$0xFFFFFF70]  }
0x19d: {  	[tilespmem:s9+$0xFFFFFF10] =	vst v1;
	v1 =	vmul.f32 $8.000000000e+00, v3;
	v3 =	vld [tilespmem:s9+$0xFFFFFF80]  }
0x19e: {  	[tilespmem:s9+$0xFFFFFF20] =	vst v0;
	v0 =	vmul.f32 $8.000000000e+00, v4;
	v4 =	vld [tilespmem:s9+$0xFFFFFF90]  }
0x19f: {  	[tilespmem:s9+$0xFFFFFF30] =	vst v1;
	v1 =	vmul.f32 $8.000000000e+00, v2;
	v7 =	vld [tilespmem:s9+$0xFFFFFFA0]  }
0x1a0: {  	[tilespmem:s9+$0xFFFFFF40] =	vst v0;
	v2 =	vmul.f32 $8.000000000e+00, v5;
	v8 =	vld [tilespmem:s9+$0xFFFFFFB0]  }
.Ltmp4:
0x1a1: {  	[tilespmem:s9+$0xFFFFFF50] =	vst v1;
	v5 =	vmul.f32 $8.000000000e+00, v6;
	v0 =	vld [tilespmem:s9+$0xFFFFFFC0];
	(pc) =	sbr.rel @p0 .LBB2_11-.Ltmp4, $4  }
0x1a2: {  	[tilespmem:s9+$0xFFFFFF60] =	vst v2;
	v3 =	vmul.f32 $8.000000000e+00, v3;
	v1 =	vld [tilespmem:s9+$0xFFFFFFD0]  }
0x1a3: {  	[tilespmem:s9+$0xFFFFFF70] =	vst v5;
	v6 =	vmul.f32 $8.000000000e+00, v4;
	v2 =	vld [tilespmem:s9+$0xFFFFFFE0]  }
0x1a4: {  	[tilespmem:s9+$0xFFFFFF80] =	vst v3;
	v5 =	vmul.f32 $8.000000000e+00, v7;
	v3 =	vld [tilespmem:s9+$0xFFFFFFF0]  }
0x1a5: {  	s9 =	sadd.s32 $0x200, s9;
	v4 =	vld [tilespmem:s7+$0xFFFFFE10];
	[tilespmem:s7+$0xFFFFFF90] =	vst v6;
	v6 =	vmul.f32 $8.000000000e+00, v8  }
0x1a6: {  	[tilespmem:s7+$0xFFFFFFA0] =	vst v5;
	v0 =	vmul.f32 $8.000000000e+00, v0  }
0x1a7: {  	[tilespmem:s7+$0xFFFFFFB0] =	vst v6;
	v1 =	vmul.f32 $8.000000000e+00, v1  }
0x1a8: {  	[tilespmem:s7+$0xFFFFFFC0] =	vst v0;
	v0 =	vmul.f32 $8.000000000e+00, v2  }
0x1a9: {  	s2 =	sadd.s32 s2, s10;
	[tilespmem:s7+$0xFFFFFFD0] =	vst v1;
	v1 =	vmul.f32 $8.000000000e+00, v3  }
0x1aa: {  	s2 =	smul.u32 $0xC80, s2;
	v2 =	vmul.f32 $8.000000000e+00, v4;
	[tilespmem:s7+$0xFFFFFFE0] =	vst v0  }
0x1ab: {  	[tilespmem:s7+$0xFFFFFFF0] =	vst v1  }
0x1ac: {  	s2 =	sadd.s32 s4, s2;
	[tilespmem:s7+$0xFFFFFE10] =	vst v2;
	s7 =	smul.u32 $0x960, s25  }
0x1ad: {  	[hbm4b:s2+s24] =	stream.strided.scatter [tilespmem:s20], [sflag:$0x5], $0x3200, s15, s24, $0x38;
	[tilespmem:$0xFA00] =	vst v63  }
0x1ae: {  	_ =	swait.ge [sflag:s31], $0x3200  }
0x1af: {  	s2 =	sshra.s32 s7, $0x2;
	[sflag:s31] =	ssyncset.done $0x0  }
0x1b0: {  	s8 =	sadd.s32 $0x258, s2;
	[sflag:s31] =	ssyncadd.s32 $0xFFFFCE00  }
0x1b1: {  	[tilespmem:s16], [sflag:$0x1] =	stream.indirect.gather [hbm4b:s3+s15], $0x40, s8, s15, $0xb8;
	[tilespmem:$0xFA00] =	vst v63  }
0x1b2: {  	s9 =	sadd.s32 $0x2D8, s2  }
0x1b3: {  	[tilespmem:s18], [sflag:$0x1] =	stream.indirect.gather [hbm4b:s3+s17], $0x40, s9, s17, $0xb8;
	[tilespmem:$0xFA00] =	vst v63  }
0x1b4: {  	_ =	swait.ge [sflag:s19], $0x3200  }
0x1b5: {  	[sflag:s19] =	ssyncset.done $0x0  }
0x1b6: {  	s7 =	simm.s32 $0xC800;
	[sflag:s19] =	ssyncadd.s32 $0xFFFFCE00  }
0x1b7: {  	v0 =	vld [tilespmem:s7+$0x1F0]  }
0x1b8: {  	v1 =	vld [tilespmem:s7+$0x10]  }
0x1b9: {  	v2 =	vld [tilespmem:s7+$0x20]  }
0x1ba: {  	v3 =	vld [tilespmem:s7+$0x30]  }
0x1bb: {  	v4 =	vld [tilespmem:s7+$0x40]  }
0x1bc: {  	v5 =	vld [tilespmem:s7+$0x50];
	v0 =	vmul.f32 $8.000000000e+00, v0  }
0x1bd: {  	v6 =	vld [tilespmem:s7+$0x60];
	v1 =	vmul.f32 $8.000000000e+00, v1  }
0x1be: {  	v7 =	vld [tilespmem:s7+$0x70];
	v2 =	vmul.f32 $8.000000000e+00, v2;
	[tilespmem:s7+$0x1F0] =	vst v0  }
0x1bf: {  	[tilespmem:s7+$0x10] =	vst v1;
	v0 =	vmul.f32 $8.000000000e+00, v3;
	v1 =	vld [tilespmem:s7+$0x80]  }
0x1c0: {  	[tilespmem:s7+$0x20] =	vst v2;
	v2 =	vmul.f32 $8.000000000e+00, v4;
	v3 =	vld [tilespmem:s7+$0x90]  }
0x1c1: {  	v4 =	vld [tilespmem:s7+$0xA0];
	[tilespmem:s7+$0x30] =	vst v0;
	v0 =	vmul.f32 $8.000000000e+00, v5  }
0x1c2: {  	[tilespmem:s7+$0x40] =	vst v2;
	v2 =	vmul.f32 $8.000000000e+00, v6;
	v5 =	vld [tilespmem:s7+$0xB0]  }
0x1c3: {  	v6 =	vld [tilespmem:s7+$0xC0];
	[tilespmem:s7+$0x50] =	vst v0;
	v0 =	vmul.f32 $8.000000000e+00, v7  }
0x1c4: {  	[tilespmem:s7+$0x60] =	vst v2;
	v2 =	vld [tilespmem:s7+$0xD0];
	v1 =	vmul.f32 $8.000000000e+00, v1  }
0x1c5: {  	[tilespmem:s7+$0x70] =	vst v0;
	v0 =	vmul.f32 $8.000000000e+00, v3;
	v3 =	vld [tilespmem:s7+$0xE0]  }
0x1c6: {  	[tilespmem:s7+$0x80] =	vst v1;
	v1 =	vmul.f32 $8.000000000e+00, v4;
	v4 =	vld [tilespmem:s7+$0xF0]  }
0x1c7: {  	[tilespmem:s7+$0x90] =	vst v0;
	v0 =	vmul.f32 $8.000000000e+00, v5;
	v5 =	vld [tilespmem:s7+$0x100]  }
0x1c8: {  	[tilespmem:s7+$0xA0] =	vst v1;
	v1 =	vmul.f32 $8.000000000e+00, v6;
	v6 =	vld [tilespmem:s7+$0x110]  }
0x1c9: {  	[tilespmem:s7+$0xB0] =	vst v0;
	v0 =	vmul.f32 $8.000000000e+00, v2;
	v2 =	vld [tilespmem:s7+$0x120]  }
0x1ca: {  	[tilespmem:s7+$0xC0] =	vst v1;
	v1 =	vmul.f32 $8.000000000e+00, v3;
	v3 =	vld [tilespmem:s7+$0x130]  }
0x1cb: {  	[tilespmem:s7+$0xD0] =	vst v0;
	v0 =	vmul.f32 $8.000000000e+00, v4;
	v4 =	vld [tilespmem:s7+$0x140]  }
0x1cc: {  	[tilespmem:s7+$0xE0] =	vst v1;
	v1 =	vmul.f32 $8.000000000e+00, v5;
	v5 =	vld [tilespmem:s7+$0x150]  }
0x1cd: {  	[tilespmem:s7+$0xF0] =	vst v0;
	v0 =	vmul.f32 $8.000000000e+00, v6;
	v6 =	vld [tilespmem:s7+$0x160]  }
0x1ce: {  	[tilespmem:s7+$0x100] =	vst v1;
	v1 =	vmul.f32 $8.000000000e+00, v2;
	v2 =	vld [tilespmem:s7+$0x170]  }
0x1cf: {  	[tilespmem:s7+$0x110] =	vst v0;
	v0 =	vmul.f32 $8.000000000e+00, v3;
	v3 =	vld [tilespmem:s7+$0x180]  }
0x1d0: {  	[tilespmem:s7+$0x120] =	vst v1;
	v1 =	vmul.f32 $8.000000000e+00, v4;
	v4 =	vld [tilespmem:s7+$0x190]  }
0x1d1: {  	v7 =	vld [tilespmem:s7+$0x1A0];
	[tilespmem:s7+$0x130] =	vst v0;
	v5 =	vmul.f32 $8.000000000e+00, v5  }
0x1d2: {  	v0 =	vld [tilespmem:s7+$0x1B0];
	[tilespmem:s7+$0x140] =	vst v1;
	v6 =	vmul.f32 $8.000000000e+00, v6  }
0x1d3: {  	v1 =	vld [tilespmem:s7+$0x1C0];
	[tilespmem:s7+$0x150] =	vst v5;
	v5 =	vmul.f32 $8.000000000e+00, v2  }
0x1d4: {  	v2 =	vld [tilespmem:s7+$0x1D0];
	[tilespmem:s7+$0x160] =	vst v6;
	v6 =	vmul.f32 $8.000000000e+00, v3  }
0x1d5: {  	v3 =	vld [tilespmem:s7+$0x1E0];
	[tilespmem:s7+$0x170] =	vst v5;
	v5 =	vmul.f32 $8.000000000e+00, v4  }
0x1d6: {  	s8 =	simm.s32 $0x0;
	s9 =	simm.s32 $0xCA00;
	v4 =	vld [tilespmem:s7+$0x0];
	[tilespmem:s7+$0x180] =	vst v6;
	v6 =	vmul.f32 $8.000000000e+00, v7  }
.LBB2_13:
0x1d7: {  	v7 =	vld [tilespmem:s9+$0x1F0];
	s8 =	sadd.s32 $0x8, s8;
	[tilespmem:s7+$0x190] =	vst v5;
	v0 =	vmul.f32 $8.000000000e+00, v0  }
0x1d8: {  	v5 =	vld [tilespmem:s9+$0x10];
	p0 =	slt.u32 s8, $0xC0;
	[tilespmem:s7+$0x1A0] =	vst v6;
	v1 =	vmul.f32 $8.000000000e+00, v1  }
0x1d9: {  	v6 =	vld [tilespmem:s9+$0x20];
	[tilespmem:s7+$0x1B0] =	vst v0;
	v0 =	vmul.f32 $8.000000000e+00, v2  }
0x1da: {  	v2 =	vld [tilespmem:s9+$0x30];
	[tilespmem:s7+$0x1C0] =	vst v1;
	v1 =	vmul.f32 $8.000000000e+00, v3  }
0x1db: {  	v3 =	vld [tilespmem:s9+$0x40];
	v4 =	vmul.f32 $8.000000000e+00, v4;
	[tilespmem:s7+$0x1D0] =	vst v0  }
0x1dc: {  	v0 =	vld [tilespmem:s9+$0x50];
	v7 =	vmul.f32 $8.000000000e+00, v7;
	[tilespmem:s7+$0x1E0] =	vst v1  }
0x1dd: {  	v1 =	vmul.f32 $8.000000000e+00, v5;
	v5 =	vld [tilespmem:s9+$0x60];
	[tilespmem:s7+$0x0] =	vst v4;
	s7 =	smov.u32 s9  }
0x1de: {  	v4 =	vmul.f32 $8.000000000e+00, v6;
	v6 =	vld [tilespmem:s9+$0x70];
	[tilespmem:s9+$0x1F0] =	vst v7  }
0x1df: {  	[tilespmem:s9+$0x10] =	vst v1;
	v1 =	vmul.f32 $8.000000000e+00, v2;
	v2 =	vld [tilespmem:s9+$0x80]  }
0x1e0: {  	[tilespmem:s9+$0x20] =	vst v4;
	v3 =	vmul.f32 $8.000000000e+00, v3;
	v4 =	vld [tilespmem:s9+$0x90]  }
0x1e1: {  	[tilespmem:s9+$0x30] =	vst v1;
	v0 =	vmul.f32 $8.000000000e+00, v0;
	v1 =	vld [tilespmem:s9+$0xA0]  }
0x1e2: {  	[tilespmem:s9+$0x40] =	vst v3;
	v3 =	vmul.f32 $8.000000000e+00, v5;
	v5 =	vld [tilespmem:s9+$0xB0]  }
0x1e3: {  	[tilespmem:s9+$0x50] =	vst v0;
	v0 =	vmul.f32 $8.000000000e+00, v6;
	v6 =	vld [tilespmem:s9+$0xC0]  }
0x1e4: {  	[tilespmem:s9+$0x60] =	vst v3;
	v2 =	vmul.f32 $8.000000000e+00, v2;
	v3 =	vld [tilespmem:s9+$0xD0]  }
0x1e5: {  	[tilespmem:s9+$0x70] =	vst v0;
	v0 =	vmul.f32 $8.000000000e+00, v4;
	v4 =	vld [tilespmem:s9+$0xE0]  }
0x1e6: {  	[tilespmem:s9+$0x80] =	vst v2;
	v1 =	vmul.f32 $8.000000000e+00, v1;
	v2 =	vld [tilespmem:s9+$0xF0]  }
0x1e7: {  	[tilespmem:s9+$0x90] =	vst v0;
	v0 =	vmul.f32 $8.000000000e+00, v5;
	v5 =	vld [tilespmem:s9+$0x100]  }
0x1e8: {  	[tilespmem:s9+$0xA0] =	vst v1;
	v1 =	vmul.f32 $8.000000000e+00, v6;
	v6 =	vld [tilespmem:s9+$0x110]  }
0x1e9: {  	[tilespmem:s9+$0xB0] =	vst v0;
	v0 =	vmul.f32 $8.000000000e+00, v3;
	v3 =	vld [tilespmem:s9+$0x120]  }
0x1ea: {  	[tilespmem:s9+$0xC0] =	vst v1;
	v1 =	vmul.f32 $8.000000000e+00, v4;
	v4 =	vld [tilespmem:s9+$0x130]  }
0x1eb: {  	[tilespmem:s9+$0xD0] =	vst v0;
	v0 =	vmul.f32 $8.000000000e+00, v2;
	v2 =	vld [tilespmem:s9+$0x140]  }
0x1ec: {  	[tilespmem:s9+$0xE0] =	vst v1;
	v1 =	vmul.f32 $8.000000000e+00, v5;
	v5 =	vld [tilespmem:s9+$0x150]  }
0x1ed: {  	[tilespmem:s9+$0xF0] =	vst v0;
	v0 =	vmul.f32 $8.000000000e+00, v6;
	v6 =	vld [tilespmem:s9+$0x160]  }
0x1ee: {  	[tilespmem:s9+$0x100] =	vst v1;
	v1 =	vmul.f32 $8.000000000e+00, v3;
	v3 =	vld [tilespmem:s9+$0x170]  }
0x1ef: {  	[tilespmem:s9+$0x110] =	vst v0;
	v0 =	vmul.f32 $8.000000000e+00, v4;
	v4 =	vld [tilespmem:s9+$0x180]  }
0x1f0: {  	[tilespmem:s9+$0x120] =	vst v1;
	v1 =	vmul.f32 $8.000000000e+00, v2;
	v7 =	vld [tilespmem:s9+$0x190]  }
0x1f1: {  	[tilespmem:s9+$0x130] =	vst v0;
	v2 =	vmul.f32 $8.000000000e+00, v5;
	v8 =	vld [tilespmem:s9+$0x1A0]  }
.Ltmp5:
0x1f2: {  	[tilespmem:s9+$0x140] =	vst v1;
	v5 =	vmul.f32 $8.000000000e+00, v6;
	v0 =	vld [tilespmem:s9+$0x1B0];
	(pc) =	sbr.rel @p0 .LBB2_13-.Ltmp5, $4  }
0x1f3: {  	[tilespmem:s9+$0x150] =	vst v2;
	v3 =	vmul.f32 $8.000000000e+00, v3;
	v1 =	vld [tilespmem:s9+$0x1C0]  }
0x1f4: {  	[tilespmem:s9+$0x160] =	vst v5;
	v6 =	vmul.f32 $8.000000000e+00, v4;
	v2 =	vld [tilespmem:s9+$0x1D0]  }
0x1f5: {  	[tilespmem:s9+$0x170] =	vst v3;
	v5 =	vmul.f32 $8.000000000e+00, v7;
	v3 =	vld [tilespmem:s9+$0x1E0]  }
0x1f6: {  	s9 =	sadd.s32 $0x200, s9;
	v4 =	vld [tilespmem:s7+$0x0];
	[tilespmem:s7+$0x180] =	vst v6;
	v6 =	vmul.f32 $8.000000000e+00, v8  }
0x1f7: {  	[tilespmem:s7+$0x190] =	vst v5;
	v0 =	vmul.f32 $8.000000000e+00, v0  }
0x1f8: {  	[tilespmem:s7+$0x1A0] =	vst v6;
	v1 =	vmul.f32 $8.000000000e+00, v1  }
0x1f9: {  	[tilespmem:s7+$0x1B0] =	vst v0;
	v61 =	vmul.f32 $8.000000000e+00, v2  }
0x1fa: {  	s8 =	sadd.s32 s5, s28;
	[tilespmem:s7+$0x1C0] =	vst v1;
	v62 =	vmul.f32 $8.000000000e+00, v3  }
0x1fb: {  	s8 =	smul.u32 $0xC80, s8;
	v63 =	vmul.f32 $8.000000000e+00, v4;
	[tilespmem:s7+$0x1D0] =	vst v61  }
0x1fc: {  	[tilespmem:s7+$0x1E0] =	vst v62  }
0x1fd: {  	s25 =	sadd.s32 $0x1, s25;
	s8 =	sadd.s32 s4, s8;
	[tilespmem:s7+$0x0] =	vst v63  }
0x1fe: {  	[hbm4b:s8+s24] =	stream.strided.scatter [tilespmem:s26], [sflag:$0x6], $0x3200, s15, s24, $0x38;
	[tilespmem:$0xFA00] =	vst v63  }
0x1ff: {  	p0 =	sne.s32 s25, $0x2A;
	_ =	swait.ge [sflag:s21], $0x3200  }
.Ltmp6:
0x200: {  	[sflag:s21] =	ssyncset.done $0x0;
	(pc) =	sbr.rel @p0 .LBB2_8-.Ltmp6, $4  }
0x201: {  	s9 =	sadd.s32 $0x320, s2;
	[sflag:s21] =	ssyncadd.s32 $0xFFFFCE00  }
0x202: {  	[tilespmem:s20], [sflag:$0x2] =	stream.indirect.gather [hbm4b:s3+s15], $0x40, s9, s15, $0xb8;
	[tilespmem:$0xFA00] =	vst v63  }
0x203: {  	s28 =	sadd.s32 $0x3A0, s2  }
0x204: {  	[tilespmem:s22], [sflag:$0x2] =	stream.indirect.gather [hbm4b:s3+s17], $0x40, s28, s17, $0xb8;
	[tilespmem:$0xFA00] =	vst v63  }
0x205: {  	_ =	swait.ge [sflag:s23], $0x3200  }
0x206: {  	[sflag:s23] =	ssyncset.done $0x0  }
0x207: {  	s2 =	simm.s32 $0x6500;
	[sflag:s23] =	ssyncadd.s32 $0xFFFFCE00  }
0x208: {  	v0 =	vld [tilespmem:s2+$0xF0]  }
0x209: {  	v1 =	vld [tilespmem:s2+$0xFFFFFF10]  }
0x20a: {  	v2 =	vld [tilespmem:s2+$0xFFFFFF20]  }
0x20b: {  	v3 =	vld [tilespmem:s2+$0xFFFFFF30]  }
0x20c: {  	v4 =	vld [tilespmem:s2+$0xFFFFFF40]  }
0x20d: {  	v5 =	vld [tilespmem:s2+$0xFFFFFF50];
	v0 =	vmul.f32 $8.000000000e+00, v0  }
0x20e: {  	v6 =	vld [tilespmem:s2+$0xFFFFFF60];
	v1 =	vmul.f32 $8.000000000e+00, v1  }
0x20f: {  	v7 =	vld [tilespmem:s2+$0xFFFFFF70];
	v2 =	vmul.f32 $8.000000000e+00, v2;
	[tilespmem:s2+$0xF0] =	vst v0  }
0x210: {  	[tilespmem:s2+$0xFFFFFF10] =	vst v1;
	v0 =	vmul.f32 $8.000000000e+00, v3;
	v1 =	vld [tilespmem:s2+$0xFFFFFF80]  }
0x211: {  	[tilespmem:s2+$0xFFFFFF20] =	vst v2;
	v2 =	vmul.f32 $8.000000000e+00, v4;
	v3 =	vld [tilespmem:s2+$0xFFFFFF90]  }
0x212: {  	v4 =	vld [tilespmem:s2+$0xFFFFFFA0];
	[tilespmem:s2+$0xFFFFFF30] =	vst v0;
	v0 =	vmul.f32 $8.000000000e+00, v5  }
0x213: {  	[tilespmem:s2+$0xFFFFFF40] =	vst v2;
	v2 =	vmul.f32 $8.000000000e+00, v6;
	v5 =	vld [tilespmem:s2+$0xFFFFFFB0]  }
0x214: {  	v6 =	vld [tilespmem:s2+$0xFFFFFFC0];
	[tilespmem:s2+$0xFFFFFF50] =	vst v0;
	v0 =	vmul.f32 $8.000000000e+00, v7  }
0x215: {  	[tilespmem:s2+$0xFFFFFF60] =	vst v2;
	v2 =	vld [tilespmem:s2+$0xFFFFFFD0];
	v1 =	vmul.f32 $8.000000000e+00, v1  }
0x216: {  	[tilespmem:s2+$0xFFFFFF70] =	vst v0;
	v0 =	vmul.f32 $8.000000000e+00, v3;
	v3 =	vld [tilespmem:s2+$0xFFFFFFE0]  }
0x217: {  	[tilespmem:s2+$0xFFFFFF80] =	vst v1;
	v1 =	vmul.f32 $8.000000000e+00, v4;
	v4 =	vld [tilespmem:s2+$0xFFFFFFF0]  }
0x218: {  	[tilespmem:s2+$0xFFFFFF90] =	vst v0;
	v0 =	vmul.f32 $8.000000000e+00, v5;
	v5 =	vld [tilespmem:s2+$0x0]  }
0x219: {  	[tilespmem:s2+$0xFFFFFFA0] =	vst v1;
	v1 =	vmul.f32 $8.000000000e+00, v6;
	v6 =	vld [tilespmem:s2+$0x10]  }
0x21a: {  	[tilespmem:s2+$0xFFFFFFB0] =	vst v0;
	v0 =	vmul.f32 $8.000000000e+00, v2;
	v2 =	vld [tilespmem:s2+$0x20]  }
0x21b: {  	[tilespmem:s2+$0xFFFFFFC0] =	vst v1;
	v1 =	vmul.f32 $8.000000000e+00, v3;
	v3 =	vld [tilespmem:s2+$0x30]  }
0x21c: {  	[tilespmem:s2+$0xFFFFFFD0] =	vst v0;
	v0 =	vmul.f32 $8.000000000e+00, v4;
	v4 =	vld [tilespmem:s2+$0x40]  }
0x21d: {  	[tilespmem:s2+$0xFFFFFFE0] =	vst v1;
	v1 =	vmul.f32 $8.000000000e+00, v5;
	v5 =	vld [tilespmem:s2+$0x50]  }
0x21e: {  	[tilespmem:s2+$0xFFFFFFF0] =	vst v0;
	v0 =	vmul.f32 $8.000000000e+00, v6;
	v6 =	vld [tilespmem:s2+$0x60]  }
0x21f: {  	[tilespmem:s2+$0x0] =	vst v1;
	v1 =	vmul.f32 $8.000000000e+00, v2;
	v2 =	vld [tilespmem:s2+$0x70]  }
0x220: {  	[tilespmem:s2+$0x10] =	vst v0;
	v0 =	vmul.f32 $8.000000000e+00, v3;
	v3 =	vld [tilespmem:s2+$0x80]  }
0x221: {  	[tilespmem:s2+$0x20] =	vst v1;
	v1 =	vmul.f32 $8.000000000e+00, v4;
	v4 =	vld [tilespmem:s2+$0x90]  }
0x222: {  	v7 =	vld [tilespmem:s2+$0xA0];
	[tilespmem:s2+$0x30] =	vst v0;
	v5 =	vmul.f32 $8.000000000e+00, v5  }
0x223: {  	v0 =	vld [tilespmem:s2+$0xB0];
	[tilespmem:s2+$0x40] =	vst v1;
	v6 =	vmul.f32 $8.000000000e+00, v6  }
0x224: {  	v1 =	vld [tilespmem:s2+$0xC0];
	[tilespmem:s2+$0x50] =	vst v5;
	v5 =	vmul.f32 $8.000000000e+00, v2  }
0x225: {  	v2 =	vld [tilespmem:s2+$0xD0];
	[tilespmem:s2+$0x60] =	vst v6;
	v6 =	vmul.f32 $8.000000000e+00, v3  }
0x226: {  	v3 =	vld [tilespmem:s2+$0xE0];
	[tilespmem:s2+$0x70] =	vst v5;
	v5 =	vmul.f32 $8.000000000e+00, v4  }
0x227: {  	s7 =	simm.s32 $0x0;
	s8 =	simm.s32 $0x6700;
	v4 =	vld [tilespmem:s2+$0xFFFFFF00];
	[tilespmem:s2+$0x80] =	vst v6;
	v6 =	vmul.f32 $8.000000000e+00, v7  }
.LBB2_16:
0x228: {  	v7 =	vld [tilespmem:s8+$0xF0];
	s7 =	sadd.s32 $0x8, s7;
	[tilespmem:s2+$0x90] =	vst v5;
	v0 =	vmul.f32 $8.000000000e+00, v0  }
0x229: {  	v5 =	vld [tilespmem:s8+$0xFFFFFF10];
	p0 =	slt.u32 s7, $0xC0;
	[tilespmem:s2+$0xA0] =	vst v6;
	v1 =	vmul.f32 $8.000000000e+00, v1  }
0x22a: {  	v6 =	vld [tilespmem:s8+$0xFFFFFF20];
	[tilespmem:s2+$0xB0] =	vst v0;
	v0 =	vmul.f32 $8.000000000e+00, v2  }
0x22b: {  	v2 =	vld [tilespmem:s8+$0xFFFFFF30];
	[tilespmem:s2+$0xC0] =	vst v1;
	v1 =	vmul.f32 $8.000000000e+00, v3  }
0x22c: {  	v3 =	vld [tilespmem:s8+$0xFFFFFF40];
	v4 =	vmul.f32 $8.000000000e+00, v4;
	[tilespmem:s2+$0xD0] =	vst v0  }
0x22d: {  	v0 =	vld [tilespmem:s8+$0xFFFFFF50];
	v7 =	vmul.f32 $8.000000000e+00, v7;
	[tilespmem:s2+$0xE0] =	vst v1  }
0x22e: {  	v1 =	vmul.f32 $8.000000000e+00, v5;
	v5 =	vld [tilespmem:s8+$0xFFFFFF60];
	[tilespmem:s2+$0xFFFFFF00] =	vst v4;
	s2 =	smov.u32 s8  }
0x22f: {  	v4 =	vmul.f32 $8.000000000e+00, v6;
	v6 =	vld [tilespmem:s8+$0xFFFFFF70];
	[tilespmem:s8+$0xF0] =	vst v7  }
0x230: {  	[tilespmem:s8+$0xFFFFFF10] =	vst v1;
	v1 =	vmul.f32 $8.000000000e+00, v2;
	v2 =	vld [tilespmem:s8+$0xFFFFFF80]  }
0x231: {  	[tilespmem:s8+$0xFFFFFF20] =	vst v4;
	v3 =	vmul.f32 $8.000000000e+00, v3;
	v4 =	vld [tilespmem:s8+$0xFFFFFF90]  }
0x232: {  	[tilespmem:s8+$0xFFFFFF30] =	vst v1;
	v0 =	vmul.f32 $8.000000000e+00, v0;
	v1 =	vld [tilespmem:s8+$0xFFFFFFA0]  }
0x233: {  	[tilespmem:s8+$0xFFFFFF40] =	vst v3;
	v3 =	vmul.f32 $8.000000000e+00, v5;
	v5 =	vld [tilespmem:s8+$0xFFFFFFB0]  }
0x234: {  	[tilespmem:s8+$0xFFFFFF50] =	vst v0;
	v0 =	vmul.f32 $8.000000000e+00, v6;
	v6 =	vld [tilespmem:s8+$0xFFFFFFC0]  }
0x235: {  	[tilespmem:s8+$0xFFFFFF60] =	vst v3;
	v2 =	vmul.f32 $8.000000000e+00, v2;
	v3 =	vld [tilespmem:s8+$0xFFFFFFD0]  }
0x236: {  	[tilespmem:s8+$0xFFFFFF70] =	vst v0;
	v0 =	vmul.f32 $8.000000000e+00, v4;
	v4 =	vld [tilespmem:s8+$0xFFFFFFE0]  }
0x237: {  	[tilespmem:s8+$0xFFFFFF80] =	vst v2;
	v1 =	vmul.f32 $8.000000000e+00, v1;
	v2 =	vld [tilespmem:s8+$0xFFFFFFF0]  }
0x238: {  	[tilespmem:s8+$0xFFFFFF90] =	vst v0;
	v0 =	vmul.f32 $8.000000000e+00, v5;
	v5 =	vld [tilespmem:s8+$0x0]  }
0x239: {  	[tilespmem:s8+$0xFFFFFFA0] =	vst v1;
	v1 =	vmul.f32 $8.000000000e+00, v6;
	v6 =	vld [tilespmem:s8+$0x10]  }
0x23a: {  	[tilespmem:s8+$0xFFFFFFB0] =	vst v0;
	v0 =	vmul.f32 $8.000000000e+00, v3;
	v3 =	vld [tilespmem:s8+$0x20]  }
0x23b: {  	[tilespmem:s8+$0xFFFFFFC0] =	vst v1;
	v1 =	vmul.f32 $8.000000000e+00, v4;
	v4 =	vld [tilespmem:s8+$0x30]  }
0x23c: {  	[tilespmem:s8+$0xFFFFFFD0] =	vst v0;
	v0 =	vmul.f32 $8.000000000e+00, v2;
	v2 =	vld [tilespmem:s8+$0x40]  }
0x23d: {  	[tilespmem:s8+$0xFFFFFFE0] =	vst v1;
	v1 =	vmul.f32 $8.000000000e+00, v5;
	v5 =	vld [tilespmem:s8+$0x50]  }
0x23e: {  	[tilespmem:s8+$0xFFFFFFF0] =	vst v0;
	v0 =	vmul.f32 $8.000000000e+00, v6;
	v6 =	vld [tilespmem:s8+$0x60]  }
0x23f: {  	[tilespmem:s8+$0x0] =	vst v1;
	v1 =	vmul.f32 $8.000000000e+00, v3;
	v3 =	vld [tilespmem:s8+$0x70]  }
0x240: {  	[tilespmem:s8+$0x10] =	vst v0;
	v0 =	vmul.f32 $8.000000000e+00, v4;
	v4 =	vld [tilespmem:s8+$0x80]  }
0x241: {  	[tilespmem:s8+$0x20] =	vst v1;
	v1 =	vmul.f32 $8.000000000e+00, v2;
	v7 =	vld [tilespmem:s8+$0x90]  }
0x242: {  	[tilespmem:s8+$0x30] =	vst v0;
	v2 =	vmul.f32 $8.000000000e+00, v5;
	v8 =	vld [tilespmem:s8+$0xA0]  }
.Ltmp7:
0x243: {  	[tilespmem:s8+$0x40] =	vst v1;
	v5 =	vmul.f32 $8.000000000e+00, v6;
	v0 =	vld [tilespmem:s8+$0xB0];
	(pc) =	sbr.rel @p0 .LBB2_16-.Ltmp7, $4  }
0x244: {  	[tilespmem:s8+$0x50] =	vst v2;
	v3 =	vmul.f32 $8.000000000e+00, v3;
	v1 =	vld [tilespmem:s8+$0xC0]  }
0x245: {  	[tilespmem:s8+$0x60] =	vst v5;
	v6 =	vmul.f32 $8.000000000e+00, v4;
	v2 =	vld [tilespmem:s8+$0xD0]  }
0x246: {  	[tilespmem:s8+$0x70] =	vst v3;
	v5 =	vmul.f32 $8.000000000e+00, v7;
	v3 =	vld [tilespmem:s8+$0xE0]  }
0x247: {  	s8 =	sadd.s32 $0x200, s8;
	v4 =	vld [tilespmem:s2+$0xFFFFFF00];
	[tilespmem:s2+$0x80] =	vst v6;
	v6 =	vmul.f32 $8.000000000e+00, v8  }
0x248: {  	[tilespmem:s2+$0x90] =	vst v5;
	v0 =	vmul.f32 $8.000000000e+00, v0  }
0x249: {  	[tilespmem:s2+$0xA0] =	vst v6;
	v1 =	vmul.f32 $8.000000000e+00, v1  }
0x24a: {  	[tilespmem:s2+$0xB0] =	vst v0;
	v0 =	vmul.f32 $8.000000000e+00, v2  }
0x24b: {  	[tilespmem:s2+$0xC0] =	vst v1;
	v1 =	vmul.f32 $8.000000000e+00, v3  }
0x24c: {  	v2 =	vmul.f32 $8.000000000e+00, v4;
	[tilespmem:s2+$0xD0] =	vst v0  }
0x24d: {  	[tilespmem:s2+$0xE0] =	vst v1  }
0x24e: {  	[tilespmem:s2+$0xFFFFFF00] =	vst v2  }
0x24f: {  	[hbm4b:s11+s24] =	stream.strided.scatter [tilespmem:s16], [sflag:$0x4], $0x3200, s15, s24, $0x38;
	[tilespmem:$0xFA00] =	vst v63  }
0x250: {  	_ =	swait.ge [sflag:s30], $0x3200  }
0x251: {  	[sflag:s30] =	ssyncset.done $0x0  }
0x252: {  	s2 =	simm.s32 $0x97F0;
	[sflag:s30] =	ssyncadd.s32 $0xFFFFCE00  }
0x253: {  	v0 =	vld [tilespmem:s2+$0x0]  }
0x254: {  	v1 =	vld [tilespmem:s2+$0xFFFFFE20]  }
0x255: {  	v2 =	vld [tilespmem:s2+$0xFFFFFE30]  }
0x256: {  	v3 =	vld [tilespmem:s2+$0xFFFFFE40]  }
0x257: {  	v4 =	vld [tilespmem:s2+$0xFFFFFE50]  }
0x258: {  	v5 =	vld [tilespmem:s2+$0xFFFFFE60];
	v0 =	vmul.f32 $8.000000000e+00, v0  }
0x259: {  	v6 =	vld [tilespmem:s2+$0xFFFFFE70];
	v1 =	vmul.f32 $8.000000000e+00, v1  }
0x25a: {  	v7 =	vld [tilespmem:s2+$0xFFFFFE80];
	v2 =	vmul.f32 $8.000000000e+00, v2;
	[tilespmem:s2+$0x0] =	vst v0  }
0x25b: {  	[tilespmem:s2+$0xFFFFFE20] =	vst v1;
	v0 =	vmul.f32 $8.000000000e+00, v3;
	v1 =	vld [tilespmem:s2+$0xFFFFFE90]  }
0x25c: {  	[tilespmem:s2+$0xFFFFFE30] =	vst v2;
	v2 =	vmul.f32 $8.000000000e+00, v4;
	v3 =	vld [tilespmem:s2+$0xFFFFFEA0]  }
0x25d: {  	v4 =	vld [tilespmem:s2+$0xFFFFFEB0];
	[tilespmem:s2+$0xFFFFFE40] =	vst v0;
	v0 =	vmul.f32 $8.000000000e+00, v5  }
0x25e: {  	[tilespmem:s2+$0xFFFFFE50] =	vst v2;
	v2 =	vmul.f32 $8.000000000e+00, v6;
	v5 =	vld [tilespmem:s2+$0xFFFFFEC0]  }
0x25f: {  	v6 =	vld [tilespmem:s2+$0xFFFFFED0];
	[tilespmem:s2+$0xFFFFFE60] =	vst v0;
	v0 =	vmul.f32 $8.000000000e+00, v7  }
0x260: {  	[tilespmem:s2+$0xFFFFFE70] =	vst v2;
	v2 =	vld [tilespmem:s2+$0xFFFFFEE0];
	v1 =	vmul.f32 $8.000000000e+00, v1  }
0x261: {  	[tilespmem:s2+$0xFFFFFE80] =	vst v0;
	v0 =	vmul.f32 $8.000000000e+00, v3;
	v3 =	vld [tilespmem:s2+$0xFFFFFEF0]  }
0x262: {  	[tilespmem:s2+$0xFFFFFE90] =	vst v1;
	v1 =	vmul.f32 $8.000000000e+00, v4;
	v4 =	vld [tilespmem:s2+$0xFFFFFF00]  }
0x263: {  	[tilespmem:s2+$0xFFFFFEA0] =	vst v0;
	v0 =	vmul.f32 $8.000000000e+00, v5;
	v5 =	vld [tilespmem:s2+$0xFFFFFF10]  }
0x264: {  	[tilespmem:s2+$0xFFFFFEB0] =	vst v1;
	v1 =	vmul.f32 $8.000000000e+00, v6;
	v6 =	vld [tilespmem:s2+$0xFFFFFF20]  }
0x265: {  	[tilespmem:s2+$0xFFFFFEC0] =	vst v0;
	v0 =	vmul.f32 $8.000000000e+00, v2;
	v2 =	vld [tilespmem:s2+$0xFFFFFF30]  }
0x266: {  	[tilespmem:s2+$0xFFFFFED0] =	vst v1;
	v1 =	vmul.f32 $8.000000000e+00, v3;
	v3 =	vld [tilespmem:s2+$0xFFFFFF40]  }
0x267: {  	[tilespmem:s2+$0xFFFFFEE0] =	vst v0;
	v0 =	vmul.f32 $8.000000000e+00, v4;
	v4 =	vld [tilespmem:s2+$0xFFFFFF50]  }
0x268: {  	[tilespmem:s2+$0xFFFFFEF0] =	vst v1;
	v1 =	vmul.f32 $8.000000000e+00, v5;
	v5 =	vld [tilespmem:s2+$0xFFFFFF60]  }
0x269: {  	[tilespmem:s2+$0xFFFFFF00] =	vst v0;
	v0 =	vmul.f32 $8.000000000e+00, v6;
	v6 =	vld [tilespmem:s2+$0xFFFFFF70]  }
0x26a: {  	[tilespmem:s2+$0xFFFFFF10] =	vst v1;
	v1 =	vmul.f32 $8.000000000e+00, v2;
	v2 =	vld [tilespmem:s2+$0xFFFFFF80]  }
0x26b: {  	[tilespmem:s2+$0xFFFFFF20] =	vst v0;
	v0 =	vmul.f32 $8.000000000e+00, v3;
	v3 =	vld [tilespmem:s2+$0xFFFFFF90]  }
0x26c: {  	[tilespmem:s2+$0xFFFFFF30] =	vst v1;
	v1 =	vmul.f32 $8.000000000e+00, v4;
	v4 =	vld [tilespmem:s2+$0xFFFFFFA0]  }
0x26d: {  	v7 =	vld [tilespmem:s2+$0xFFFFFFB0];
	[tilespmem:s2+$0xFFFFFF40] =	vst v0;
	v5 =	vmul.f32 $8.000000000e+00, v5  }
0x26e: {  	v0 =	vld [tilespmem:s2+$0xFFFFFFC0];
	[tilespmem:s2+$0xFFFFFF50] =	vst v1;
	v6 =	vmul.f32 $8.000000000e+00, v6  }
0x26f: {  	v1 =	vld [tilespmem:s2+$0xFFFFFFD0];
	[tilespmem:s2+$0xFFFFFF60] =	vst v5;
	v5 =	vmul.f32 $8.000000000e+00, v2  }
0x270: {  	v2 =	vld [tilespmem:s2+$0xFFFFFFE0];
	[tilespmem:s2+$0xFFFFFF70] =	vst v6;
	v6 =	vmul.f32 $8.000000000e+00, v3  }
0x271: {  	v3 =	vld [tilespmem:s2+$0xFFFFFFF0];
	[tilespmem:s2+$0xFFFFFF80] =	vst v5;
	v5 =	vmul.f32 $8.000000000e+00, v4  }
0x272: {  	s7 =	simm.s32 $0x0;
	s8 =	simm.s32 $0x99F0;
	v4 =	vld [tilespmem:s2+$0xFFFFFE10];
	[tilespmem:s2+$0xFFFFFF90] =	vst v6;
	v6 =	vmul.f32 $8.000000000e+00, v7  }
.LBB2_18:
0x273: {  	v7 =	vld [tilespmem:s8+$0x0];
	s7 =	sadd.s32 $0x8, s7;
	[tilespmem:s2+$0xFFFFFFA0] =	vst v5;
	v0 =	vmul.f32 $8.000000000e+00, v0  }
0x274: {  	v5 =	vld [tilespmem:s8+$0xFFFFFE20];
	p0 =	slt.u32 s7, $0xC0;
	[tilespmem:s2+$0xFFFFFFB0] =	vst v6;
	v1 =	vmul.f32 $8.000000000e+00, v1  }
0x275: {  	v6 =	vld [tilespmem:s8+$0xFFFFFE30];
	[tilespmem:s2+$0xFFFFFFC0] =	vst v0;
	v0 =	vmul.f32 $8.000000000e+00, v2  }
0x276: {  	v2 =	vld [tilespmem:s8+$0xFFFFFE40];
	[tilespmem:s2+$0xFFFFFFD0] =	vst v1;
	v1 =	vmul.f32 $8.000000000e+00, v3  }
0x277: {  	v3 =	vld [tilespmem:s8+$0xFFFFFE50];
	v4 =	vmul.f32 $8.000000000e+00, v4;
	[tilespmem:s2+$0xFFFFFFE0] =	vst v0  }
0x278: {  	v0 =	vld [tilespmem:s8+$0xFFFFFE60];
	v7 =	vmul.f32 $8.000000000e+00, v7;
	[tilespmem:s2+$0xFFFFFFF0] =	vst v1  }
0x279: {  	v1 =	vmul.f32 $8.000000000e+00, v5;
	v5 =	vld [tilespmem:s8+$0xFFFFFE70];
	[tilespmem:s2+$0xFFFFFE10] =	vst v4;
	s2 =	smov.u32 s8  }
0x27a: {  	v4 =	vmul.f32 $8.000000000e+00, v6;
	v6 =	vld [tilespmem:s8+$0xFFFFFE80];
	[tilespmem:s8+$0x0] =	vst v7  }
0x27b: {  	[tilespmem:s8+$0xFFFFFE20] =	vst v1;
	v1 =	vmul.f32 $8.000000000e+00, v2;
	v2 =	vld [tilespmem:s8+$0xFFFFFE90]  }
0x27c: {  	[tilespmem:s8+$0xFFFFFE30] =	vst v4;
	v3 =	vmul.f32 $8.000000000e+00, v3;
	v4 =	vld [tilespmem:s8+$0xFFFFFEA0]  }
0x27d: {  	[tilespmem:s8+$0xFFFFFE40] =	vst v1;
	v0 =	vmul.f32 $8.000000000e+00, v0;
	v1 =	vld [tilespmem:s8+$0xFFFFFEB0]  }
0x27e: {  	[tilespmem:s8+$0xFFFFFE50] =	vst v3;
	v3 =	vmul.f32 $8.000000000e+00, v5;
	v5 =	vld [tilespmem:s8+$0xFFFFFEC0]  }
0x27f: {  	[tilespmem:s8+$0xFFFFFE60] =	vst v0;
	v0 =	vmul.f32 $8.000000000e+00, v6;
	v6 =	vld [tilespmem:s8+$0xFFFFFED0]  }
0x280: {  	[tilespmem:s8+$0xFFFFFE70] =	vst v3;
	v2 =	vmul.f32 $8.000000000e+00, v2;
	v3 =	vld [tilespmem:s8+$0xFFFFFEE0]  }
0x281: {  	[tilespmem:s8+$0xFFFFFE80] =	vst v0;
	v0 =	vmul.f32 $8.000000000e+00, v4;
	v4 =	vld [tilespmem:s8+$0xFFFFFEF0]  }
0x282: {  	[tilespmem:s8+$0xFFFFFE90] =	vst v2;
	v1 =	vmul.f32 $8.000000000e+00, v1;
	v2 =	vld [tilespmem:s8+$0xFFFFFF00]  }
0x283: {  	[tilespmem:s8+$0xFFFFFEA0] =	vst v0;
	v0 =	vmul.f32 $8.000000000e+00, v5;
	v5 =	vld [tilespmem:s8+$0xFFFFFF10]  }
0x284: {  	[tilespmem:s8+$0xFFFFFEB0] =	vst v1;
	v1 =	vmul.f32 $8.000000000e+00, v6;
	v6 =	vld [tilespmem:s8+$0xFFFFFF20]  }
0x285: {  	[tilespmem:s8+$0xFFFFFEC0] =	vst v0;
	v0 =	vmul.f32 $8.000000000e+00, v3;
	v3 =	vld [tilespmem:s8+$0xFFFFFF30]  }
0x286: {  	[tilespmem:s8+$0xFFFFFED0] =	vst v1;
	v1 =	vmul.f32 $8.000000000e+00, v4;
	v4 =	vld [tilespmem:s8+$0xFFFFFF40]  }
0x287: {  	[tilespmem:s8+$0xFFFFFEE0] =	vst v0;
	v0 =	vmul.f32 $8.000000000e+00, v2;
	v2 =	vld [tilespmem:s8+$0xFFFFFF50]  }
0x288: {  	[tilespmem:s8+$0xFFFFFEF0] =	vst v1;
	v1 =	vmul.f32 $8.000000000e+00, v5;
	v5 =	vld [tilespmem:s8+$0xFFFFFF60]  }
0x289: {  	[tilespmem:s8+$0xFFFFFF00] =	vst v0;
	v0 =	vmul.f32 $8.000000000e+00, v6;
	v6 =	vld [tilespmem:s8+$0xFFFFFF70]  }
0x28a: {  	[tilespmem:s8+$0xFFFFFF10] =	vst v1;
	v1 =	vmul.f32 $8.000000000e+00, v3;
	v3 =	vld [tilespmem:s8+$0xFFFFFF80]  }
0x28b: {  	[tilespmem:s8+$0xFFFFFF20] =	vst v0;
	v0 =	vmul.f32 $8.000000000e+00, v4;
	v4 =	vld [tilespmem:s8+$0xFFFFFF90]  }
0x28c: {  	[tilespmem:s8+$0xFFFFFF30] =	vst v1;
	v1 =	vmul.f32 $8.000000000e+00, v2;
	v7 =	vld [tilespmem:s8+$0xFFFFFFA0]  }
0x28d: {  	[tilespmem:s8+$0xFFFFFF40] =	vst v0;
	v2 =	vmul.f32 $8.000000000e+00, v5;
	v8 =	vld [tilespmem:s8+$0xFFFFFFB0]  }
.Ltmp8:
0x28e: {  	[tilespmem:s8+$0xFFFFFF50] =	vst v1;
	v5 =	vmul.f32 $8.000000000e+00, v6;
	v0 =	vld [tilespmem:s8+$0xFFFFFFC0];
	(pc) =	sbr.rel @p0 .LBB2_18-.Ltmp8, $4  }
0x28f: {  	[tilespmem:s8+$0xFFFFFF60] =	vst v2;
	v3 =	vmul.f32 $8.000000000e+00, v3;
	v1 =	vld [tilespmem:s8+$0xFFFFFFD0]  }
0x290: {  	[tilespmem:s8+$0xFFFFFF70] =	vst v5;
	v6 =	vmul.f32 $8.000000000e+00, v4;
	v2 =	vld [tilespmem:s8+$0xFFFFFFE0]  }
0x291: {  	[tilespmem:s8+$0xFFFFFF80] =	vst v3;
	v5 =	vmul.f32 $8.000000000e+00, v7;
	v3 =	vld [tilespmem:s8+$0xFFFFFFF0]  }
0x292: {  	s8 =	sadd.s32 $0x200, s8;
	v4 =	vld [tilespmem:s2+$0xFFFFFE10];
	[tilespmem:s2+$0xFFFFFF90] =	vst v6;
	v6 =	vmul.f32 $8.000000000e+00, v8  }
0x293: {  	[tilespmem:s2+$0xFFFFFFA0] =	vst v5;
	v0 =	vmul.f32 $8.000000000e+00, v0  }
0x294: {  	[tilespmem:s2+$0xFFFFFFB0] =	vst v6;
	v1 =	vmul.f32 $8.000000000e+00, v1  }
0x295: {  	[tilespmem:s2+$0xFFFFFFC0] =	vst v0;
	v61 =	vmul.f32 $8.000000000e+00, v2  }
0x296: {  	[tilespmem:s2+$0xFFFFFFD0] =	vst v1;
	v62 =	vmul.f32 $8.000000000e+00, v3  }
0x297: {  	v63 =	vmul.f32 $8.000000000e+00, v4;
	[tilespmem:s2+$0xFFFFFFE0] =	vst v61  }
0x298: {  	[tilespmem:s2+$0xFFFFFFF0] =	vst v62  }
0x299: {  	[tilespmem:s2+$0xFFFFFE10] =	vst v63  }
0x29a: {  	[hbm4b:s12+s24] =	stream.strided.scatter [tilespmem:s20], [sflag:$0x5], $0x3200, s15, s24, $0x38;
	[tilespmem:$0xFA00] =	vst v63  }
0x29b: {  	_ =	swait.ge [sflag:s0], $0x3200  }
0x29c: {  	[sflag:s0] =	ssyncset.done $0x0  }
0x29d: {  	s1 =	sadd.s32 $0x1, s1;
	[sflag:s0] =	ssyncadd.s32 $0xFFFFCE00  }
0x29e: {  	p0 =	sne.s32 s1, s13;
	_ =	swait.ge [sflag:s31], $0x3200  }
.Ltmp9:
0x29f: {  	[sflag:s31] =	ssyncset.done $0x0;
	(pc) =	sbr.rel @p0 .LBB2_1-.Ltmp9, $4  }
0x2a0: {  	[sflag:s31] =	ssyncadd.s32 $0xFFFFCE00  }
0x2a1: {  	_ =	swait.ge [sflag:s21], $0x3200  }
0x2a2: {  	[sflag:s21] =	ssyncset.done $0x0  }
0x2a3: {  	[sflag:s21] =	ssyncadd.s32 $0xFFFFCE00  }
0x2a4: {  	_ =	sfence.sel $0x180000  }
0x2a5: {  	[bflag:$0x0] =	sbarrier.arrive $0xFFFF  }
0x2a6: {  	_ =	strace $0x90000047  }
0x2a7: {  	s0 =	stileid.u32;
	[bflag:$0x2] =	sbarrier.arrive $0xFFFF  }
0x2a8: {  	p0 =	sne.s32 s0, $0x0;
	s0 =	rddreg [dreg:$0x2]  }
0x2a9: {  	s0 =	sadd.s32 @!p0 $0x100000, s0  }
0x2aa: {  	[sflag:s0] =	ssyncadd.tile.s32 @!p0 $0x1;
	_ =	shalt  }
.Lfunc_end2:
_tile_overlayer_lowered:
.L_overlay_start_2:
0x2ab: {  	(tag) =	ssettag $0x2  }
0x2ac: {  	s0 =	rddreg [dreg:$0x0];
	s2 =	stileid.u32  }
0x2ad: {  	s1 =	rddreg [dreg:$0x1];
	p0 =	sne.s32 s2, $0x0  }
0x2ae: {  	s3 =	rddreg [dreg:$0x2];
	[bflag:$0x3] =	sbarrier.arrive $0xFFFF;
	s2 =	simm.s32 @!p0 $0x1C07  }
0x2af: {  	[timem:s3], [sflag:s2] =	dma.local @!p0 [hbm:s0], s1  }
0x2b0: {  	s0 =	simm.s32 @!p0 $0x7  }
0x2b1: {  	_ =	swait.ge @!p0 [sflag:s0], s1  }
0x2b2: {  	s1 =	ssub.s32 @!p0 $0x0, s1;
	[sflag:s0] =	ssyncset.done @!p0 $0x0  }
0x2b3: {  	[sflag:s0] =	ssyncadd.s32 @!p0 s1  }
0x2b4: {  	[bflag:$0x3] =	sbarrier.arrive $0xFFFF  }
0x2b5: {  	_ =	shalt  }

// kernel: sparse-core-data-format-call.cloned.1.call-start
scs
called_computation_lowered:
.L_overlay_start_0:
0x0: {  	s2 =	sld [smem:$0x3FD9]  }
0x1: {  	s3 =	sld [smem:$0x3FFE];
	_ =	sdelay $0x1  }
0x2: {  	s1 =	srdreg.scid  }
0x3: {  	s0 =	sand.u32 $0x1, s1  }
0x4: {  	s18 =	sshll.u32 s0, $0xA;
	s2 =	sadd.s32 s3, s2  }
0x5: {  	s2 =	sadd.s32 s2, s18  }
0x6: {  	[smem:$0x3FC6] =	sst s2  }
0x7: {  	_ = 	snop  }
0x8: {  	s2 =	sld [smem:$0x3FD0];
	(tm) =	ssettm $0x1  }
0x9: {  	s19 =	sld [smem:$0x3FFB];
	_ =	sdelay $0x3  }
0xa: {  	_ =	strace s19  }
0xb: {  	s3 =	sld [smem:$0x3FFC];
	_ =	sdelay $0x3  }
0xc: {  	_ =	strace s3  }
0xd: {  	s3 =	sld [smem:$0x3FFD];
	_ =	sdelay $0x3  }
0xe: {  	_ =	strace s3  }
0xf: {  	_ =	strace $0x8FFFFFFF  }
0x10: {  	s20 =	sld [smem:$0x3FDB];
	_ =	sdelay $0x1  }
0x11: {  	s4 =	simm.s32 $_scs_section_size  }
0x12: {  	s5 =	simm.s32 $_size__tile_overlayer_lowered;
	s6 =	simm.s32 $_tile_overlayer_lowered  }
0x13: {  	s23 =	simm.s32 $0x1BFF;
	s22 =	sshll.u32 s6, $0x1;
	s3 =	sadd.s32 s4, s20  }
0x14: {  	s7 =	simm.s32 $0x0;
	s21 =	sshll.u32 s5, $0x1;
	s5 =	sadd.s32 s22, s3  }
0x15: {  	[timem:s7], [sflag:s23] =	dma.local [hbm:s5], s21  }
0x16: {  	_ =	swait.ge [sflag:s23], s21  }
0x17: {  	s4 =	ssub.s32 $0x0, s21;
	[sflag:s23] =	ssyncset.done $0x0  }
0x18: {  	[sflag:s23] =	ssyncadd.s32 s4;
	_ =	sdelay $0x1  }
0x19: {  	s24 =	simm.s32 $0x1B8B  }
0x1a: {  	_ =	swait.ge [sflag:s24], $0x1  }
0x1b: {  	[sflag:s24] =	ssyncset.done $0x0  }
0x1c: {  	s26 =	simm.s32 $0x1B8E;
	s25 =	sld [smem:$0x3FFE];
	[sflag:s24] =	ssyncadd.s32 $0xFFFFFFFF  }
0x1d: {  	s27 =	simm.s32 $execute0_lowered;
	[smem:$0x3FD2] =	sst s26  }
0x1e: {  	s5 =	sshll.u32 s27, $0x1;
	_ =	strace $0x80000049;
	[dreg:$0x1] =	wrdreg $0xFFFFFFFF  }
0x1f: {  	s28 =	simm.s32 $_size_execute0_lowered;
	s3 =	sadd.s32 s3, s5;
	[dreg:$0x0] =	wrdreg $0x0  }
0x20: {  	s5 =	sshll.u32 s28, $0x1;
	[dreg:$0x2] =	wrdreg s3  }
0x21: {  	[dreg:$0x3] =	wrdreg s5  }
0x22: {  	[dreg:$0x4] =	wrdreg $0xC0  }
0x23: {  	_ =	task [dreg:s7], $0x5FFFF  }
0x24: {  	[dreg:$0x1] =	wrdreg $0xFFFFFFFF  }
0x25: {  	[dreg:$0x0] =	wrdreg $0x60  }
0x26: {  	[dreg:$0x2] =	wrdreg s25  }
0x27: {  	[dreg:$0x3] =	wrdreg s2  }
0x28: {  	[dreg:$0x4] =	wrdreg $0x9  }
0x29: {  	_ =	task.clear_ibuf [dreg:s7], $0x5FFFF;
	_ =	strace $0x90000049  }
0x2a: {  	s29 =	simm.s32 $0x9;
	_ =	strace $0x8000004B  }
0x2b: {  	_ =	swait.ge [sflag:s29], $0x1  }
0x2c: {  	[sflag:s29] =	ssyncadd.s32 $0xFFFFFFFF  }
0x2d: {  	_ =	strace $0x9000004B  }
0x2e: {  	_ =	sfence  }
0x2f: {  	s30 =	sld [smem:$0x0];
	_ =	sdelay $0x2  }
0x30: {  	s31 =	sshll.u32 s1, $0xD;
	s1 =	sshrl.u32 s1, $0x2  }
0x31: {  	s3 =	sand.u32 $0x4000, s31;
	s1 =	sadd.s32 s1, s30  }
0x32: {  	s0 =	sor.u32 s3, s0;
	s1 =	sshll.u32 s1, $0x11  }
0x33: {  	s0 =	sor.u32 s1, s0  }
0x34: {  	s0 =	sadd.s32 $0x8F2B, s0  }
0x35: {  	[sflag:s0] =	ssyncadd.remote.s32 $0x1  }
0x36: {  	_ =	sfence.sel $0xFFFF  }
0x37: {  	[dreg:$0x0] =	wrdreg $0xFFFFFFFF;
	(pc) =	sbr.abs _section_cstart, $3  }
0x38: {  	[dreg:$0x1] =	wrdreg $0xFFFFFFFF  }
0x39: {  	_ =	task.clear_ibuf [dreg:s7], $0x2FFFF;
	_ =	strace $0x9FFFFFFF  }
0x3a: {  	(tm) =	ssettm $0x7FFFFFFF  }
0x3b: {  	_ =	shalt  }
tec
execute0_lowered:
.L_overlay_start_1:
0x0: {  	(tag) =	ssettag $0x1  }
0x1: {  	s0 =	srdreg.scid  }
0x2: {  	s1 =	sshll.u32 s0, $0x4  }
0x3: {  	s0 =	stileid.u32;
	s1 =	sand.u32 $0x10, s1  }
0x4: {  	s1 =	sor.u32 s0, s1  }
0x5: {  	s6 =	rddreg [dreg:$0x0];
	s4 =	simm.s32 $0x1;
	s2 =	sshll.u32 s1, $0x7  }
0x6: {  	s7 =	simm.s32 $0x2;
	s12 =	simm.s32 $0x0;
	s1 =	ssub.s32 $0x1000, s2  }
0x7: {  	s8 =	simm.s32 $0x8000;
	s13 =	simm.s32 $0x0;
	s3 =	sand.u32 $0xF80, s1  }
0x8: {  	s9 =	simm.s32 $0x0;
	s5 =	sshrl.u32 s1, $0xC;
	p0 =	sne.s32 s3, $0x0  }
.Ltmp0:
0x9: {  	s1 =	rddreg [dreg:$0x2];
	s4 =	simm.s32 @!p0 $0x0;
	(pc) =	sbr.rel .LBB1_1-.Ltmp0, $4  }
0xa: {  	s11 =	simm.s32 $0x0;
	s3 =	rddreg [dreg:$0x1];
	s5 =	sadd.s32 s4, s5  }
0xb: {  	_ =	strace $0x8000004A;
	s4 =	simm.s32 $0x1;
	s5 =	smul.u32 $0xC8, s5  }
0xc: {  	s6 =	sadd.s32 $0xA00, s6;
	s10 =	smov.u32 s2;
	[sflag:s4] =	ssyncpa.u1 $0x0  }
0xd: {  	p0 =	por $0x0, $0x0;
	[sflag:s7] =	ssyncpa.u1 $0x0;
	s7 =	sor.u32 $0x1, s5  }
.LBB1_4:
0xe: {  	s16 =	sshll.u32 s13, $0x3;
	s17 =	sand.u32 $0x78, s13  }
0xf: {  	s30 =	sand.u32 $0x7E00, s13;
	s12 =	sshll.u32 s12, $0xF;
	s16 =	sand.u32 $0xC00, s16  }
0x10: {  	[tilespmem:s15+$0x810 ss:$0x81] =	vst.msk $0xffff, v2;
	s31 =	sand.u32 $0x7, s13;
	s16 =	sor.u32 s17, s16;
	s17 =	sadd.s32 s3, s30  }
0x11: {  	[tilespmem:s15+$0x1020 ss:$0x81] =	vst.msk $0xffff, v0;
	s13 =	sshll.u32 s31, $0x12;
	s12 =	sadd.s32 s12, s17;
	s16 =	sshrl.u32 s16, $0x3  }
0x12: {  	[tilespmem:s15+$0x0 ss:$0x81] =	vst.msk $0xffff, v1;
	s13 =	sor.u32 $0x400, s13;
	s12 =	sadd.s32 s16, s12  }
0x13: {  	[hbm4b:s12+s13] =	stream.strided.scatter [tilespmem:s14], [sflag:$0x2], $0x2000, s8, s13, $0x20;
	[tilespmem:$0x8080] =	vst v63  }
.LBB1_5:
0x14: {  	s14 =	sadd.s32 $0x1, s9  }
0x15: {  	s12 =	sadd.s32 $0x1000, s10;
	s16 =	smov.u32 s10;
	p2 =	sgt.s32 s14, $0xC7  }
0x16: {  	s16 =	smov.u32 @p2 s12  }
0x17: {  	s14 =	simm.s32 @p2 $0x0;
	p2 =	sgt.s32 s16, $0xFFF  }
0x18: {  	s16 =	smov.u32 @p2 s2;
	p2 =	sne.s32 s11, s7  }
.Ltmp1:
0x19: {  	p1 =	slt.u32 s11, $0x2;
	(pc) =	sbr.rel @!p2 .LBB1_6-.Ltmp1, $4  }
0x1a: {  	s15 =	simm.s32 @!p1 $0x2  }
0x1b: {  	s13 =	smov.u32 s10;
	p0 =	por !p0, !p0;
	_ =	swait.ge @!p1 [sflag:s15], $0x2000  }
0x1c: {  	s12 =	smov.u32 s9;
	[sflag:s15] =	ssyncset.done @!p1 $0x0;
	s9 =	smov.u32 s14  }
0x1d: {  	s11 =	sadd.s32 $0x1, s11;
	[sflag:s15] =	ssyncadd.s32 @!p1 $0xFFFFE000;
	s10 =	smov.u32 s16  }
.LBB1_1:
0x1e: {  	p1 =	sge.u32 s11, s5  }
0x1f: {  	s14 =	sand.u32 @!p1 $0x1FFFFFF, s9  }
0x20: {  	s15 =	smulhi.u32 @!p1 $0x147AE15, s14;
	_ =	sdelay $0x1  }
0x21: {  	s15 =	smul.u32 @!p1 $0xC8, s15  }
0x22: {  	s16 =	sxor.u32 @!p1 $0xFFFFFFFF, s11;
	s17 =	smul.u32 @!p1 $0xC80, s10  }
0x23: {  	s31 =	sadd.s32 $0xFFFFFFFF, s11;
	s16 =	sshll.u32 @!p1 s16, $0xD;
	s14 =	ssub.s32 @!p1 s14, s15  }
0x24: {  	s15 =	sand.u32 @!p1 $0x2000, s16;
	s16 =	sadd.s32 @!p1 s6, s17;
	s14 =	sshll.u32 @!p1 s14, $0x4  }
0x25: {  	s17 =	simm.s32 @!p1 $0x6400;
	s14 =	sadd.s32 @!p1 s14, s16;
	s16 =	simm.s32 @!p1 $0x40  }
0x26: {  	[tilespmem:s15], [sflag:$0x1] =	stream.strided.gather @!p1 [hbm4b:s14+s16], $0x2000, s17, s16, $0x38;
	[tilespmem:$0x8080] =	vst v63  }
0x27: {  	p1 =	sge.u32 s31, s5  }
.Ltmp2:
0x28: {  	_ = 	snop;
	(pc) =	sbr.rel @p1 .LBB1_5-.Ltmp2, $1  }
0x29: {  	_ =	sdelay $0x3  }
0x2a: {  	s14 =	simm.s32 $0x1  }
0x2b: {  	_ =	swait.ge [sflag:s4], $0x2000;
	s14 =	simm.s32 @!p0 $0x0  }
0x2c: {  	[sflag:s4] =	ssyncset.done $0x0;
	s15 =	sshll.u32 s14, $0xD  }
0x2d: {  	[sflag:s4] =	ssyncadd.s32 $0xFFFFE000;
	s18 =	sor.u32 $0x20, s15  }
0x2e: {  	s14 =	smul.u32 $0x8100, s14;
	v3 =	vld [tilespmem:s18+$0x10]  }
0x2f: {  	s30 =	sand.u32 $0x1, s11;
	v2 =	vld [tilespmem:s18+$0xFFFFFFF0]  }
0x30: {  	s15 =	smul.u32 $0x8100, s30;
	s14 =	sshrl.u32 s14, $0x2;
	v0 =	vld [tilespmem:s18+$0x0]  }
0x31: {  	v1 =	vld [tilespmem:s18+$0xFFFFFFE0];
	s16 =	sor.u32 $0x4000, s14  }
0x32: {  	s31 =	sshrl.u32 s15, $0x2;
	s15 =	sadd.s32 $0x0, s16  }
0x33: {  	s17 =	simm.s32 $0x4;
	s18 =	sadd.s32 $0x40, s18;
	s14 =	sor.u32 $0x4000, s31;
	[tilespmem:s15+$0x1830 ss:$0x81] =	vst.msk $0xffff, v3  }
.LBB1_3:
0x34: {  	v3 =	vld [tilespmem:s18+$0x10];
	p1 =	sne.s32 s17, $0x1FC;
	[tilespmem:s15+$0x810 ss:$0x81] =	vst.msk $0xffff, v2;
	s19 =	smov.u32 s17;
	s17 =	sadd.s32 $0x4, s17  }
.Ltmp3:
0x35: {  	v2 =	vld [tilespmem:s18+$0xFFFFFFF0];
	[tilespmem:s15+$0x1020 ss:$0x81] =	vst.msk $0xffff, v0;
	(pc) =	sbr.rel @p1 .LBB1_3-.Ltmp3, $4  }
0x36: {  	v0 =	vld [tilespmem:s18+$0x0];
	[tilespmem:s15+$0x0 ss:$0x81] =	vst.msk $0xffff, v1  }
0x37: {  	s15 =	sshra.s32 s19, $0x2;
	v1 =	vld [tilespmem:s18+$0xFFFFFFE0]  }
0x38: {  	s15 =	sadd.s32 s15, s16  }
0x39: {  	s18 =	sadd.s32 $0x40, s18;
	[tilespmem:s15+$0x1830 ss:$0x81] =	vst.msk $0xffff, v3  }
.Ltmp4:
0x3a: {  	_ = 	snop;
	(pc) =	sbr.rel .LBB1_4-.Ltmp4, $1  }
0x3b: {  	_ =	sdelay $0x3  }
.LBB1_6:
0x3c: {  	_ =	sfence.sel $0x180000  }
0x3d: {  	s2 =	simm.s32 $0x1;
	[bflag:$0x0] =	sbarrier.arrive $0xFFFF  }
0x3e: {  	s31 =	simm.s32 $0x2;
	[sflag:s2] =	ssyncpa.u1 $0x1  }
0x3f: {  	[sflag:s31] =	ssyncpa.u1 $0x1  }
0x40: {  	p0 =	sne.s32 s0, $0x0;
	_ =	strace $0x9000004A  }
0x41: {  	s0 =	sadd.s32 @!p0 $0x100000, s1;
	[bflag:$0x2] =	sbarrier.arrive $0xFFFF  }
0x42: {  	[sflag:s0] =	ssyncadd.tile.s32 @!p0 $0x1;
	_ =	shalt  }
.Lfunc_end1:
_tile_overlayer_lowered:
.L_overlay_start_2:
0x43: {  	(tag) =	ssettag $0x2  }
0x44: {  	s0 =	rddreg [dreg:$0x0];
	s2 =	stileid.u32  }
0x45: {  	s1 =	rddreg [dreg:$0x1];
	p0 =	sne.s32 s2, $0x0  }
0x46: {  	s3 =	rddreg [dreg:$0x2];
	[bflag:$0x3] =	sbarrier.arrive $0xFFFF;
	s2 =	simm.s32 @!p0 $0x1C01  }
0x47: {  	[timem:s3], [sflag:s2] =	dma.local @!p0 [hbm:s0], s1  }
0x48: {  	s0 =	simm.s32 @!p0 $0x1  }
0x49: {  	_ =	swait.ge @!p0 [sflag:s0], s1  }
0x4a: {  	s1 =	ssub.s32 @!p0 $0x0, s1;
	[sflag:s0] =	ssyncset.done @!p0 $0x0  }
0x4b: {  	[sflag:s0] =	ssyncadd.s32 @!p0 s1  }
0x4c: {  	[bflag:$0x3] =	sbarrier.arrive $0xFFFF  }
0x4d: {  	_ =	shalt  }

</sc_bundles>
